<compile_context>
chip_gen: v7x
topology: tpu7x:2x2x1
jax: 0.10.2.dev20260603
libtpu: 0.0.44.dev20260713+nightly
codegen_flags: <defaults>
</compile_context>

<pallas_src>
import functools

import jax
import jax.numpy as jnp
from jax import lax
from jax.experimental import pallas as pl
from jax.experimental.pallas import tpu as pltpu
from jax.experimental.pallas import tpu_sc as plsc

N = 500000
F = 64
B = 16384
NC, NS = 2, 16
NW = NC * NS
CR = 15616
CL = N - (NW - 1) * CR
RCH = CR // 16
LCH = CL // 16
BCH = B // 16
NPF = CR // 128
NPL = 125
WMAX = 15904
MAXI = 0x7FFFFFFF


def _body(dsc_hbm, loss_hbm, idx_hbm,
          rank_out, desc_out,
          idx_v, loss_v, winner_v, rank_v, wpack_v, pcnt_v, flag16,
          pza, pzb, gba, gbb,
          sem_pa, sem_pb, sem_ga, sem_gb):
    wid = lax.axis_index("s") * NC + lax.axis_index("c")
    base = wid * CR
    lastw = wid == NW - 1
    lanes = lax.iota(jnp.int32, 16)
    zvec = jnp.zeros((16,), jnp.float32)
    zivec = jnp.zeros((16,), jnp.int32)
    creff = jnp.where(lastw, CL, CR)
    nch = jnp.where(lastw, LCH, RCH)
    np_ = jnp.where(lastw, NPL, NPF)

    pltpu.sync_copy(idx_hbm, idx_v)
    pltpu.sync_copy(loss_hbm, loss_v)

    neg1 = jnp.full((16,), -1, jnp.int32)

    def initb(i, c):
        winner_v[pl.ds(i * 16, 16)] = neg1
        return c
    lax.fori_loop(0, nch, initb, 0)
    for i in range(10):
        pcnt_v[pl.ds(i * 16, 16)] = zivec

    def p1(c, carry):
        iv = idx_v[pl.ds(c * 16, 16)]
        local = iv - base
        inr = (local >= 0) & (local < creff)
        j = c * 16 + lanes
        key = jnp.where(inr, local * 16 + lanes, MAXI)
        sk, sv = plsc.sort_key_val(key, lanes)
        flag16[...] = sk
        nxt = plsc.load_gather(flag16, [jnp.minimum(lanes + 1, 15)])
        lastrun = ((sk >> 4) != (nxt >> 4)) | (lanes == 15)
        plsc.store_scatter(flag16, [sv], lastrun.astype(jnp.int32))
        keep = inr & (flag16[...] == 1)
        plsc.store_scatter(winner_v, [jnp.where(keep, local, 0)], j, mask=keep)
        return carry
    lax.fori_loop(0, BCH, p1, 0)

    def p2a(r, cnt):
        col16 = r * 16 + lanes
        w = winner_v[pl.ds(r * 16, 16)]
        m = w >= 0
        wc = jnp.where(m, w, 0)
        lg = plsc.load_gather(loss_v, [wc])
        rank_v[pl.ds(r * 16, 16)] = jnp.where(
            m, lg * jnp.float32(0.5), jnp.float32(0.0))
        mi = m.astype(jnp.int32)
        pos = cnt + plsc.cumsum(mi) - 1
        posc = jnp.where(m, pos, 0)
        plsc.store_scatter(wpack_v, [posc], col16 * 16384 + w, mask=m)
        csum = jnp.sum(mi)
        pidx = jnp.where(lanes == 0, r >> 3, 128 + lanes)
        plsc.addupdate_scatter(
            pcnt_v, [pidx], jnp.where(lanes == 0, csum, 0))
        return cnt + csum
    lax.fori_loop(0, nch, p2a, jnp.int32(0))

    @pl.when(lastw)
    def _():
        pltpu.sync_copy(rank_v.at[pl.ds(0, CL)],
                        rank_out.at[pl.ds(base, CL)])

    @pl.when(jnp.logical_not(lastw))
    def _():
        pltpu.sync_copy(rank_v.at[pl.ds(0, CR)],
                        rank_out.at[pl.ds(base, CR)])

    def _pick(vec, lane_dyn):
        return jnp.sum(jnp.where(lanes == lane_dyn, vec, 0))

    def _wchunk(t):
        off = pl.multiple_of((t >> 4) << 4, 16)
        return wpack_v[pl.ds(off, 16)]

    def gfire_range(lo, hi, gbuf, sem_g):
        def gfire(t, c):
            pk = _pick(_wchunk(t), t & 15)
            j = pk & 16383
            pltpu.make_async_copy(dsc_hbm.at[pl.ds(j, 1), :],
                                  gbuf.at[pl.ds(t - lo, 1), :], sem_g).start()
            return c
        lax.fori_loop(lo, hi, gfire, 0)

    def do_piece(p, lo, hi, lo2, hi2, buf, gbuf, sem_p, sem_g):
        @pl.when(p < 2)
        def _():
            def zb(i, c):
                for cc in range(8):
                    buf[i, pl.ds(cc * 16, 16)] = zvec
                return c
            lax.fori_loop(0, F, zb, 0)

        @pl.when(p >= 2)
        def _():
            pltpu.make_async_copy(
                buf, desc_out.at[:, pl.ds(0, 128)], sem_p).wait()

            def rz(t, c):
                pk = _pick(_wchunk(t), t & 15)
                c2 = (pk >> 14) - (p - 2) * 128
                cvec = lanes * 0 + c2
                for g in range(4):
                    plsc.store_scatter(buf, [g * 16 + lanes, cvec], zvec)
                return c
            lax.fori_loop(lo2, hi2, rz, 0)

        def gdrain(t, c):
            pltpu.make_async_copy(dsc_hbm.at[pl.ds(0, 1), :],
                                  gbuf.at[pl.ds(0, 1), :], sem_g).wait()
            return c
        lax.fori_loop(lo, hi, gdrain, 0)

        def wapply(t, c):
            pk = _pick(_wchunk(t), t & 15)
            cp = (pk >> 14) - p * 128
            cvec = lanes * 0 + cp
            slot = t - lo
            for g in range(4):
                v = gbuf[slot, pl.ds(g * 16, 16)] * jnp.float32(0.1)
                plsc.store_scatter(buf, [g * 16 + lanes, cvec], v)
            return c
        lax.fori_loop(lo, hi, wapply, 0)

        pltpu.make_async_copy(
            buf, desc_out.at[:, pl.ds(base + p * 128, 128)], sem_p).start()

    def _pcnt(p):
        pc = pcnt_v[pl.ds(pl.multiple_of((p >> 4) << 4, 16), 16)]
        return _pick(pc, p & 15)

    def piece_loop(p, carry):
        lo, hi, loa, hia, lob, hib = carry
        hi_n = hi + jnp.where(p + 1 < np_, _pcnt(p + 1), 0)
        even = p % 2 == 0

        @pl.when(jnp.logical_not(even))
        def _():
            gfire_range(hi, hi_n, gba, sem_ga)

        @pl.when(even)
        def _():
            gfire_range(hi, hi_n, gbb, sem_gb)

        @pl.when(even)
        def _():
            do_piece(p, lo, hi, loa, hia, pza, gba, sem_pa, sem_ga)

        @pl.when(jnp.logical_not(even))
        def _():
            do_piece(p, lo, hi, lob, hib, pzb, gbb, sem_pb, sem_gb)

        loa2 = jnp.where(even, lo, loa)
        hia2 = jnp.where(even, hi, hia)
        lob2 = jnp.where(even, lob, lo)
        hib2 = jnp.where(even, hib, hi)
        return (hi, hi_n, loa2, hia2, lob2, hib2)

    z = jnp.int32(0)
    hi0 = _pcnt(z)
    gfire_range(z, hi0, gba, sem_ga)
    lax.fori_loop(0, np_, piece_loop, (z, hi0, z, z, z, z))

    pltpu.make_async_copy(pza, desc_out.at[:, pl.ds(0, 128)], sem_pa).wait()
    pltpu.make_async_copy(pzb, desc_out.at[:, pl.ds(0, 128)], sem_pb).wait()


_mesh = plsc.VectorSubcoreMesh(core_axis_name="c", subcore_axis_name="s")

_sc_update = functools.partial(
    pl.kernel,
    out_type=(jax.ShapeDtypeStruct((N,), jnp.float32),
              jax.ShapeDtypeStruct((F, N), jnp.float32)),
    mesh=_mesh,
    compiler_params=pltpu.CompilerParams(needs_layout_passes=False),
    scratch_types=[
        pltpu.VMEM((B,), jnp.int32),
        pltpu.VMEM((B,), jnp.float32),
        pltpu.VMEM((WMAX,), jnp.int32),
        pltpu.VMEM((WMAX,), jnp.float32),
        pltpu.VMEM((WMAX,), jnp.int32),
        pltpu.VMEM((160,), jnp.int32),
        pltpu.VMEM((16,), jnp.int32),
        pltpu.VMEM((F, 128), jnp.float32),
        pltpu.VMEM((F, 128), jnp.float32),
        pltpu.VMEM((128, F), jnp.float32),
        pltpu.VMEM((128, F), jnp.float32),
        pltpu.SemaphoreType.DMA,
        pltpu.SemaphoreType.DMA,
        pltpu.SemaphoreType.DMA,
        pltpu.SemaphoreType.DMA,
    ],
)(_body)


def kernel(desc_table, rank, descriptors, loss, idx):
    rank_new, desc_t = _sc_update(descriptors, loss, idx)
    return (rank_new, desc_t.T)

# --- scband reference (transcript-rebuilt; emitter-appended) ---
"""Pipeline reference for scband-memory-64476049048098 (READ-ONLY COPY).

The authoritative reference and input builder live on the scoring server;
editing this copy changes nothing except your own understanding.
"""

import jax, jax.numpy as jnp
import numpy as np

N = 500000
F = 64
B = 16384
MOMENTUM = 0.9


def setup_inputs(seed: int = 0) -> dict:
    key = jax.random.key(seed)
    k1, k2, k3 = jax.random.split(key, 3)
    idx = jax.random.randint(k1, (B,), 0, N, dtype=jnp.int32)
    descriptors = jax.random.normal(k2, (B, F), dtype=jnp.float32)
    loss = jax.random.uniform(k3, (B,), dtype=jnp.float32)
    # learned/persistent state of the Memory module
    desc_table = jnp.zeros((N, F), dtype=jnp.float32)
    rank = jnp.zeros((N,), dtype=jnp.float32)
    return {
        'desc_table': desc_table,
        'rank': rank,
        'descriptors': descriptors,
        'loss': loss,
        'idx': idx,
    }


def _moving(x, y, momentum):
    return x * momentum + (1.0 - momentum) * y


def reference(desc_table, rank, descriptors, loss, idx):
    # Memory.update(idx, descriptors, loss)
    rank = rank * 0.999
    new_rank_vals = _moving(rank[idx], loss, 0.5)
    rank = rank.at[idx].set(new_rank_vals)
    new_desc_vals = _moving(desc_table[idx], descriptors, MOMENTUM)
    desc_table = desc_table.at[idx].set(new_desc_vals)
    return (rank, desc_table)

if __name__ == "__main__":
    import jax
    _d = setup_inputs()
    print(jax.jit(kernel)(*tuple(_d.values())))

</pallas_src>

<mosaic_0001>
#map = affine_map<(d0, d1) -> (0, 0)>
#map1 = affine_map<(d0, d1) -> (0)>
module attributes {stable_mosaic.version = 14 : i64} {
  func.func @_body(%arg0: i32, %arg1: i32, %arg2: memref<16384x64xf32, #tpu.memory_space<hbm>>, %arg3: memref<16384xf32, #tpu.memory_space<hbm>>, %arg4: memref<16384xi32, #tpu.memory_space<hbm>>, %arg5: memref<500000xf32, #tpu.memory_space<hbm>>, %arg6: memref<64x500000xf32, #tpu.memory_space<hbm>>, %arg7: memref<16384xi32, #tpu.memory_space<vmem>>, %arg8: memref<16384xf32, #tpu.memory_space<vmem>>, %arg9: memref<15904xi32, #tpu.memory_space<vmem>>, %arg10: memref<15904xf32, #tpu.memory_space<vmem>>, %arg11: memref<15904xi32, #tpu.memory_space<vmem>>, %arg12: memref<160xi32, #tpu.memory_space<vmem>>, %arg13: memref<16xi32, #tpu.memory_space<vmem>>, %arg14: memref<64x128xf32, #tpu.memory_space<vmem>>, %arg15: memref<64x128xf32, #tpu.memory_space<vmem>>, %arg16: memref<128x64xf32, #tpu.memory_space<vmem>>, %arg17: memref<128x64xf32, #tpu.memory_space<vmem>>, %arg18: memref<!tpu.dma_semaphore, #tpu.memory_space<semaphore_mem>>, %arg19: memref<!tpu.dma_semaphore, #tpu.memory_space<semaphore_mem>>, %arg20: memref<!tpu.dma_semaphore, #tpu.memory_space<semaphore_mem>>, %arg21: memref<!tpu.dma_semaphore, #tpu.memory_space<semaphore_mem>>) attributes {dimension_semantics = [#tpu.dimension_semantics<core_parallel>, #tpu.dimension_semantics<subcore_parallel>], iteration_bounds = array<i64: 2, 16>, scalar_prefetch = 0 : i64, scratch_operands = 15 : i64, tpu.core_type = #tpu.core_type<sc_vector_subcore>, window_params = [{transform_indices = #map}, {transform_indices = #map1}, {transform_indices = #map1}, {transform_indices = #map1}, {transform_indices = #map}]} {
    %mul3A = arith.constant 2 : i32
    %mul3A_0 = arith.muli %arg1, %mul3A : i32
    %add3A = arith.addi %mul3A_0, %arg0 : i32
    %mul3A_1 = arith.constant 15616 : i32
    %mul3A_2 = arith.muli %add3A, %mul3A_1 : i32
    %eq3A = arith.constant 31 : i32
    %eq3A_3 = arith.cmpi eq, %add3A, %eq3A : i32
    %iota3A = tpu.iota {dimensions = array<i32: 0>} : vector<16xi32>
    %broadcast_in_dim3A = arith.constant 0.000000e+00 : f32
    %broadcast_in_dim3A_4 = vector.broadcast %broadcast_in_dim3A : f32 to vector<16xf32>
    %broadcast_in_dim3A_5 = arith.constant 0 : i32
    %broadcast_in_dim3A_6 = vector.broadcast %broadcast_in_dim3A_5 : i32 to vector<16xi32>
    %jit3A = arith.constant 15904 : i32
    %jit3A_7 = arith.constant 15616 : i32
    %select_n3A = arith.select %eq3A_3, %jit3A, %jit3A_7 : i32
    %jit3A_8 = arith.constant 994 : i32
    %jit3A_9 = arith.constant 976 : i32
    %select_n3A_10 = arith.select %eq3A_3, %jit3A_8, %jit3A_9 : i32
    %jit3A_11 = arith.constant 125 : i32
    %jit3A_12 = arith.constant 122 : i32
    %select_n3A_13 = arith.select %eq3A_3, %jit3A_11, %jit3A_12 : i32
    "tpu.region"() ({
      %run_scoped3A = tpu.sem_alloc : memref<!tpu.dma_semaphore, #tpu.memory_space<semaphore_mem>>
      tpu.enqueue_dma source(%arg4 : memref<16384xi32, #tpu.memory_space<hbm>>) target(%arg7 : memref<16384xi32, #tpu.memory_space<vmem>>) target_semaphore(%run_scoped3A : memref<!tpu.dma_semaphore, #tpu.memory_space<semaphore_mem>>)
      tpu.wait_dma2 semaphore(%run_scoped3A : memref<!tpu.dma_semaphore, #tpu.memory_space<semaphore_mem>>) src(%arg4 : memref<16384xi32, #tpu.memory_space<hbm>>) dst(%arg7 : memref<16384xi32, #tpu.memory_space<vmem>>)
      tpu.yield
    }) : () -> ()
    "tpu.region"() ({
      %run_scoped3A = tpu.sem_alloc : memref<!tpu.dma_semaphore, #tpu.memory_space<semaphore_mem>>
      tpu.enqueue_dma source(%arg3 : memref<16384xf32, #tpu.memory_space<hbm>>) target(%arg8 : memref<16384xf32, #tpu.memory_space<vmem>>) target_semaphore(%run_scoped3A : memref<!tpu.dma_semaphore, #tpu.memory_space<semaphore_mem>>)
      tpu.wait_dma2 semaphore(%run_scoped3A : memref<!tpu.dma_semaphore, #tpu.memory_space<semaphore_mem>>) src(%arg3 : memref<16384xf32, #tpu.memory_space<hbm>>) dst(%arg8 : memref<16384xf32, #tpu.memory_space<vmem>>)
      tpu.yield
    }) : () -> ()
    %broadcast_in_dim3A_14 = arith.constant -1 : i32
    %broadcast_in_dim3A_15 = vector.broadcast %broadcast_in_dim3A_14 : i32 to vector<16xi32>
    %while3A = arith.constant 0 : i32
    %while3A_16 = arith.constant 0 : i32
    %while3A_17 = arith.subi %select_n3A_10, %while3A_16 : i32
    %while3A_18 = arith.addi %while3A_16, %while3A_17 : i32
    %while3A_19 = arith.constant 1 : i32
    %while3A_20 = arith.divsi %while3A_17, %while3A_19 : i32
    %while3A_21 = arith.muli %while3A_20, %while3A_19 : i32
    %while3A_22 = arith.addi %while3A_16, %while3A_21 : i32
    %while3A_23 = arith.constant 1 : i32
    scf.for %while3A_118 = %while3A_16 to %while3A_22 step %while3A_23  : i32 {
      %mul3A_119 = arith.constant 16 : i32
      %mul3A_120 = arith.muli %while3A_118, %mul3A_119 : i32
      %swap3A_121 = arith.index_cast %mul3A_120 : i32 to index
      %swap3A_122 = tpu.vector_load %arg9[%swap3A_121] {strides = array<i32>} : memref<15904xi32, #tpu.memory_space<vmem>>, vector<16xi32>,
      tpu.vector_store %arg9[%swap3A_121], %broadcast_in_dim3A_15 {strides = array<i32>} : memref<15904xi32, #tpu.memory_space<vmem>>, vector<16xi32>,
    }
    %while3A_24 = arith.constant 1 : i32
    scf.for %while3A_118 = %while3A_22 to %while3A_18 step %while3A_24  : i32 {
      %mul3A_119 = arith.constant 16 : i32
      %mul3A_120 = arith.muli %while3A_118, %mul3A_119 : i32
      %swap3A_121 = arith.index_cast %mul3A_120 : i32 to index
      %swap3A_122 = tpu.vector_load %arg9[%swap3A_121] {strides = array<i32>} : memref<15904xi32, #tpu.memory_space<vmem>>, vector<16xi32>,
      tpu.vector_store %arg9[%swap3A_121], %broadcast_in_dim3A_15 {strides = array<i32>} : memref<15904xi32, #tpu.memory_space<vmem>>, vector<16xi32>,
    }
    %swap3A = arith.constant 0 : index
    %swap3A_25 = tpu.vector_load %arg12[%swap3A] {strides = array<i32>} : memref<160xi32, #tpu.memory_space<vmem>>, vector<16xi32>,
    tpu.vector_store %arg12[%swap3A], %broadcast_in_dim3A_6 {strides = array<i32>} : memref<160xi32, #tpu.memory_space<vmem>>, vector<16xi32>,
    %swap3A_26 = arith.constant 16 : index
    %swap3A_27 = tpu.vector_load %arg12[%swap3A_26] {strides = array<i32>} : memref<160xi32, #tpu.memory_space<vmem>>, vector<16xi32>,
    tpu.vector_store %arg12[%swap3A_26], %broadcast_in_dim3A_6 {strides = array<i32>} : memref<160xi32, #tpu.memory_space<vmem>>, vector<16xi32>,
    %swap3A_28 = arith.constant 32 : index
    %swap3A_29 = tpu.vector_load %arg12[%swap3A_28] {strides = array<i32>} : memref<160xi32, #tpu.memory_space<vmem>>, vector<16xi32>,
    tpu.vector_store %arg12[%swap3A_28], %broadcast_in_dim3A_6 {strides = array<i32>} : memref<160xi32, #tpu.memory_space<vmem>>, vector<16xi32>,
    %swap3A_30 = arith.constant 48 : index
    %swap3A_31 = tpu.vector_load %arg12[%swap3A_30] {strides = array<i32>} : memref<160xi32, #tpu.memory_space<vmem>>, vector<16xi32>,
    tpu.vector_store %arg12[%swap3A_30], %broadcast_in_dim3A_6 {strides = array<i32>} : memref<160xi32, #tpu.memory_space<vmem>>, vector<16xi32>,
    %swap3A_32 = arith.constant 64 : index
    %swap3A_33 = tpu.vector_load %arg12[%swap3A_32] {strides = array<i32>} : memref<160xi32, #tpu.memory_space<vmem>>, vector<16xi32>,
    tpu.vector_store %arg12[%swap3A_32], %broadcast_in_dim3A_6 {strides = array<i32>} : memref<160xi32, #tpu.memory_space<vmem>>, vector<16xi32>,
    %swap3A_34 = arith.constant 80 : index
    %swap3A_35 = tpu.vector_load %arg12[%swap3A_34] {strides = array<i32>} : memref<160xi32, #tpu.memory_space<vmem>>, vector<16xi32>,
    tpu.vector_store %arg12[%swap3A_34], %broadcast_in_dim3A_6 {strides = array<i32>} : memref<160xi32, #tpu.memory_space<vmem>>, vector<16xi32>,
    %swap3A_36 = arith.constant 96 : index
    %swap3A_37 = tpu.vector_load %arg12[%swap3A_36] {strides = array<i32>} : memref<160xi32, #tpu.memory_space<vmem>>, vector<16xi32>,
    tpu.vector_store %arg12[%swap3A_36], %broadcast_in_dim3A_6 {strides = array<i32>} : memref<160xi32, #tpu.memory_space<vmem>>, vector<16xi32>,
    %swap3A_38 = arith.constant 112 : index
    %swap3A_39 = tpu.vector_load %arg12[%swap3A_38] {strides = array<i32>} : memref<160xi32, #tpu.memory_space<vmem>>, vector<16xi32>,
    tpu.vector_store %arg12[%swap3A_38], %broadcast_in_dim3A_6 {strides = array<i32>} : memref<160xi32, #tpu.memory_space<vmem>>, vector<16xi32>,
    %swap3A_40 = arith.constant 128 : index
    %swap3A_41 = tpu.vector_load %arg12[%swap3A_40] {strides = array<i32>} : memref<160xi32, #tpu.memory_space<vmem>>, vector<16xi32>,
    tpu.vector_store %arg12[%swap3A_40], %broadcast_in_dim3A_6 {strides = array<i32>} : memref<160xi32, #tpu.memory_space<vmem>>, vector<16xi32>,
    %swap3A_42 = arith.constant 144 : index
    %swap3A_43 = tpu.vector_load %arg12[%swap3A_42] {strides = array<i32>} : memref<160xi32, #tpu.memory_space<vmem>>, vector<16xi32>,
    tpu.vector_store %arg12[%swap3A_42], %broadcast_in_dim3A_6 {strides = array<i32>} : memref<160xi32, #tpu.memory_space<vmem>>, vector<16xi32>,
    %scan3A = arith.constant 0 : i32
    %scan3A_44 = arith.constant 0 : i32
    %scan3A_45 = arith.constant 1024 : i32
    %scan3A_46 = arith.addi %scan3A_44, %scan3A_45 : i32
    %scan3A_47 = arith.constant 1 : i32
    scf.for %scan3A_118 = %scan3A_44 to %scan3A_46 step %scan3A_47  : i32 {
      %mul3A_119 = arith.constant 16 : i32
      %mul3A_120 = arith.muli %scan3A_118, %mul3A_119 : i32
      %get3A_121 = arith.index_cast %mul3A_120 : i32 to index
      %get3A_122 = tpu.vector_load %arg7[%get3A_121] {strides = array<i32>} : memref<16384xi32, #tpu.memory_space<vmem>>, vector<16xi32>,
      %sub3A = vector.broadcast %mul3A_2 : i32 to vector<16xi32>
      %sub3A_123 = arith.subi %get3A_122, %sub3A : vector<16xi32>
      %ge3A = arith.constant 0 : i32
      %ge3A_124 = vector.broadcast %ge3A : i32 to vector<16xi32>
      %ge3A_125 = arith.cmpi sge, %sub3A_123, %ge3A_124 : vector<16xi32>
      %lt3A = vector.broadcast %select_n3A : i32 to vector<16xi32>
      %lt3A_126 = arith.cmpi slt, %sub3A_123, %lt3A : vector<16xi32>
      %and3A_127 = arith.andi %ge3A_125, %lt3A_126 : vector<16xi1>
      %mul3A_128 = arith.constant 16 : i32
      %mul3A_129 = arith.muli %scan3A_118, %mul3A_128 : i32
      %add3A_130 = vector.broadcast %mul3A_129 : i32 to vector<16xi32>
      %add3A_131 = arith.addi %add3A_130, %iota3A : vector<16xi32>
      %mul3A_132 = arith.constant 16 : i32
      %mul3A_133 = vector.broadcast %mul3A_132 : i32 to vector<16xi32>
      %mul3A_134 = arith.muli %sub3A_123, %mul3A_133 : vector<16xi32>
      %add3A_135 = arith.addi %mul3A_134, %iota3A : vector<16xi32>
      %jit3A_136 = arith.constant 2147483647 : i32
      %broadcast_in_dim3A_137 = vector.broadcast %jit3A_136 : i32 to vector<16xi32>
      %select_n3A_138 = arith.select %and3A_127, %add3A_135, %broadcast_in_dim3A_137 : vector<16xi1>, vector<16xi32>
      %masked_sort3A = arith.constant dense<true> : vector<16xi1>
      %masked_sort3A_139 = arith.constant -2147483648 : i32
      %masked_sort3A_140 = vector.broadcast %masked_sort3A_139 : i32 to vector<16xi32>
      %masked_sort3A_141 = arith.xori %select_n3A_138, %masked_sort3A_140 : vector<16xi32>
      %masked_sort3A_142, %masked_sort3A_143, %masked_sort3A_144 = tpu.sort %masked_sort3A_141, %iota3A masked %masked_sort3A : (vector<16xi32>, vector<16xi32>, vector<16xi1>) -> (vector<16xi1>, vector<16xi32>, vector<16xi32>)
      %masked_sort3A_145 = arith.xori %masked_sort3A_143, %masked_sort3A_140 : vector<16xi32>
      %swap3A_146 = arith.constant 0 : index
      %swap3A_147 = tpu.vector_load %arg13[%swap3A_146] {strides = array<i32>} : memref<16xi32, #tpu.memory_space<vmem>>, vector<16xi32>,
      tpu.vector_store %arg13[%swap3A_146], %masked_sort3A_145 {strides = array<i32>} : memref<16xi32, #tpu.memory_space<vmem>>, vector<16xi32>,
      %add3A_148 = arith.constant 1 : i32
      %add3A_149 = vector.broadcast %add3A_148 : i32 to vector<16xi32>
      %add3A_150 = arith.addi %iota3A, %add3A_149 : vector<16xi32>
      %min3A = arith.constant 15 : i32
      %min3A_151 = vector.broadcast %min3A : i32 to vector<16xi32>
      %min3A_152 = arith.minsi %add3A_150, %min3A_151 : vector<16xi32>
      %gather3A = tpu.vector_load_idx %arg13[%min3A_152] : memref<16xi32, #tpu.memory_space<vmem>>[vector<16xi32>], vector<16xi32>,
      %shift_right_arithmetic3A_153 = arith.constant 4 : i32
      %shift_right_arithmetic3A_154 = vector.broadcast %shift_right_arithmetic3A_153 : i32 to vector<16xi32>
      %shift_right_arithmetic3A_155 = arith.shrsi %masked_sort3A_145, %shift_right_arithmetic3A_154 : vector<16xi32>
      %shift_right_arithmetic3A_156 = arith.constant 4 : i32
      %shift_right_arithmetic3A_157 = vector.broadcast %shift_right_arithmetic3A_156 : i32 to vector<16xi32>
      %shift_right_arithmetic3A_158 = arith.shrsi %gather3A, %shift_right_arithmetic3A_157 : vector<16xi32>
      %ne3A = arith.cmpi ne, %shift_right_arithmetic3A_155, %shift_right_arithmetic3A_158 : vector<16xi32>
      %eq3A_159 = arith.constant 15 : i32
      %eq3A_160 = vector.broadcast %eq3A_159 : i32 to vector<16xi32>
      %eq3A_161 = arith.cmpi eq, %iota3A, %eq3A_160 : vector<16xi32>
      %or3A = arith.ori %ne3A, %eq3A_161 : vector<16xi1>
      %convert_element_type3A_162 = arith.extui %or3A : vector<16xi1> to vector<16xi32>
      tpu.vector_store_idx %arg13[%masked_sort3A_144], %convert_element_type3A_162 : memref<16xi32, #tpu.memory_space<vmem>>[vector<16xi32>], vector<16xi32>,
      %get3A_163 = arith.constant 0 : index
      %get3A_164 = tpu.vector_load %arg13[%get3A_163] {strides = array<i32>} : memref<16xi32, #tpu.memory_space<vmem>>, vector<16xi32>,
      %eq3A_165 = arith.constant 1 : i32
      %eq3A_166 = vector.broadcast %eq3A_165 : i32 to vector<16xi32>
      %eq3A_167 = arith.cmpi eq, %get3A_164, %eq3A_166 : vector<16xi32>
      %and3A_168 = arith.andi %and3A_127, %eq3A_167 : vector<16xi1>
      %jit3A_169 = arith.constant 0 : i32
      %broadcast_in_dim3A_170 = vector.broadcast %jit3A_169 : i32 to vector<16xi32>
      %select_n3A_171 = arith.select %and3A_168, %sub3A_123, %broadcast_in_dim3A_170 : vector<16xi1>, vector<16xi32>
      tpu.vector_store_idx %arg9[%select_n3A_171], %add3A_131 masked %and3A_168 : memref<15904xi32, #tpu.memory_space<vmem>>[vector<16xi32>], vector<16xi32>, vector<16xi1>
    }
    %scan3A_48 = arith.constant 1024 : i32
    %while3A_49 = arith.constant 0 : i32
    %while3A_50 = arith.constant 0 : i32
    %while3A_51 = arith.subi %select_n3A_10, %while3A_49 : i32
    %while3A_52 = arith.addi %while3A_49, %while3A_51 : i32
    %while3A_53 = arith.constant 1 : i32
    %while3A_54 = arith.divsi %while3A_51, %while3A_53 : i32
    %while3A_55 = arith.muli %while3A_54, %while3A_53 : i32
    %while3A_56 = arith.addi %while3A_49, %while3A_55 : i32
    %while3A_57 = arith.constant 1 : i32
    %while3A_58 = scf.for %while3A_118 = %while3A_49 to %while3A_56 step %while3A_57 iter_args(%while3A_119 = %while3A_50) -> (i32)  : i32 {
      %mul3A_120 = arith.constant 16 : i32
      %mul3A_121 = arith.muli %while3A_118, %mul3A_120 : i32
      %add3A_122 = vector.broadcast %mul3A_121 : i32 to vector<16xi32>
      %add3A_123 = arith.addi %add3A_122, %iota3A : vector<16xi32>
      %mul3A_124 = arith.constant 16 : i32
      %mul3A_125 = arith.muli %while3A_118, %mul3A_124 : i32
      %get3A_126 = arith.index_cast %mul3A_125 : i32 to index
      %get3A_127 = tpu.vector_load %arg9[%get3A_126] {strides = array<i32>} : memref<15904xi32, #tpu.memory_space<vmem>>, vector<16xi32>,
      %ge3A = arith.constant 0 : i32
      %ge3A_128 = vector.broadcast %ge3A : i32 to vector<16xi32>
      %ge3A_129 = arith.cmpi sge, %get3A_127, %ge3A_128 : vector<16xi32>
      %jit3A_130 = arith.constant 0 : i32
      %broadcast_in_dim3A_131 = vector.broadcast %jit3A_130 : i32 to vector<16xi32>
      %select_n3A_132 = arith.select %ge3A_129, %get3A_127, %broadcast_in_dim3A_131 : vector<16xi1>, vector<16xi32>
      %gather3A = tpu.vector_load_idx %arg8[%select_n3A_132] : memref<16384xf32, #tpu.memory_space<vmem>>[vector<16xi32>], vector<16xf32>,
      %mul3A_133 = arith.constant 5.000000e-01 : f32
      %mul3A_134 = vector.broadcast %mul3A_133 : f32 to vector<16xf32>
      %mul3A_135 = arith.mulf %gather3A, %mul3A_134 : vector<16xf32>
      %jit3A_136 = arith.constant 0.000000e+00 : f32
      %broadcast_in_dim3A_137 = vector.broadcast %jit3A_136 : f32 to vector<16xf32>
      %select_n3A_138 = arith.select %ge3A_129, %mul3A_135, %broadcast_in_dim3A_137 : vector<16xi1>, vector<16xf32>
      %mul3A_139 = arith.constant 16 : i32
      %mul3A_140 = arith.muli %while3A_118, %mul3A_139 : i32
      %swap3A_141 = arith.index_cast %mul3A_140 : i32 to index
      %swap3A_142 = tpu.vector_load %arg10[%swap3A_141] {strides = array<i32>} : memref<15904xf32, #tpu.memory_space<vmem>>, vector<16xf32>,
      tpu.vector_store %arg10[%swap3A_141], %select_n3A_138 {strides = array<i32>} : memref<15904xf32, #tpu.memory_space<vmem>>, vector<16xf32>,
      %convert_element_type3A_143 = arith.extui %ge3A_129 : vector<16xi1> to vector<16xi32>
      %broadcast_in_dim3A_144 = arith.constant true
      %broadcast_in_dim3A_145 = vector.broadcast %broadcast_in_dim3A_144 : i1 to vector<16xi1>
      %masked_cumsum3A = tpu.scan <sum>, %convert_element_type3A_143 masked %broadcast_in_dim3A_145 : vector<16xi32>, vector<16xi1> -> vector<16xi32>
      %add3A_146 = vector.broadcast %while3A_119 : i32 to vector<16xi32>
      %add3A_147 = arith.addi %add3A_146, %masked_cumsum3A : vector<16xi32>
      %sub3A = arith.constant 1 : i32
      %sub3A_148 = vector.broadcast %sub3A : i32 to vector<16xi32>
      %sub3A_149 = arith.subi %add3A_147, %sub3A_148 : vector<16xi32>
      %jit3A_150 = arith.constant 0 : i32
      %broadcast_in_dim3A_151 = vector.broadcast %jit3A_150 : i32 to vector<16xi32>
      %select_n3A_152 = arith.select %ge3A_129, %sub3A_149, %broadcast_in_dim3A_151 : vector<16xi1>, vector<16xi32>
      %mul3A_153 = arith.constant 16384 : i32
      %mul3A_154 = vector.broadcast %mul3A_153 : i32 to vector<16xi32>
      %mul3A_155 = arith.muli %add3A_123, %mul3A_154 : vector<16xi32>
      %add3A_156 = arith.addi %mul3A_155, %get3A_127 : vector<16xi32>
      tpu.vector_store_idx %arg11[%select_n3A_152], %add3A_156 masked %ge3A_129 : memref<15904xi32, #tpu.memory_space<vmem>>[vector<16xi32>], vector<16xi32>, vector<16xi1>
      %reduce_sum3A_157 = arith.constant true
      %reduce_sum3A_158 = vector.broadcast %reduce_sum3A_157 : i1 to vector<16xi1>
      %reduce_sum3A_159 = tpu.scan <sum>, %convert_element_type3A_143 masked %reduce_sum3A_158 : vector<16xi32>, vector<16xi1> -> vector<16xi32>
      %reduce_sum3A_160 = vector.extract %reduce_sum3A_159[15] : i32 from vector<16xi32>
      %eq3A_161 = arith.constant 0 : i32
      %eq3A_162 = vector.broadcast %eq3A_161 : i32 to vector<16xi32>
      %eq3A_163 = arith.cmpi eq, %iota3A, %eq3A_162 : vector<16xi32>
      %shift_right_arithmetic3A_164 = arith.constant 3 : i32
      %shift_right_arithmetic3A_165 = arith.shrsi %while3A_118, %shift_right_arithmetic3A_164 : i32
      %add3A_166 = arith.constant 128 : i32
      %add3A_167 = vector.broadcast %add3A_166 : i32 to vector<16xi32>
      %add3A_168 = arith.addi %add3A_167, %iota3A : vector<16xi32>
      %broadcast_in_dim3A_169 = vector.broadcast %shift_right_arithmetic3A_165 : i32 to vector<16xi32>
      %select_n3A_170 = arith.select %eq3A_163, %broadcast_in_dim3A_169, %add3A_168 : vector<16xi1>, vector<16xi32>
      %eq3A_171 = arith.constant 0 : i32
      %eq3A_172 = vector.broadcast %eq3A_171 : i32 to vector<16xi32>
      %eq3A_173 = arith.cmpi eq, %iota3A, %eq3A_172 : vector<16xi32>
      %jit3A_174 = arith.constant 0 : i32
      %broadcast_in_dim3A_175 = vector.broadcast %reduce_sum3A_160 : i32 to vector<16xi32>
      %broadcast_in_dim3A_176 = vector.broadcast %jit3A_174 : i32 to vector<16xi32>
      %select_n3A_177 = arith.select %eq3A_173, %broadcast_in_dim3A_175, %broadcast_in_dim3A_176 : vector<16xi1>, vector<16xi32>
      tpu.vector_store_idx %arg12[%select_n3A_170], %select_n3A_177 {add = true} : memref<160xi32, #tpu.memory_space<vmem>>[vector<16xi32>], vector<16xi32>,
      %add3A_178 = arith.addi %while3A_119, %reduce_sum3A_160 : i32
      scf.yield %add3A_178 : i32
    }
    %while3A_59 = arith.constant 1 : i32
    %while3A_60 = scf.for %while3A_118 = %while3A_56 to %while3A_52 step %while3A_59 iter_args(%while3A_119 = %while3A_58) -> (i32)  : i32 {
      %mul3A_120 = arith.constant 16 : i32
      %mul3A_121 = arith.muli %while3A_118, %mul3A_120 : i32
      %add3A_122 = vector.broadcast %mul3A_121 : i32 to vector<16xi32>
      %add3A_123 = arith.addi %add3A_122, %iota3A : vector<16xi32>
      %mul3A_124 = arith.constant 16 : i32
      %mul3A_125 = arith.muli %while3A_118, %mul3A_124 : i32
      %get3A_126 = arith.index_cast %mul3A_125 : i32 to index
      %get3A_127 = tpu.vector_load %arg9[%get3A_126] {strides = array<i32>} : memref<15904xi32, #tpu.memory_space<vmem>>, vector<16xi32>,
      %ge3A = arith.constant 0 : i32
      %ge3A_128 = vector.broadcast %ge3A : i32 to vector<16xi32>
      %ge3A_129 = arith.cmpi sge, %get3A_127, %ge3A_128 : vector<16xi32>
      %jit3A_130 = arith.constant 0 : i32
      %broadcast_in_dim3A_131 = vector.broadcast %jit3A_130 : i32 to vector<16xi32>
      %select_n3A_132 = arith.select %ge3A_129, %get3A_127, %broadcast_in_dim3A_131 : vector<16xi1>, vector<16xi32>
      %gather3A = tpu.vector_load_idx %arg8[%select_n3A_132] : memref<16384xf32, #tpu.memory_space<vmem>>[vector<16xi32>], vector<16xf32>,
      %mul3A_133 = arith.constant 5.000000e-01 : f32
      %mul3A_134 = vector.broadcast %mul3A_133 : f32 to vector<16xf32>
      %mul3A_135 = arith.mulf %gather3A, %mul3A_134 : vector<16xf32>
      %jit3A_136 = arith.constant 0.000000e+00 : f32
      %broadcast_in_dim3A_137 = vector.broadcast %jit3A_136 : f32 to vector<16xf32>
      %select_n3A_138 = arith.select %ge3A_129, %mul3A_135, %broadcast_in_dim3A_137 : vector<16xi1>, vector<16xf32>
      %mul3A_139 = arith.constant 16 : i32
      %mul3A_140 = arith.muli %while3A_118, %mul3A_139 : i32
      %swap3A_141 = arith.index_cast %mul3A_140 : i32 to index
      %swap3A_142 = tpu.vector_load %arg10[%swap3A_141] {strides = array<i32>} : memref<15904xf32, #tpu.memory_space<vmem>>, vector<16xf32>,
      tpu.vector_store %arg10[%swap3A_141], %select_n3A_138 {strides = array<i32>} : memref<15904xf32, #tpu.memory_space<vmem>>, vector<16xf32>,
      %convert_element_type3A_143 = arith.extui %ge3A_129 : vector<16xi1> to vector<16xi32>
      %broadcast_in_dim3A_144 = arith.constant true
      %broadcast_in_dim3A_145 = vector.broadcast %broadcast_in_dim3A_144 : i1 to vector<16xi1>
      %masked_cumsum3A = tpu.scan <sum>, %convert_element_type3A_143 masked %broadcast_in_dim3A_145 : vector<16xi32>, vector<16xi1> -> vector<16xi32>
      %add3A_146 = vector.broadcast %while3A_119 : i32 to vector<16xi32>
      %add3A_147 = arith.addi %add3A_146, %masked_cumsum3A : vector<16xi32>
      %sub3A = arith.constant 1 : i32
      %sub3A_148 = vector.broadcast %sub3A : i32 to vector<16xi32>
      %sub3A_149 = arith.subi %add3A_147, %sub3A_148 : vector<16xi32>
      %jit3A_150 = arith.constant 0 : i32
      %broadcast_in_dim3A_151 = vector.broadcast %jit3A_150 : i32 to vector<16xi32>
      %select_n3A_152 = arith.select %ge3A_129, %sub3A_149, %broadcast_in_dim3A_151 : vector<16xi1>, vector<16xi32>
      %mul3A_153 = arith.constant 16384 : i32
      %mul3A_154 = vector.broadcast %mul3A_153 : i32 to vector<16xi32>
      %mul3A_155 = arith.muli %add3A_123, %mul3A_154 : vector<16xi32>
      %add3A_156 = arith.addi %mul3A_155, %get3A_127 : vector<16xi32>
      tpu.vector_store_idx %arg11[%select_n3A_152], %add3A_156 masked %ge3A_129 : memref<15904xi32, #tpu.memory_space<vmem>>[vector<16xi32>], vector<16xi32>, vector<16xi1>
      %reduce_sum3A_157 = arith.constant true
      %reduce_sum3A_158 = vector.broadcast %reduce_sum3A_157 : i1 to vector<16xi1>
      %reduce_sum3A_159 = tpu.scan <sum>, %convert_element_type3A_143 masked %reduce_sum3A_158 : vector<16xi32>, vector<16xi1> -> vector<16xi32>
      %reduce_sum3A_160 = vector.extract %reduce_sum3A_159[15] : i32 from vector<16xi32>
      %eq3A_161 = arith.constant 0 : i32
      %eq3A_162 = vector.broadcast %eq3A_161 : i32 to vector<16xi32>
      %eq3A_163 = arith.cmpi eq, %iota3A, %eq3A_162 : vector<16xi32>
      %shift_right_arithmetic3A_164 = arith.constant 3 : i32
      %shift_right_arithmetic3A_165 = arith.shrsi %while3A_118, %shift_right_arithmetic3A_164 : i32
      %add3A_166 = arith.constant 128 : i32
      %add3A_167 = vector.broadcast %add3A_166 : i32 to vector<16xi32>
      %add3A_168 = arith.addi %add3A_167, %iota3A : vector<16xi32>
      %broadcast_in_dim3A_169 = vector.broadcast %shift_right_arithmetic3A_165 : i32 to vector<16xi32>
      %select_n3A_170 = arith.select %eq3A_163, %broadcast_in_dim3A_169, %add3A_168 : vector<16xi1>, vector<16xi32>
      %eq3A_171 = arith.constant 0 : i32
      %eq3A_172 = vector.broadcast %eq3A_171 : i32 to vector<16xi32>
      %eq3A_173 = arith.cmpi eq, %iota3A, %eq3A_172 : vector<16xi32>
      %jit3A_174 = arith.constant 0 : i32
      %broadcast_in_dim3A_175 = vector.broadcast %reduce_sum3A_160 : i32 to vector<16xi32>
      %broadcast_in_dim3A_176 = vector.broadcast %jit3A_174 : i32 to vector<16xi32>
      %select_n3A_177 = arith.select %eq3A_173, %broadcast_in_dim3A_175, %broadcast_in_dim3A_176 : vector<16xi1>, vector<16xi32>
      tpu.vector_store_idx %arg12[%select_n3A_170], %select_n3A_177 {add = true} : memref<160xi32, #tpu.memory_space<vmem>>[vector<16xi32>], vector<16xi32>,
      %add3A_178 = arith.addi %while3A_119, %reduce_sum3A_160 : i32
      scf.yield %add3A_178 : i32
    }
    %convert_element_type3A = arith.extui %eq3A_3 : i1 to i32
    %cond3A = arith.constant 0 : i32
    %cond3A_61 = arith.cmpi ne, %convert_element_type3A, %cond3A : i32
    scf.if %cond3A_61 {
      "tpu.region"() ({
        %run_scoped3A = tpu.sem_alloc : memref<!tpu.dma_semaphore, #tpu.memory_space<semaphore_mem>>
        %dma_start3A = arith.constant 0 : i32
        %dma_start3A_118 = tpu.memref_slice %arg10[%dma_start3A] : memref<15904xf32, #tpu.memory_space<vmem>> -> memref<15904xf32, #tpu.memory_space<vmem>>
        %dma_start3A_119 = tpu.memref_slice %arg5[%mul3A_2] : memref<500000xf32, #tpu.memory_space<hbm>> -> memref<15904xf32, #tpu.memory_space<hbm>>
        %dma_start3A_120 = tpu.memref_slice %arg5[%mul3A_2] : memref<500000xf32, #tpu.memory_space<hbm>> -> memref<15904xf32, #tpu.memory_space<hbm>>
        %dma_start3A_121 = arith.constant 0 : i32
        %dma_start3A_122 = tpu.memref_slice %arg10[%dma_start3A_121] : memref<15904xf32, #tpu.memory_space<vmem>> -> memref<15904xf32, #tpu.memory_space<vmem>>
        tpu.enqueue_dma source(%dma_start3A_122 : memref<15904xf32, #tpu.memory_space<vmem>>) target(%dma_start3A_120 : memref<15904xf32, #tpu.memory_space<hbm>>) target_semaphore(%run_scoped3A : memref<!tpu.dma_semaphore, #tpu.memory_space<semaphore_mem>>)
        %dma_wait3A_123 = arith.constant 0 : i32
        %dma_wait3A_124 = tpu.memref_slice %arg10[%dma_wait3A_123] : memref<15904xf32, #tpu.memory_space<vmem>> -> memref<15904xf32, #tpu.memory_space<vmem>>
        %dma_wait3A_125 = tpu.memref_slice %arg5[%mul3A_2] : memref<500000xf32, #tpu.memory_space<hbm>> -> memref<15904xf32, #tpu.memory_space<hbm>>
        %dma_wait3A_126 = tpu.memref_slice %arg5[%mul3A_2] : memref<500000xf32, #tpu.memory_space<hbm>> -> memref<15904xf32, #tpu.memory_space<hbm>>
        %dma_wait3A_127 = arith.constant 0 : i32
        %dma_wait3A_128 = tpu.memref_slice %arg10[%dma_wait3A_127] : memref<15904xf32, #tpu.memory_space<vmem>> -> memref<15904xf32, #tpu.memory_space<vmem>>
        tpu.wait_dma2 semaphore(%run_scoped3A : memref<!tpu.dma_semaphore, #tpu.memory_space<semaphore_mem>>) src(%dma_wait3A_128 : memref<15904xf32, #tpu.memory_space<vmem>>) dst(%dma_wait3A_126 : memref<15904xf32, #tpu.memory_space<hbm>>)
        tpu.yield
      }) : () -> ()
    } else {
    }
    %not3A = arith.constant true
    %not3A_62 = arith.xori %eq3A_3, %not3A : i1
    %convert_element_type3A_63 = arith.extui %not3A_62 : i1 to i32
    %cond3A_64 = arith.constant 0 : i32
    %cond3A_65 = arith.cmpi ne, %convert_element_type3A_63, %cond3A_64 : i32
    scf.if %cond3A_65 {
      "tpu.region"() ({
        %run_scoped3A = tpu.sem_alloc : memref<!tpu.dma_semaphore, #tpu.memory_space<semaphore_mem>>
        %dma_start3A = arith.constant 0 : i32
        %dma_start3A_118 = tpu.memref_slice %arg10[%dma_start3A] : memref<15904xf32, #tpu.memory_space<vmem>> -> memref<15616xf32, #tpu.memory_space<vmem>>
        %dma_start3A_119 = tpu.memref_slice %arg5[%mul3A_2] : memref<500000xf32, #tpu.memory_space<hbm>> -> memref<15616xf32, #tpu.memory_space<hbm>>
        %dma_start3A_120 = tpu.memref_slice %arg5[%mul3A_2] : memref<500000xf32, #tpu.memory_space<hbm>> -> memref<15616xf32, #tpu.memory_space<hbm>>
        %dma_start3A_121 = arith.constant 0 : i32
        %dma_start3A_122 = tpu.memref_slice %arg10[%dma_start3A_121] : memref<15904xf32, #tpu.memory_space<vmem>> -> memref<15616xf32, #tpu.memory_space<vmem>>
        tpu.enqueue_dma source(%dma_start3A_122 : memref<15616xf32, #tpu.memory_space<vmem>>) target(%dma_start3A_120 : memref<15616xf32, #tpu.memory_space<hbm>>) target_semaphore(%run_scoped3A : memref<!tpu.dma_semaphore, #tpu.memory_space<semaphore_mem>>)
        %dma_wait3A_123 = arith.constant 0 : i32
        %dma_wait3A_124 = tpu.memref_slice %arg10[%dma_wait3A_123] : memref<15904xf32, #tpu.memory_space<vmem>> -> memref<15616xf32, #tpu.memory_space<vmem>>
        %dma_wait3A_125 = tpu.memref_slice %arg5[%mul3A_2] : memref<500000xf32, #tpu.memory_space<hbm>> -> memref<15616xf32, #tpu.memory_space<hbm>>
        %dma_wait3A_126 = tpu.memref_slice %arg5[%mul3A_2] : memref<500000xf32, #tpu.memory_space<hbm>> -> memref<15616xf32, #tpu.memory_space<hbm>>
        %dma_wait3A_127 = arith.constant 0 : i32
        %dma_wait3A_128 = tpu.memref_slice %arg10[%dma_wait3A_127] : memref<15904xf32, #tpu.memory_space<vmem>> -> memref<15616xf32, #tpu.memory_space<vmem>>
        tpu.wait_dma2 semaphore(%run_scoped3A : memref<!tpu.dma_semaphore, #tpu.memory_space<semaphore_mem>>) src(%dma_wait3A_128 : memref<15616xf32, #tpu.memory_space<vmem>>) dst(%dma_wait3A_126 : memref<15616xf32, #tpu.memory_space<hbm>>)
        tpu.yield
      }) : () -> ()
    } else {
    }
    %shift_right_arithmetic3A = arith.constant 0 : i32
    %shift_right_arithmetic3A_66 = arith.constant 4 : i32
    %shift_right_arithmetic3A_67 = arith.shrsi %shift_right_arithmetic3A, %shift_right_arithmetic3A_66 : i32
    %shift_left3A = arith.constant 4 : i32
    %shift_left3A_68 = arith.shli %shift_right_arithmetic3A_67, %shift_left3A : i32
    %multiple_of3A = tpu.assume_multiple %shift_left3A_68, 16 : i32
    %get3A = arith.index_cast %multiple_of3A : i32 to index
    %get3A_69 = tpu.vector_load %arg12[%get3A] {strides = array<i32>} : memref<160xi32, #tpu.memory_space<vmem>>, vector<16xi32>,
    %and3A = arith.constant 0 : i32
    %and3A_70 = arith.constant 15 : i32
    %and3A_71 = arith.andi %and3A, %and3A_70 : i32
    %eq3A_72 = vector.broadcast %and3A_71 : i32 to vector<16xi32>
    %eq3A_73 = arith.cmpi eq, %iota3A, %eq3A_72 : vector<16xi32>
    %jit3A_74 = arith.constant 0 : i32
    %broadcast_in_dim3A_75 = vector.broadcast %jit3A_74 : i32 to vector<16xi32>
    %select_n3A_76 = arith.select %eq3A_73, %get3A_69, %broadcast_in_dim3A_75 : vector<16xi1>, vector<16xi32>
    %reduce_sum3A = arith.constant true
    %reduce_sum3A_77 = vector.broadcast %reduce_sum3A : i1 to vector<16xi1>
    %reduce_sum3A_78 = tpu.scan <sum>, %select_n3A_76 masked %reduce_sum3A_77 : vector<16xi32>, vector<16xi1> -> vector<16xi32>
    %reduce_sum3A_79 = vector.extract %reduce_sum3A_78[15] : i32 from vector<16xi32>
    %while3A_80 = arith.constant 0 : i32
    %while3A_81 = arith.constant 0 : i32
    %while3A_82 = arith.constant 0 : i32
    %while3A_83 = arith.subi %reduce_sum3A_79, %while3A_82 : i32
    %while3A_84 = arith.addi %while3A_82, %while3A_83 : i32
    %while3A_85 = arith.constant 1 : i32
    %while3A_86 = arith.divsi %while3A_83, %while3A_85 : i32
    %while3A_87 = arith.muli %while3A_86, %while3A_85 : i32
    %while3A_88 = arith.addi %while3A_82, %while3A_87 : i32
    %while3A_89 = arith.constant 1 : i32
    scf.for %while3A_118 = %while3A_82 to %while3A_88 step %while3A_89  : i32 {
      %shift_right_arithmetic3A_119 = arith.constant 4 : i32
      %shift_right_arithmetic3A_120 = arith.shrsi %while3A_118, %shift_right_arithmetic3A_119 : i32
      %shift_left3A_121 = arith.constant 4 : i32
      %shift_left3A_122 = arith.shli %shift_right_arithmetic3A_120, %shift_left3A_121 : i32
      %multiple_of3A_123 = tpu.assume_multiple %shift_left3A_122, 16 : i32
      %get3A_124 = arith.index_cast %multiple_of3A_123 : i32 to index
      %get3A_125 = tpu.vector_load %arg11[%get3A_124] {strides = array<i32>} : memref<15904xi32, #tpu.memory_space<vmem>>, vector<16xi32>,
      %and3A_126 = arith.constant 15 : i32
      %and3A_127 = arith.andi %while3A_118, %and3A_126 : i32
      %eq3A_128 = vector.broadcast %and3A_127 : i32 to vector<16xi32>
      %eq3A_129 = arith.cmpi eq, %iota3A, %eq3A_128 : vector<16xi32>
      %jit3A_130 = arith.constant 0 : i32
      %broadcast_in_dim3A_131 = vector.broadcast %jit3A_130 : i32 to vector<16xi32>
      %select_n3A_132 = arith.select %eq3A_129, %get3A_125, %broadcast_in_dim3A_131 : vector<16xi1>, vector<16xi32>
      %reduce_sum3A_133 = arith.constant true
      %reduce_sum3A_134 = vector.broadcast %reduce_sum3A_133 : i1 to vector<16xi1>
      %reduce_sum3A_135 = tpu.scan <sum>, %select_n3A_132 masked %reduce_sum3A_134 : vector<16xi32>, vector<16xi1> -> vector<16xi32>
      %reduce_sum3A_136 = vector.extract %reduce_sum3A_135[15] : i32 from vector<16xi32>
      %and3A_137 = arith.constant 16383 : i32
      %and3A_138 = arith.andi %reduce_sum3A_136, %and3A_137 : i32
      %sub3A = arith.subi %while3A_118, %while3A_81 : i32
      %dma_start3A = arith.constant 0 : i32
      %dma_start3A_139 = tpu.memref_slice %arg16[%sub3A, %dma_start3A] : memref<128x64xf32, #tpu.memory_space<vmem>> -> memref<1x64xf32, #tpu.memory_space<vmem>>
      %dma_start3A_140 = arith.constant 0 : i32
      %dma_start3A_141 = tpu.memref_slice %arg2[%and3A_138, %dma_start3A_140] : memref<16384x64xf32, #tpu.memory_space<hbm>> -> memref<1x64xf32, #tpu.memory_space<hbm>>
      %dma_start3A_142 = arith.constant 0 : i32
      %dma_start3A_143 = tpu.memref_slice %arg16[%sub3A, %dma_start3A_142] : memref<128x64xf32, #tpu.memory_space<vmem>> -> memref<1x64xf32, #tpu.memory_space<vmem>>
      %dma_start3A_144 = arith.constant 0 : i32
      %dma_start3A_145 = tpu.memref_slice %arg2[%and3A_138, %dma_start3A_144] : memref<16384x64xf32, #tpu.memory_space<hbm>> -> memref<1x64xf32, #tpu.memory_space<hbm>>
      tpu.enqueue_dma source(%dma_start3A_145 : memref<1x64xf32, #tpu.memory_space<hbm>>) target(%dma_start3A_143 : memref<1x64xf32, #tpu.memory_space<vmem>>) target_semaphore(%arg20 : memref<!tpu.dma_semaphore, #tpu.memory_space<semaphore_mem>>)
    }
    %while3A_90 = arith.constant 1 : i32
    scf.for %while3A_118 = %while3A_88 to %while3A_84 step %while3A_90  : i32 {
      %shift_right_arithmetic3A_119 = arith.constant 4 : i32
      %shift_right_arithmetic3A_120 = arith.shrsi %while3A_118, %shift_right_arithmetic3A_119 : i32
      %shift_left3A_121 = arith.constant 4 : i32
      %shift_left3A_122 = arith.shli %shift_right_arithmetic3A_120, %shift_left3A_121 : i32
      %multiple_of3A_123 = tpu.assume_multiple %shift_left3A_122, 16 : i32
      %get3A_124 = arith.index_cast %multiple_of3A_123 : i32 to index
      %get3A_125 = tpu.vector_load %arg11[%get3A_124] {strides = array<i32>} : memref<15904xi32, #tpu.memory_space<vmem>>, vector<16xi32>,
      %and3A_126 = arith.constant 15 : i32
      %and3A_127 = arith.andi %while3A_118, %and3A_126 : i32
      %eq3A_128 = vector.broadcast %and3A_127 : i32 to vector<16xi32>
      %eq3A_129 = arith.cmpi eq, %iota3A, %eq3A_128 : vector<16xi32>
      %jit3A_130 = arith.constant 0 : i32
      %broadcast_in_dim3A_131 = vector.broadcast %jit3A_130 : i32 to vector<16xi32>
      %select_n3A_132 = arith.select %eq3A_129, %get3A_125, %broadcast_in_dim3A_131 : vector<16xi1>, vector<16xi32>
      %reduce_sum3A_133 = arith.constant true
      %reduce_sum3A_134 = vector.broadcast %reduce_sum3A_133 : i1 to vector<16xi1>
      %reduce_sum3A_135 = tpu.scan <sum>, %select_n3A_132 masked %reduce_sum3A_134 : vector<16xi32>, vector<16xi1> -> vector<16xi32>
      %reduce_sum3A_136 = vector.extract %reduce_sum3A_135[15] : i32 from vector<16xi32>
      %and3A_137 = arith.constant 16383 : i32
      %and3A_138 = arith.andi %reduce_sum3A_136, %and3A_137 : i32
      %sub3A = arith.subi %while3A_118, %while3A_81 : i32
      %dma_start3A = arith.constant 0 : i32
      %dma_start3A_139 = tpu.memref_slice %arg16[%sub3A, %dma_start3A] : memref<128x64xf32, #tpu.memory_space<vmem>> -> memref<1x64xf32, #tpu.memory_space<vmem>>
      %dma_start3A_140 = arith.constant 0 : i32
      %dma_start3A_141 = tpu.memref_slice %arg2[%and3A_138, %dma_start3A_140] : memref<16384x64xf32, #tpu.memory_space<hbm>> -> memref<1x64xf32, #tpu.memory_space<hbm>>
      %dma_start3A_142 = arith.constant 0 : i32
      %dma_start3A_143 = tpu.memref_slice %arg16[%sub3A, %dma_start3A_142] : memref<128x64xf32, #tpu.memory_space<vmem>> -> memref<1x64xf32, #tpu.memory_space<vmem>>
      %dma_start3A_144 = arith.constant 0 : i32
      %dma_start3A_145 = tpu.memref_slice %arg2[%and3A_138, %dma_start3A_144] : memref<16384x64xf32, #tpu.memory_space<hbm>> -> memref<1x64xf32, #tpu.memory_space<hbm>>
      tpu.enqueue_dma source(%dma_start3A_145 : memref<1x64xf32, #tpu.memory_space<hbm>>) target(%dma_start3A_143 : memref<1x64xf32, #tpu.memory_space<vmem>>) target_semaphore(%arg20 : memref<!tpu.dma_semaphore, #tpu.memory_space<semaphore_mem>>)
    }
    %while3A_91 = arith.constant 0 : i32
    %while3A_92 = arith.constant 0 : i32
    %while3A_93 = arith.constant 0 : i32
    %while3A_94 = arith.constant 0 : i32
    %while3A_95 = arith.constant 0 : i32
    %while3A_96 = arith.constant 0 : i32
    %while3A_97 = arith.subi %select_n3A_13, %while3A_91 : i32
    %while3A_98 = arith.addi %while3A_91, %while3A_97 : i32
    %while3A_99 = arith.constant 1 : i32
    %while3A_100 = arith.divsi %while3A_97, %while3A_99 : i32
    %while3A_101 = arith.muli %while3A_100, %while3A_99 : i32
    %while3A_102 = arith.addi %while3A_91, %while3A_101 : i32
    %while3A_103 = arith.constant 1 : i32
    %while3A_104:6 = scf.for %while3A_118 = %while3A_91 to %while3A_102 step %while3A_103 iter_args(%while3A_119 = %while3A_92, %while3A_120 = %reduce_sum3A_79, %while3A_121 = %while3A_93, %while3A_122 = %while3A_94, %while3A_123 = %while3A_95, %while3A_124 = %while3A_96) -> (i32, i32, i32, i32, i32, i32)  : i32 {
      %add3A_125 = arith.constant 1 : i32
      %add3A_126 = arith.addi %while3A_118, %add3A_125 : i32
      %lt3A = arith.cmpi slt, %add3A_126, %select_n3A_13 : i32
      %add3A_127 = arith.constant 1 : i32
      %add3A_128 = arith.addi %while3A_118, %add3A_127 : i32
      %shift_right_arithmetic3A_129 = arith.constant 4 : i32
      %shift_right_arithmetic3A_130 = arith.shrsi %add3A_128, %shift_right_arithmetic3A_129 : i32
      %shift_left3A_131 = arith.constant 4 : i32
      %shift_left3A_132 = arith.shli %shift_right_arithmetic3A_130, %shift_left3A_131 : i32
      %multiple_of3A_133 = tpu.assume_multiple %shift_left3A_132, 16 : i32
      %get3A_134 = arith.index_cast %multiple_of3A_133 : i32 to index
      %get3A_135 = tpu.vector_load %arg12[%get3A_134] {strides = array<i32>} : memref<160xi32, #tpu.memory_space<vmem>>, vector<16xi32>,
      %and3A_136 = arith.constant 15 : i32
      %and3A_137 = arith.andi %add3A_128, %and3A_136 : i32
      %eq3A_138 = vector.broadcast %and3A_137 : i32 to vector<16xi32>
      %eq3A_139 = arith.cmpi eq, %iota3A, %eq3A_138 : vector<16xi32>
      %jit3A_140 = arith.constant 0 : i32
      %broadcast_in_dim3A_141 = vector.broadcast %jit3A_140 : i32 to vector<16xi32>
      %select_n3A_142 = arith.select %eq3A_139, %get3A_135, %broadcast_in_dim3A_141 : vector<16xi1>, vector<16xi32>
      %reduce_sum3A_143 = arith.constant true
      %reduce_sum3A_144 = vector.broadcast %reduce_sum3A_143 : i1 to vector<16xi1>
      %reduce_sum3A_145 = tpu.scan <sum>, %select_n3A_142 masked %reduce_sum3A_144 : vector<16xi32>, vector<16xi1> -> vector<16xi32>
      %reduce_sum3A_146 = vector.extract %reduce_sum3A_145[15] : i32 from vector<16xi32>
      %jit3A_147 = arith.constant 0 : i32
      %select_n3A_148 = arith.select %lt3A, %reduce_sum3A_146, %jit3A_147 : i32
      %add3A_149 = arith.addi %while3A_120, %select_n3A_148 : i32
      %jit3A_150 = arith.constant 2 : i32
      %eq3A_151 = arith.constant 0 : i32
      %eq3A_152 = arith.cmpi eq, %jit3A_150, %eq3A_151 : i32
      %jit3A_153 = arith.constant 1 : i32
      %select_n3A_154 = arith.select %eq3A_152, %jit3A_153, %jit3A_150 : i32
      %rem3A = arith.remsi %while3A_118, %select_n3A_154 : i32
      %ne3A = arith.constant 0 : i32
      %ne3A_155 = arith.cmpi ne, %rem3A, %ne3A : i32
      %lt3A_156 = arith.constant 0 : i32
      %lt3A_157 = arith.cmpi slt, %rem3A, %lt3A_156 : i32
      %lt3A_158 = arith.constant 0 : i32
      %lt3A_159 = arith.cmpi slt, %select_n3A_154, %lt3A_158 : i32
      %ne3A_160 = arith.xori %lt3A_157, %lt3A_159 : i1
      %and3A_161 = arith.andi %ne3A_160, %ne3A_155 : i1
      %add3A_162 = arith.addi %rem3A, %select_n3A_154 : i32
      %select_n3A_163 = arith.select %and3A_161, %add3A_162, %rem3A : i32
      %eq3A_164 = arith.constant 0 : i32
      %eq3A_165 = arith.cmpi eq, %select_n3A_163, %eq3A_164 : i32
      %not3A_166 = arith.constant true
      %not3A_167 = arith.xori %eq3A_165, %not3A_166 : i1
      %convert_element_type3A_168 = arith.extui %not3A_167 : i1 to i32
      %cond3A_169 = arith.constant 0 : i32
      %cond3A_170 = arith.cmpi ne, %convert_element_type3A_168, %cond3A_169 : i32
      scf.if %cond3A_170 {
        %while3A_186 = arith.constant 0 : i32
        %while3A_187 = arith.subi %add3A_149, %while3A_120 : i32
        %while3A_188 = arith.addi %while3A_120, %while3A_187 : i32
        %while3A_189 = arith.constant 1 : i32
        %while3A_190 = arith.divsi %while3A_187, %while3A_189 : i32
        %while3A_191 = arith.muli %while3A_190, %while3A_189 : i32
        %while3A_192 = arith.addi %while3A_120, %while3A_191 : i32
        %while3A_193 = arith.constant 1 : i32
        scf.for %while3A_195 = %while3A_120 to %while3A_192 step %while3A_193  : i32 {
          %shift_right_arithmetic3A_196 = arith.constant 4 : i32
          %shift_right_arithmetic3A_197 = arith.shrsi %while3A_195, %shift_right_arithmetic3A_196 : i32
          %shift_left3A_198 = arith.constant 4 : i32
          %shift_left3A_199 = arith.shli %shift_right_arithmetic3A_197, %shift_left3A_198 : i32
          %multiple_of3A_200 = tpu.assume_multiple %shift_left3A_199, 16 : i32
          %get3A_201 = arith.index_cast %multiple_of3A_200 : i32 to index
          %get3A_202 = tpu.vector_load %arg11[%get3A_201] {strides = array<i32>} : memref<15904xi32, #tpu.memory_space<vmem>>, vector<16xi32>,
          %and3A_203 = arith.constant 15 : i32
          %and3A_204 = arith.andi %while3A_195, %and3A_203 : i32
          %eq3A_205 = vector.broadcast %and3A_204 : i32 to vector<16xi32>
          %eq3A_206 = arith.cmpi eq, %iota3A, %eq3A_205 : vector<16xi32>
          %jit3A_207 = arith.constant 0 : i32
          %broadcast_in_dim3A_208 = vector.broadcast %jit3A_207 : i32 to vector<16xi32>
          %select_n3A_209 = arith.select %eq3A_206, %get3A_202, %broadcast_in_dim3A_208 : vector<16xi1>, vector<16xi32>
          %reduce_sum3A_210 = arith.constant true
          %reduce_sum3A_211 = vector.broadcast %reduce_sum3A_210 : i1 to vector<16xi1>
          %reduce_sum3A_212 = tpu.scan <sum>, %select_n3A_209 masked %reduce_sum3A_211 : vector<16xi32>, vector<16xi1> -> vector<16xi32>
          %reduce_sum3A_213 = vector.extract %reduce_sum3A_212[15] : i32 from vector<16xi32>
          %and3A_214 = arith.constant 16383 : i32
          %and3A_215 = arith.andi %reduce_sum3A_213, %and3A_214 : i32
          %sub3A = arith.subi %while3A_195, %while3A_120 : i32
          %dma_start3A = arith.constant 0 : i32
          %dma_start3A_216 = tpu.memref_slice %arg16[%sub3A, %dma_start3A] : memref<128x64xf32, #tpu.memory_space<vmem>> -> memref<1x64xf32, #tpu.memory_space<vmem>>
          %dma_start3A_217 = arith.constant 0 : i32
          %dma_start3A_218 = tpu.memref_slice %arg2[%and3A_215, %dma_start3A_217] : memref<16384x64xf32, #tpu.memory_space<hbm>> -> memref<1x64xf32, #tpu.memory_space<hbm>>
          %dma_start3A_219 = arith.constant 0 : i32
          %dma_start3A_220 = tpu.memref_slice %arg16[%sub3A, %dma_start3A_219] : memref<128x64xf32, #tpu.memory_space<vmem>> -> memref<1x64xf32, #tpu.memory_space<vmem>>
          %dma_start3A_221 = arith.constant 0 : i32
          %dma_start3A_222 = tpu.memref_slice %arg2[%and3A_215, %dma_start3A_221] : memref<16384x64xf32, #tpu.memory_space<hbm>> -> memref<1x64xf32, #tpu.memory_space<hbm>>
          tpu.enqueue_dma source(%dma_start3A_222 : memref<1x64xf32, #tpu.memory_space<hbm>>) target(%dma_start3A_220 : memref<1x64xf32, #tpu.memory_space<vmem>>) target_semaphore(%arg20 : memref<!tpu.dma_semaphore, #tpu.memory_space<semaphore_mem>>)
        }
        %while3A_194 = arith.constant 1 : i32
        scf.for %while3A_195 = %while3A_192 to %while3A_188 step %while3A_194  : i32 {
          %shift_right_arithmetic3A_196 = arith.constant 4 : i32
          %shift_right_arithmetic3A_197 = arith.shrsi %while3A_195, %shift_right_arithmetic3A_196 : i32
          %shift_left3A_198 = arith.constant 4 : i32
          %shift_left3A_199 = arith.shli %shift_right_arithmetic3A_197, %shift_left3A_198 : i32
          %multiple_of3A_200 = tpu.assume_multiple %shift_left3A_199, 16 : i32
          %get3A_201 = arith.index_cast %multiple_of3A_200 : i32 to index
          %get3A_202 = tpu.vector_load %arg11[%get3A_201] {strides = array<i32>} : memref<15904xi32, #tpu.memory_space<vmem>>, vector<16xi32>,
          %and3A_203 = arith.constant 15 : i32
          %and3A_204 = arith.andi %while3A_195, %and3A_203 : i32
          %eq3A_205 = vector.broadcast %and3A_204 : i32 to vector<16xi32>
          %eq3A_206 = arith.cmpi eq, %iota3A, %eq3A_205 : vector<16xi32>
          %jit3A_207 = arith.constant 0 : i32
          %broadcast_in_dim3A_208 = vector.broadcast %jit3A_207 : i32 to vector<16xi32>
          %select_n3A_209 = arith.select %eq3A_206, %get3A_202, %broadcast_in_dim3A_208 : vector<16xi1>, vector<16xi32>
          %reduce_sum3A_210 = arith.constant true
          %reduce_sum3A_211 = vector.broadcast %reduce_sum3A_210 : i1 to vector<16xi1>
          %reduce_sum3A_212 = tpu.scan <sum>, %select_n3A_209 masked %reduce_sum3A_211 : vector<16xi32>, vector<16xi1> -> vector<16xi32>
          %reduce_sum3A_213 = vector.extract %reduce_sum3A_212[15] : i32 from vector<16xi32>
          %and3A_214 = arith.constant 16383 : i32
          %and3A_215 = arith.andi %reduce_sum3A_213, %and3A_214 : i32
          %sub3A = arith.subi %while3A_195, %while3A_120 : i32
          %dma_start3A = arith.constant 0 : i32
          %dma_start3A_216 = tpu.memref_slice %arg16[%sub3A, %dma_start3A] : memref<128x64xf32, #tpu.memory_space<vmem>> -> memref<1x64xf32, #tpu.memory_space<vmem>>
          %dma_start3A_217 = arith.constant 0 : i32
          %dma_start3A_218 = tpu.memref_slice %arg2[%and3A_215, %dma_start3A_217] : memref<16384x64xf32, #tpu.memory_space<hbm>> -> memref<1x64xf32, #tpu.memory_space<hbm>>
          %dma_start3A_219 = arith.constant 0 : i32
          %dma_start3A_220 = tpu.memref_slice %arg16[%sub3A, %dma_start3A_219] : memref<128x64xf32, #tpu.memory_space<vmem>> -> memref<1x64xf32, #tpu.memory_space<vmem>>
          %dma_start3A_221 = arith.constant 0 : i32
          %dma_start3A_222 = tpu.memref_slice %arg2[%and3A_215, %dma_start3A_221] : memref<16384x64xf32, #tpu.memory_space<hbm>> -> memref<1x64xf32, #tpu.memory_space<hbm>>
          tpu.enqueue_dma source(%dma_start3A_222 : memref<1x64xf32, #tpu.memory_space<hbm>>) target(%dma_start3A_220 : memref<1x64xf32, #tpu.memory_space<vmem>>) target_semaphore(%arg20 : memref<!tpu.dma_semaphore, #tpu.memory_space<semaphore_mem>>)
        }
      } else {
      }
      %convert_element_type3A_171 = arith.extui %eq3A_165 : i1 to i32
      %cond3A_172 = arith.constant 0 : i32
      %cond3A_173 = arith.cmpi ne, %convert_element_type3A_171, %cond3A_172 : i32
      scf.if %cond3A_173 {
        %while3A_186 = arith.constant 0 : i32
        %while3A_187 = arith.subi %add3A_149, %while3A_120 : i32
        %while3A_188 = arith.addi %while3A_120, %while3A_187 : i32
        %while3A_189 = arith.constant 1 : i32
        %while3A_190 = arith.divsi %while3A_187, %while3A_189 : i32
        %while3A_191 = arith.muli %while3A_190, %while3A_189 : i32
        %while3A_192 = arith.addi %while3A_120, %while3A_191 : i32
        %while3A_193 = arith.constant 1 : i32
        scf.for %while3A_195 = %while3A_120 to %while3A_192 step %while3A_193  : i32 {
          %shift_right_arithmetic3A_196 = arith.constant 4 : i32
          %shift_right_arithmetic3A_197 = arith.shrsi %while3A_195, %shift_right_arithmetic3A_196 : i32
          %shift_left3A_198 = arith.constant 4 : i32
          %shift_left3A_199 = arith.shli %shift_right_arithmetic3A_197, %shift_left3A_198 : i32
          %multiple_of3A_200 = tpu.assume_multiple %shift_left3A_199, 16 : i32
          %get3A_201 = arith.index_cast %multiple_of3A_200 : i32 to index
          %get3A_202 = tpu.vector_load %arg11[%get3A_201] {strides = array<i32>} : memref<15904xi32, #tpu.memory_space<vmem>>, vector<16xi32>,
          %and3A_203 = arith.constant 15 : i32
          %and3A_204 = arith.andi %while3A_195, %and3A_203 : i32
          %eq3A_205 = vector.broadcast %and3A_204 : i32 to vector<16xi32>
          %eq3A_206 = arith.cmpi eq, %iota3A, %eq3A_205 : vector<16xi32>
          %jit3A_207 = arith.constant 0 : i32
          %broadcast_in_dim3A_208 = vector.broadcast %jit3A_207 : i32 to vector<16xi32>
          %select_n3A_209 = arith.select %eq3A_206, %get3A_202, %broadcast_in_dim3A_208 : vector<16xi1>, vector<16xi32>
          %reduce_sum3A_210 = arith.constant true
          %reduce_sum3A_211 = vector.broadcast %reduce_sum3A_210 : i1 to vector<16xi1>
          %reduce_sum3A_212 = tpu.scan <sum>, %select_n3A_209 masked %reduce_sum3A_211 : vector<16xi32>, vector<16xi1> -> vector<16xi32>
          %reduce_sum3A_213 = vector.extract %reduce_sum3A_212[15] : i32 from vector<16xi32>
          %and3A_214 = arith.constant 16383 : i32
          %and3A_215 = arith.andi %reduce_sum3A_213, %and3A_214 : i32
          %sub3A = arith.subi %while3A_195, %while3A_120 : i32
          %dma_start3A = arith.constant 0 : i32
          %dma_start3A_216 = tpu.memref_slice %arg17[%sub3A, %dma_start3A] : memref<128x64xf32, #tpu.memory_space<vmem>> -> memref<1x64xf32, #tpu.memory_space<vmem>>
          %dma_start3A_217 = arith.constant 0 : i32
          %dma_start3A_218 = tpu.memref_slice %arg2[%and3A_215, %dma_start3A_217] : memref<16384x64xf32, #tpu.memory_space<hbm>> -> memref<1x64xf32, #tpu.memory_space<hbm>>
          %dma_start3A_219 = arith.constant 0 : i32
          %dma_start3A_220 = tpu.memref_slice %arg17[%sub3A, %dma_start3A_219] : memref<128x64xf32, #tpu.memory_space<vmem>> -> memref<1x64xf32, #tpu.memory_space<vmem>>
          %dma_start3A_221 = arith.constant 0 : i32
          %dma_start3A_222 = tpu.memref_slice %arg2[%and3A_215, %dma_start3A_221] : memref<16384x64xf32, #tpu.memory_space<hbm>> -> memref<1x64xf32, #tpu.memory_space<hbm>>
          tpu.enqueue_dma source(%dma_start3A_222 : memref<1x64xf32, #tpu.memory_space<hbm>>) target(%dma_start3A_220 : memref<1x64xf32, #tpu.memory_space<vmem>>) target_semaphore(%arg21 : memref<!tpu.dma_semaphore, #tpu.memory_space<semaphore_mem>>)
        }
        %while3A_194 = arith.constant 1 : i32
        scf.for %while3A_195 = %while3A_192 to %while3A_188 step %while3A_194  : i32 {
          %shift_right_arithmetic3A_196 = arith.constant 4 : i32
          %shift_right_arithmetic3A_197 = arith.shrsi %while3A_195, %shift_right_arithmetic3A_196 : i32
          %shift_left3A_198 = arith.constant 4 : i32
          %shift_left3A_199 = arith.shli %shift_right_arithmetic3A_197, %shift_left3A_198 : i32
          %multiple_of3A_200 = tpu.assume_multiple %shift_left3A_199, 16 : i32
          %get3A_201 = arith.index_cast %multiple_of3A_200 : i32 to index
          %get3A_202 = tpu.vector_load %arg11[%get3A_201] {strides = array<i32>} : memref<15904xi32, #tpu.memory_space<vmem>>, vector<16xi32>,
          %and3A_203 = arith.constant 15 : i32
          %and3A_204 = arith.andi %while3A_195, %and3A_203 : i32
          %eq3A_205 = vector.broadcast %and3A_204 : i32 to vector<16xi32>
          %eq3A_206 = arith.cmpi eq, %iota3A, %eq3A_205 : vector<16xi32>
          %jit3A_207 = arith.constant 0 : i32
          %broadcast_in_dim3A_208 = vector.broadcast %jit3A_207 : i32 to vector<16xi32>
          %select_n3A_209 = arith.select %eq3A_206, %get3A_202, %broadcast_in_dim3A_208 : vector<16xi1>, vector<16xi32>
          %reduce_sum3A_210 = arith.constant true
          %reduce_sum3A_211 = vector.broadcast %reduce_sum3A_210 : i1 to vector<16xi1>
          %reduce_sum3A_212 = tpu.scan <sum>, %select_n3A_209 masked %reduce_sum3A_211 : vector<16xi32>, vector<16xi1> -> vector<16xi32>
          %reduce_sum3A_213 = vector.extract %reduce_sum3A_212[15] : i32 from vector<16xi32>
          %and3A_214 = arith.constant 16383 : i32
          %and3A_215 = arith.andi %reduce_sum3A_213, %and3A_214 : i32
          %sub3A = arith.subi %while3A_195, %while3A_120 : i32
          %dma_start3A = arith.constant 0 : i32
          %dma_start3A_216 = tpu.memref_slice %arg17[%sub3A, %dma_start3A] : memref<128x64xf32, #tpu.memory_space<vmem>> -> memref<1x64xf32, #tpu.memory_space<vmem>>
          %dma_start3A_217 = arith.constant 0 : i32
          %dma_start3A_218 = tpu.memref_slice %arg2[%and3A_215, %dma_start3A_217] : memref<16384x64xf32, #tpu.memory_space<hbm>> -> memref<1x64xf32, #tpu.memory_space<hbm>>
          %dma_start3A_219 = arith.constant 0 : i32
          %dma_start3A_220 = tpu.memref_slice %arg17[%sub3A, %dma_start3A_219] : memref<128x64xf32, #tpu.memory_space<vmem>> -> memref<1x64xf32, #tpu.memory_space<vmem>>
          %dma_start3A_221 = arith.constant 0 : i32
          %dma_start3A_222 = tpu.memref_slice %arg2[%and3A_215, %dma_start3A_221] : memref<16384x64xf32, #tpu.memory_space<hbm>> -> memref<1x64xf32, #tpu.memory_space<hbm>>
          tpu.enqueue_dma source(%dma_start3A_222 : memref<1x64xf32, #tpu.memory_space<hbm>>) target(%dma_start3A_220 : memref<1x64xf32, #tpu.memory_space<vmem>>) target_semaphore(%arg21 : memref<!tpu.dma_semaphore, #tpu.memory_space<semaphore_mem>>)
        }
      } else {
      }
      %convert_element_type3A_174 = arith.extui %eq3A_165 : i1 to i32
      %cond3A_175 = arith.constant 0 : i32
      %cond3A_176 = arith.cmpi ne, %convert_element_type3A_174, %cond3A_175 : i32
      scf.if %cond3A_176 {
        %lt3A_186 = arith.constant 2 : i32
        %lt3A_187 = arith.cmpi slt, %while3A_118, %lt3A_186 : i32
        %convert_element_type3A_188 = arith.extui %lt3A_187 : i1 to i32
        %cond3A_189 = arith.constant 0 : i32
        %cond3A_190 = arith.cmpi ne, %convert_element_type3A_188, %cond3A_189 : i32
        scf.if %cond3A_190 {
          %scan3A_219 = arith.constant 0 : i32
          %scan3A_220 = arith.constant 0 : i32
          %scan3A_221 = arith.constant 64 : i32
          %scan3A_222 = arith.addi %scan3A_220, %scan3A_221 : i32
          %scan3A_223 = arith.constant 1 : i32
          scf.for %scan3A_225 = %scan3A_220 to %scan3A_222 step %scan3A_223  : i32 {
            %swap3A_226 = arith.index_cast %scan3A_225 : i32 to index
            %swap3A_227 = arith.constant 0 : index
            %swap3A_228 = tpu.vector_load %arg14[%swap3A_226, %swap3A_227] {strides = array<i32>} : memref<64x128xf32, #tpu.memory_space<vmem>>, vector<16xf32>,
            tpu.vector_store %arg14[%swap3A_226, %swap3A_227], %broadcast_in_dim3A_4 {strides = array<i32>} : memref<64x128xf32, #tpu.memory_space<vmem>>, vector<16xf32>,
            %swap3A_229 = arith.index_cast %scan3A_225 : i32 to index
            %swap3A_230 = arith.constant 16 : index
            %swap3A_231 = tpu.vector_load %arg14[%swap3A_229, %swap3A_230] {strides = array<i32>} : memref<64x128xf32, #tpu.memory_space<vmem>>, vector<16xf32>,
            tpu.vector_store %arg14[%swap3A_229, %swap3A_230], %broadcast_in_dim3A_4 {strides = array<i32>} : memref<64x128xf32, #tpu.memory_space<vmem>>, vector<16xf32>,
            %swap3A_232 = arith.index_cast %scan3A_225 : i32 to index
            %swap3A_233 = arith.constant 32 : index
            %swap3A_234 = tpu.vector_load %arg14[%swap3A_232, %swap3A_233] {strides = array<i32>} : memref<64x128xf32, #tpu.memory_space<vmem>>, vector<16xf32>,
            tpu.vector_store %arg14[%swap3A_232, %swap3A_233], %broadcast_in_dim3A_4 {strides = array<i32>} : memref<64x128xf32, #tpu.memory_space<vmem>>, vector<16xf32>,
            %swap3A_235 = arith.index_cast %scan3A_225 : i32 to index
            %swap3A_236 = arith.constant 48 : index
            %swap3A_237 = tpu.vector_load %arg14[%swap3A_235, %swap3A_236] {strides = array<i32>} : memref<64x128xf32, #tpu.memory_space<vmem>>, vector<16xf32>,
            tpu.vector_store %arg14[%swap3A_235, %swap3A_236], %broadcast_in_dim3A_4 {strides = array<i32>} : memref<64x128xf32, #tpu.memory_space<vmem>>, vector<16xf32>,
            %swap3A_238 = arith.index_cast %scan3A_225 : i32 to index
            %swap3A_239 = arith.constant 64 : index
            %swap3A_240 = tpu.vector_load %arg14[%swap3A_238, %swap3A_239] {strides = array<i32>} : memref<64x128xf32, #tpu.memory_space<vmem>>, vector<16xf32>,
            tpu.vector_store %arg14[%swap3A_238, %swap3A_239], %broadcast_in_dim3A_4 {strides = array<i32>} : memref<64x128xf32, #tpu.memory_space<vmem>>, vector<16xf32>,
            %swap3A_241 = arith.index_cast %scan3A_225 : i32 to index
            %swap3A_242 = arith.constant 80 : index
            %swap3A_243 = tpu.vector_load %arg14[%swap3A_241, %swap3A_242] {strides = array<i32>} : memref<64x128xf32, #tpu.memory_space<vmem>>, vector<16xf32>,
            tpu.vector_store %arg14[%swap3A_241, %swap3A_242], %broadcast_in_dim3A_4 {strides = array<i32>} : memref<64x128xf32, #tpu.memory_space<vmem>>, vector<16xf32>,
            %swap3A_244 = arith.index_cast %scan3A_225 : i32 to index
            %swap3A_245 = arith.constant 96 : index
            %swap3A_246 = tpu.vector_load %arg14[%swap3A_244, %swap3A_245] {strides = array<i32>} : memref<64x128xf32, #tpu.memory_space<vmem>>, vector<16xf32>,
            tpu.vector_store %arg14[%swap3A_244, %swap3A_245], %broadcast_in_dim3A_4 {strides = array<i32>} : memref<64x128xf32, #tpu.memory_space<vmem>>, vector<16xf32>,
            %swap3A_247 = arith.index_cast %scan3A_225 : i32 to index
            %swap3A_248 = arith.constant 112 : index
            %swap3A_249 = tpu.vector_load %arg14[%swap3A_247, %swap3A_248] {strides = array<i32>} : memref<64x128xf32, #tpu.memory_space<vmem>>, vector<16xf32>,
            tpu.vector_store %arg14[%swap3A_247, %swap3A_248], %broadcast_in_dim3A_4 {strides = array<i32>} : memref<64x128xf32, #tpu.memory_space<vmem>>, vector<16xf32>,
          }
          %scan3A_224 = arith.constant 64 : i32
        } else {
        }
        %ge3A = arith.constant 2 : i32
        %ge3A_191 = arith.cmpi sge, %while3A_118, %ge3A : i32
        %convert_element_type3A_192 = arith.extui %ge3A_191 : i1 to i32
        %cond3A_193 = arith.constant 0 : i32
        %cond3A_194 = arith.cmpi ne, %convert_element_type3A_192, %cond3A_193 : i32
        scf.if %cond3A_194 {
          %dma_wait3A_219 = arith.constant 0 : i32
          %dma_wait3A_220 = arith.constant 0 : i32
          %dma_wait3A_221 = tpu.memref_slice %arg6[%dma_wait3A_219, %dma_wait3A_220] : memref<64x500000xf32, #tpu.memory_space<hbm>> -> memref<64x128xf32, #tpu.memory_space<hbm>>
          %dma_wait3A_222 = arith.constant 0 : i32
          %dma_wait3A_223 = arith.constant 0 : i32
          %dma_wait3A_224 = tpu.memref_slice %arg6[%dma_wait3A_222, %dma_wait3A_223] : memref<64x500000xf32, #tpu.memory_space<hbm>> -> memref<64x128xf32, #tpu.memory_space<hbm>>
          tpu.wait_dma2 semaphore(%arg18 : memref<!tpu.dma_semaphore, #tpu.memory_space<semaphore_mem>>) src(%arg14 : memref<64x128xf32, #tpu.memory_space<vmem>>) dst(%dma_wait3A_224 : memref<64x128xf32, #tpu.memory_space<hbm>>)
          %while3A_225 = arith.constant 0 : i32
          %while3A_226 = arith.subi %while3A_122, %while3A_121 : i32
          %while3A_227 = arith.addi %while3A_121, %while3A_226 : i32
          %while3A_228 = arith.constant 1 : i32
          %while3A_229 = arith.divsi %while3A_226, %while3A_228 : i32
          %while3A_230 = arith.muli %while3A_229, %while3A_228 : i32
          %while3A_231 = arith.addi %while3A_121, %while3A_230 : i32
          %while3A_232 = arith.constant 1 : i32
          scf.for %while3A_234 = %while3A_121 to %while3A_231 step %while3A_232  : i32 {
            %shift_right_arithmetic3A_235 = arith.constant 4 : i32
            %shift_right_arithmetic3A_236 = arith.shrsi %while3A_234, %shift_right_arithmetic3A_235 : i32
            %shift_left3A_237 = arith.constant 4 : i32
            %shift_left3A_238 = arith.shli %shift_right_arithmetic3A_236, %shift_left3A_237 : i32
            %multiple_of3A_239 = tpu.assume_multiple %shift_left3A_238, 16 : i32
            %get3A_240 = arith.index_cast %multiple_of3A_239 : i32 to index
            %get3A_241 = tpu.vector_load %arg11[%get3A_240] {strides = array<i32>} : memref<15904xi32, #tpu.memory_space<vmem>>, vector<16xi32>,
            %and3A_242 = arith.constant 15 : i32
            %and3A_243 = arith.andi %while3A_234, %and3A_242 : i32
            %eq3A_244 = vector.broadcast %and3A_243 : i32 to vector<16xi32>
            %eq3A_245 = arith.cmpi eq, %iota3A, %eq3A_244 : vector<16xi32>
            %jit3A_246 = arith.constant 0 : i32
            %broadcast_in_dim3A_247 = vector.broadcast %jit3A_246 : i32 to vector<16xi32>
            %select_n3A_248 = arith.select %eq3A_245, %get3A_241, %broadcast_in_dim3A_247 : vector<16xi1>, vector<16xi32>
            %reduce_sum3A_249 = arith.constant true
            %reduce_sum3A_250 = vector.broadcast %reduce_sum3A_249 : i1 to vector<16xi1>
            %reduce_sum3A_251 = tpu.scan <sum>, %select_n3A_248 masked %reduce_sum3A_250 : vector<16xi32>, vector<16xi1> -> vector<16xi32>
            %reduce_sum3A_252 = vector.extract %reduce_sum3A_251[15] : i32 from vector<16xi32>
            %shift_right_arithmetic3A_253 = arith.constant 14 : i32
            %shift_right_arithmetic3A_254 = arith.shrsi %reduce_sum3A_252, %shift_right_arithmetic3A_253 : i32
            %sub3A = arith.constant 2 : i32
            %sub3A_255 = arith.subi %while3A_118, %sub3A : i32
            %mul3A_256 = arith.constant 128 : i32
            %mul3A_257 = arith.muli %sub3A_255, %mul3A_256 : i32
            %sub3A_258 = arith.subi %shift_right_arithmetic3A_254, %mul3A_257 : i32
            %mul3A_259 = arith.constant 0 : i32
            %mul3A_260 = vector.broadcast %mul3A_259 : i32 to vector<16xi32>
            %mul3A_261 = arith.muli %iota3A, %mul3A_260 : vector<16xi32>
            %add3A_262 = vector.broadcast %sub3A_258 : i32 to vector<16xi32>
            %add3A_263 = arith.addi %mul3A_261, %add3A_262 : vector<16xi32>
            %add3A_264 = arith.constant 0 : i32
            %add3A_265 = vector.broadcast %add3A_264 : i32 to vector<16xi32>
            %add3A_266 = arith.addi %add3A_265, %iota3A : vector<16xi32>
            tpu.vector_store_idx %arg14[%add3A_266, %add3A_263], %broadcast_in_dim3A_4 : memref<64x128xf32, #tpu.memory_space<vmem>>[vector<16xi32>, vector<16xi32>], vector<16xf32>,
            %add3A_267 = arith.constant 16 : i32
            %add3A_268 = vector.broadcast %add3A_267 : i32 to vector<16xi32>
            %add3A_269 = arith.addi %add3A_268, %iota3A : vector<16xi32>
            tpu.vector_store_idx %arg14[%add3A_269, %add3A_263], %broadcast_in_dim3A_4 : memref<64x128xf32, #tpu.memory_space<vmem>>[vector<16xi32>, vector<16xi32>], vector<16xf32>,
            %add3A_270 = arith.constant 32 : i32
            %add3A_271 = vector.broadcast %add3A_270 : i32 to vector<16xi32>
            %add3A_272 = arith.addi %add3A_271, %iota3A : vector<16xi32>
            tpu.vector_store_idx %arg14[%add3A_272, %add3A_263], %broadcast_in_dim3A_4 : memref<64x128xf32, #tpu.memory_space<vmem>>[vector<16xi32>, vector<16xi32>], vector<16xf32>,
            %add3A_273 = arith.constant 48 : i32
            %add3A_274 = vector.broadcast %add3A_273 : i32 to vector<16xi32>
            %add3A_275 = arith.addi %add3A_274, %iota3A : vector<16xi32>
            tpu.vector_store_idx %arg14[%add3A_275, %add3A_263], %broadcast_in_dim3A_4 : memref<64x128xf32, #tpu.memory_space<vmem>>[vector<16xi32>, vector<16xi32>], vector<16xf32>,
          }
          %while3A_233 = arith.constant 1 : i32
          scf.for %while3A_234 = %while3A_231 to %while3A_227 step %while3A_233  : i32 {
            %shift_right_arithmetic3A_235 = arith.constant 4 : i32
            %shift_right_arithmetic3A_236 = arith.shrsi %while3A_234, %shift_right_arithmetic3A_235 : i32
            %shift_left3A_237 = arith.constant 4 : i32
            %shift_left3A_238 = arith.shli %shift_right_arithmetic3A_236, %shift_left3A_237 : i32
            %multiple_of3A_239 = tpu.assume_multiple %shift_left3A_238, 16 : i32
            %get3A_240 = arith.index_cast %multiple_of3A_239 : i32 to index
            %get3A_241 = tpu.vector_load %arg11[%get3A_240] {strides = array<i32>} : memref<15904xi32, #tpu.memory_space<vmem>>, vector<16xi32>,
            %and3A_242 = arith.constant 15 : i32
            %and3A_243 = arith.andi %while3A_234, %and3A_242 : i32
            %eq3A_244 = vector.broadcast %and3A_243 : i32 to vector<16xi32>
            %eq3A_245 = arith.cmpi eq, %iota3A, %eq3A_244 : vector<16xi32>
            %jit3A_246 = arith.constant 0 : i32
            %broadcast_in_dim3A_247 = vector.broadcast %jit3A_246 : i32 to vector<16xi32>
            %select_n3A_248 = arith.select %eq3A_245, %get3A_241, %broadcast_in_dim3A_247 : vector<16xi1>, vector<16xi32>
            %reduce_sum3A_249 = arith.constant true
            %reduce_sum3A_250 = vector.broadcast %reduce_sum3A_249 : i1 to vector<16xi1>
            %reduce_sum3A_251 = tpu.scan <sum>, %select_n3A_248 masked %reduce_sum3A_250 : vector<16xi32>, vector<16xi1> -> vector<16xi32>
            %reduce_sum3A_252 = vector.extract %reduce_sum3A_251[15] : i32 from vector<16xi32>
            %shift_right_arithmetic3A_253 = arith.constant 14 : i32
            %shift_right_arithmetic3A_254 = arith.shrsi %reduce_sum3A_252, %shift_right_arithmetic3A_253 : i32
            %sub3A = arith.constant 2 : i32
            %sub3A_255 = arith.subi %while3A_118, %sub3A : i32
            %mul3A_256 = arith.constant 128 : i32
            %mul3A_257 = arith.muli %sub3A_255, %mul3A_256 : i32
            %sub3A_258 = arith.subi %shift_right_arithmetic3A_254, %mul3A_257 : i32
            %mul3A_259 = arith.constant 0 : i32
            %mul3A_260 = vector.broadcast %mul3A_259 : i32 to vector<16xi32>
            %mul3A_261 = arith.muli %iota3A, %mul3A_260 : vector<16xi32>
            %add3A_262 = vector.broadcast %sub3A_258 : i32 to vector<16xi32>
            %add3A_263 = arith.addi %mul3A_261, %add3A_262 : vector<16xi32>
            %add3A_264 = arith.constant 0 : i32
            %add3A_265 = vector.broadcast %add3A_264 : i32 to vector<16xi32>
            %add3A_266 = arith.addi %add3A_265, %iota3A : vector<16xi32>
            tpu.vector_store_idx %arg14[%add3A_266, %add3A_263], %broadcast_in_dim3A_4 : memref<64x128xf32, #tpu.memory_space<vmem>>[vector<16xi32>, vector<16xi32>], vector<16xf32>,
            %add3A_267 = arith.constant 16 : i32
            %add3A_268 = vector.broadcast %add3A_267 : i32 to vector<16xi32>
            %add3A_269 = arith.addi %add3A_268, %iota3A : vector<16xi32>
            tpu.vector_store_idx %arg14[%add3A_269, %add3A_263], %broadcast_in_dim3A_4 : memref<64x128xf32, #tpu.memory_space<vmem>>[vector<16xi32>, vector<16xi32>], vector<16xf32>,
            %add3A_270 = arith.constant 32 : i32
            %add3A_271 = vector.broadcast %add3A_270 : i32 to vector<16xi32>
            %add3A_272 = arith.addi %add3A_271, %iota3A : vector<16xi32>
            tpu.vector_store_idx %arg14[%add3A_272, %add3A_263], %broadcast_in_dim3A_4 : memref<64x128xf32, #tpu.memory_space<vmem>>[vector<16xi32>, vector<16xi32>], vector<16xf32>,
            %add3A_273 = arith.constant 48 : i32
            %add3A_274 = vector.broadcast %add3A_273 : i32 to vector<16xi32>
            %add3A_275 = arith.addi %add3A_274, %iota3A : vector<16xi32>
            tpu.vector_store_idx %arg14[%add3A_275, %add3A_263], %broadcast_in_dim3A_4 : memref<64x128xf32, #tpu.memory_space<vmem>>[vector<16xi32>, vector<16xi32>], vector<16xf32>,
          }
        } else {
        }
        %while3A_195 = arith.constant 0 : i32
        %while3A_196 = arith.subi %while3A_120, %while3A_119 : i32
        %while3A_197 = arith.addi %while3A_119, %while3A_196 : i32
        %while3A_198 = arith.constant 1 : i32
        %while3A_199 = arith.divsi %while3A_196, %while3A_198 : i32
        %while3A_200 = arith.muli %while3A_199, %while3A_198 : i32
        %while3A_201 = arith.addi %while3A_119, %while3A_200 : i32
        %while3A_202 = arith.constant 1 : i32
        scf.for %while3A_219 = %while3A_119 to %while3A_201 step %while3A_202  : i32 {
          %dma_wait3A_220 = arith.constant 0 : i32
          %dma_wait3A_221 = arith.constant 0 : i32
          %dma_wait3A_222 = tpu.memref_slice %arg16[%dma_wait3A_220, %dma_wait3A_221] : memref<128x64xf32, #tpu.memory_space<vmem>> -> memref<1x64xf32, #tpu.memory_space<vmem>>
          %dma_wait3A_223 = arith.constant 0 : i32
          %dma_wait3A_224 = arith.constant 0 : i32
          %dma_wait3A_225 = tpu.memref_slice %arg2[%dma_wait3A_223, %dma_wait3A_224] : memref<16384x64xf32, #tpu.memory_space<hbm>> -> memref<1x64xf32, #tpu.memory_space<hbm>>
          %dma_wait3A_226 = arith.constant 0 : i32
          %dma_wait3A_227 = arith.constant 0 : i32
          %dma_wait3A_228 = tpu.memref_slice %arg16[%dma_wait3A_226, %dma_wait3A_227] : memref<128x64xf32, #tpu.memory_space<vmem>> -> memref<1x64xf32, #tpu.memory_space<vmem>>
          %dma_wait3A_229 = arith.constant 0 : i32
          %dma_wait3A_230 = arith.constant 0 : i32
          %dma_wait3A_231 = tpu.memref_slice %arg2[%dma_wait3A_229, %dma_wait3A_230] : memref<16384x64xf32, #tpu.memory_space<hbm>> -> memref<1x64xf32, #tpu.memory_space<hbm>>
          tpu.wait_dma2 semaphore(%arg20 : memref<!tpu.dma_semaphore, #tpu.memory_space<semaphore_mem>>) src(%dma_wait3A_231 : memref<1x64xf32, #tpu.memory_space<hbm>>) dst(%dma_wait3A_228 : memref<1x64xf32, #tpu.memory_space<vmem>>)
        }
        %while3A_203 = arith.constant 1 : i32
        scf.for %while3A_219 = %while3A_201 to %while3A_197 step %while3A_203  : i32 {
          %dma_wait3A_220 = arith.constant 0 : i32
          %dma_wait3A_221 = arith.constant 0 : i32
          %dma_wait3A_222 = tpu.memref_slice %arg16[%dma_wait3A_220, %dma_wait3A_221] : memref<128x64xf32, #tpu.memory_space<vmem>> -> memref<1x64xf32, #tpu.memory_space<vmem>>
          %dma_wait3A_223 = arith.constant 0 : i32
          %dma_wait3A_224 = arith.constant 0 : i32
          %dma_wait3A_225 = tpu.memref_slice %arg2[%dma_wait3A_223, %dma_wait3A_224] : memref<16384x64xf32, #tpu.memory_space<hbm>> -> memref<1x64xf32, #tpu.memory_space<hbm>>
          %dma_wait3A_226 = arith.constant 0 : i32
          %dma_wait3A_227 = arith.constant 0 : i32
          %dma_wait3A_228 = tpu.memref_slice %arg16[%dma_wait3A_226, %dma_wait3A_227] : memref<128x64xf32, #tpu.memory_space<vmem>> -> memref<1x64xf32, #tpu.memory_space<vmem>>
          %dma_wait3A_229 = arith.constant 0 : i32
          %dma_wait3A_230 = arith.constant 0 : i32
          %dma_wait3A_231 = tpu.memref_slice %arg2[%dma_wait3A_229, %dma_wait3A_230] : memref<16384x64xf32, #tpu.memory_space<hbm>> -> memref<1x64xf32, #tpu.memory_space<hbm>>
          tpu.wait_dma2 semaphore(%arg20 : memref<!tpu.dma_semaphore, #tpu.memory_space<semaphore_mem>>) src(%dma_wait3A_231 : memref<1x64xf32, #tpu.memory_space<hbm>>) dst(%dma_wait3A_228 : memref<1x64xf32, #tpu.memory_space<vmem>>)
        }
        %while3A_204 = arith.constant 0 : i32
        %while3A_205 = arith.subi %while3A_120, %while3A_119 : i32
        %while3A_206 = arith.addi %while3A_119, %while3A_205 : i32
        %while3A_207 = arith.constant 1 : i32
        %while3A_208 = arith.divsi %while3A_205, %while3A_207 : i32
        %while3A_209 = arith.muli %while3A_208, %while3A_207 : i32
        %while3A_210 = arith.addi %while3A_119, %while3A_209 : i32
        %while3A_211 = arith.constant 1 : i32
        scf.for %while3A_219 = %while3A_119 to %while3A_210 step %while3A_211  : i32 {
          %shift_right_arithmetic3A_220 = arith.constant 4 : i32
          %shift_right_arithmetic3A_221 = arith.shrsi %while3A_219, %shift_right_arithmetic3A_220 : i32
          %shift_left3A_222 = arith.constant 4 : i32
          %shift_left3A_223 = arith.shli %shift_right_arithmetic3A_221, %shift_left3A_222 : i32
          %multiple_of3A_224 = tpu.assume_multiple %shift_left3A_223, 16 : i32
          %get3A_225 = arith.index_cast %multiple_of3A_224 : i32 to index
          %get3A_226 = tpu.vector_load %arg11[%get3A_225] {strides = array<i32>} : memref<15904xi32, #tpu.memory_space<vmem>>, vector<16xi32>,
          %and3A_227 = arith.constant 15 : i32
          %and3A_228 = arith.andi %while3A_219, %and3A_227 : i32
          %eq3A_229 = vector.broadcast %and3A_228 : i32 to vector<16xi32>
          %eq3A_230 = arith.cmpi eq, %iota3A, %eq3A_229 : vector<16xi32>
          %jit3A_231 = arith.constant 0 : i32
          %broadcast_in_dim3A_232 = vector.broadcast %jit3A_231 : i32 to vector<16xi32>
          %select_n3A_233 = arith.select %eq3A_230, %get3A_226, %broadcast_in_dim3A_232 : vector<16xi1>, vector<16xi32>
          %reduce_sum3A_234 = arith.constant true
          %reduce_sum3A_235 = vector.broadcast %reduce_sum3A_234 : i1 to vector<16xi1>
          %reduce_sum3A_236 = tpu.scan <sum>, %select_n3A_233 masked %reduce_sum3A_235 : vector<16xi32>, vector<16xi1> -> vector<16xi32>
          %reduce_sum3A_237 = vector.extract %reduce_sum3A_236[15] : i32 from vector<16xi32>
          %shift_right_arithmetic3A_238 = arith.constant 14 : i32
          %shift_right_arithmetic3A_239 = arith.shrsi %reduce_sum3A_237, %shift_right_arithmetic3A_238 : i32
          %mul3A_240 = arith.constant 128 : i32
          %mul3A_241 = arith.muli %while3A_118, %mul3A_240 : i32
          %sub3A = arith.subi %shift_right_arithmetic3A_239, %mul3A_241 : i32
          %mul3A_242 = arith.constant 0 : i32
          %mul3A_243 = vector.broadcast %mul3A_242 : i32 to vector<16xi32>
          %mul3A_244 = arith.muli %iota3A, %mul3A_243 : vector<16xi32>
          %add3A_245 = vector.broadcast %sub3A : i32 to vector<16xi32>
          %add3A_246 = arith.addi %mul3A_244, %add3A_245 : vector<16xi32>
          %sub3A_247 = arith.subi %while3A_219, %while3A_119 : i32
          %get3A_248 = arith.index_cast %sub3A_247 : i32 to index
          %get3A_249 = arith.constant 0 : index
          %get3A_250 = tpu.vector_load %arg16[%get3A_248, %get3A_249] {strides = array<i32>} : memref<128x64xf32, #tpu.memory_space<vmem>>, vector<16xf32>,
          %mul3A_251 = arith.constant 1.000000e-01 : f32
          %mul3A_252 = vector.broadcast %mul3A_251 : f32 to vector<16xf32>
          %mul3A_253 = arith.mulf %get3A_250, %mul3A_252 : vector<16xf32>
          %add3A_254 = arith.constant 0 : i32
          %add3A_255 = vector.broadcast %add3A_254 : i32 to vector<16xi32>
          %add3A_256 = arith.addi %add3A_255, %iota3A : vector<16xi32>
          tpu.vector_store_idx %arg14[%add3A_256, %add3A_246], %mul3A_253 : memref<64x128xf32, #tpu.memory_space<vmem>>[vector<16xi32>, vector<16xi32>], vector<16xf32>,
          %get3A_257 = arith.index_cast %sub3A_247 : i32 to index
          %get3A_258 = arith.constant 16 : index
          %get3A_259 = tpu.vector_load %arg16[%get3A_257, %get3A_258] {strides = array<i32>} : memref<128x64xf32, #tpu.memory_space<vmem>>, vector<16xf32>,
          %mul3A_260 = arith.constant 1.000000e-01 : f32
          %mul3A_261 = vector.broadcast %mul3A_260 : f32 to vector<16xf32>
          %mul3A_262 = arith.mulf %get3A_259, %mul3A_261 : vector<16xf32>
          %add3A_263 = arith.constant 16 : i32
          %add3A_264 = vector.broadcast %add3A_263 : i32 to vector<16xi32>
          %add3A_265 = arith.addi %add3A_264, %iota3A : vector<16xi32>
          tpu.vector_store_idx %arg14[%add3A_265, %add3A_246], %mul3A_262 : memref<64x128xf32, #tpu.memory_space<vmem>>[vector<16xi32>, vector<16xi32>], vector<16xf32>,
          %get3A_266 = arith.index_cast %sub3A_247 : i32 to index
          %get3A_267 = arith.constant 32 : index
          %get3A_268 = tpu.vector_load %arg16[%get3A_266, %get3A_267] {strides = array<i32>} : memref<128x64xf32, #tpu.memory_space<vmem>>, vector<16xf32>,
          %mul3A_269 = arith.constant 1.000000e-01 : f32
          %mul3A_270 = vector.broadcast %mul3A_269 : f32 to vector<16xf32>
          %mul3A_271 = arith.mulf %get3A_268, %mul3A_270 : vector<16xf32>
          %add3A_272 = arith.constant 32 : i32
          %add3A_273 = vector.broadcast %add3A_272 : i32 to vector<16xi32>
          %add3A_274 = arith.addi %add3A_273, %iota3A : vector<16xi32>
          tpu.vector_store_idx %arg14[%add3A_274, %add3A_246], %mul3A_271 : memref<64x128xf32, #tpu.memory_space<vmem>>[vector<16xi32>, vector<16xi32>], vector<16xf32>,
          %get3A_275 = arith.index_cast %sub3A_247 : i32 to index
          %get3A_276 = arith.constant 48 : index
          %get3A_277 = tpu.vector_load %arg16[%get3A_275, %get3A_276] {strides = array<i32>} : memref<128x64xf32, #tpu.memory_space<vmem>>, vector<16xf32>,
          %mul3A_278 = arith.constant 1.000000e-01 : f32
          %mul3A_279 = vector.broadcast %mul3A_278 : f32 to vector<16xf32>
          %mul3A_280 = arith.mulf %get3A_277, %mul3A_279 : vector<16xf32>
          %add3A_281 = arith.constant 48 : i32
          %add3A_282 = vector.broadcast %add3A_281 : i32 to vector<16xi32>
          %add3A_283 = arith.addi %add3A_282, %iota3A : vector<16xi32>
          tpu.vector_store_idx %arg14[%add3A_283, %add3A_246], %mul3A_280 : memref<64x128xf32, #tpu.memory_space<vmem>>[vector<16xi32>, vector<16xi32>], vector<16xf32>,
        }
        %while3A_212 = arith.constant 1 : i32
        scf.for %while3A_219 = %while3A_210 to %while3A_206 step %while3A_212  : i32 {
          %shift_right_arithmetic3A_220 = arith.constant 4 : i32
          %shift_right_arithmetic3A_221 = arith.shrsi %while3A_219, %shift_right_arithmetic3A_220 : i32
          %shift_left3A_222 = arith.constant 4 : i32
          %shift_left3A_223 = arith.shli %shift_right_arithmetic3A_221, %shift_left3A_222 : i32
          %multiple_of3A_224 = tpu.assume_multiple %shift_left3A_223, 16 : i32
          %get3A_225 = arith.index_cast %multiple_of3A_224 : i32 to index
          %get3A_226 = tpu.vector_load %arg11[%get3A_225] {strides = array<i32>} : memref<15904xi32, #tpu.memory_space<vmem>>, vector<16xi32>,
          %and3A_227 = arith.constant 15 : i32
          %and3A_228 = arith.andi %while3A_219, %and3A_227 : i32
          %eq3A_229 = vector.broadcast %and3A_228 : i32 to vector<16xi32>
          %eq3A_230 = arith.cmpi eq, %iota3A, %eq3A_229 : vector<16xi32>
          %jit3A_231 = arith.constant 0 : i32
          %broadcast_in_dim3A_232 = vector.broadcast %jit3A_231 : i32 to vector<16xi32>
          %select_n3A_233 = arith.select %eq3A_230, %get3A_226, %broadcast_in_dim3A_232 : vector<16xi1>, vector<16xi32>
          %reduce_sum3A_234 = arith.constant true
          %reduce_sum3A_235 = vector.broadcast %reduce_sum3A_234 : i1 to vector<16xi1>
          %reduce_sum3A_236 = tpu.scan <sum>, %select_n3A_233 masked %reduce_sum3A_235 : vector<16xi32>, vector<16xi1> -> vector<16xi32>
          %reduce_sum3A_237 = vector.extract %reduce_sum3A_236[15] : i32 from vector<16xi32>
          %shift_right_arithmetic3A_238 = arith.constant 14 : i32
          %shift_right_arithmetic3A_239 = arith.shrsi %reduce_sum3A_237, %shift_right_arithmetic3A_238 : i32
          %mul3A_240 = arith.constant 128 : i32
          %mul3A_241 = arith.muli %while3A_118, %mul3A_240 : i32
          %sub3A = arith.subi %shift_right_arithmetic3A_239, %mul3A_241 : i32
          %mul3A_242 = arith.constant 0 : i32
          %mul3A_243 = vector.broadcast %mul3A_242 : i32 to vector<16xi32>
          %mul3A_244 = arith.muli %iota3A, %mul3A_243 : vector<16xi32>
          %add3A_245 = vector.broadcast %sub3A : i32 to vector<16xi32>
          %add3A_246 = arith.addi %mul3A_244, %add3A_245 : vector<16xi32>
          %sub3A_247 = arith.subi %while3A_219, %while3A_119 : i32
          %get3A_248 = arith.index_cast %sub3A_247 : i32 to index
          %get3A_249 = arith.constant 0 : index
          %get3A_250 = tpu.vector_load %arg16[%get3A_248, %get3A_249] {strides = array<i32>} : memref<128x64xf32, #tpu.memory_space<vmem>>, vector<16xf32>,
          %mul3A_251 = arith.constant 1.000000e-01 : f32
          %mul3A_252 = vector.broadcast %mul3A_251 : f32 to vector<16xf32>
          %mul3A_253 = arith.mulf %get3A_250, %mul3A_252 : vector<16xf32>
          %add3A_254 = arith.constant 0 : i32
          %add3A_255 = vector.broadcast %add3A_254 : i32 to vector<16xi32>
          %add3A_256 = arith.addi %add3A_255, %iota3A : vector<16xi32>
          tpu.vector_store_idx %arg14[%add3A_256, %add3A_246], %mul3A_253 : memref<64x128xf32, #tpu.memory_space<vmem>>[vector<16xi32>, vector<16xi32>], vector<16xf32>,
          %get3A_257 = arith.index_cast %sub3A_247 : i32 to index
          %get3A_258 = arith.constant 16 : index
          %get3A_259 = tpu.vector_load %arg16[%get3A_257, %get3A_258] {strides = array<i32>} : memref<128x64xf32, #tpu.memory_space<vmem>>, vector<16xf32>,
          %mul3A_260 = arith.constant 1.000000e-01 : f32
          %mul3A_261 = vector.broadcast %mul3A_260 : f32 to vector<16xf32>
          %mul3A_262 = arith.mulf %get3A_259, %mul3A_261 : vector<16xf32>
          %add3A_263 = arith.constant 16 : i32
          %add3A_264 = vector.broadcast %add3A_263 : i32 to vector<16xi32>
          %add3A_265 = arith.addi %add3A_264, %iota3A : vector<16xi32>
          tpu.vector_store_idx %arg14[%add3A_265, %add3A_246], %mul3A_262 : memref<64x128xf32, #tpu.memory_space<vmem>>[vector<16xi32>, vector<16xi32>], vector<16xf32>,
          %get3A_266 = arith.index_cast %sub3A_247 : i32 to index
          %get3A_267 = arith.constant 32 : index
          %get3A_268 = tpu.vector_load %arg16[%get3A_266, %get3A_267] {strides = array<i32>} : memref<128x64xf32, #tpu.memory_space<vmem>>, vector<16xf32>,
          %mul3A_269 = arith.constant 1.000000e-01 : f32
          %mul3A_270 = vector.broadcast %mul3A_269 : f32 to vector<16xf32>
          %mul3A_271 = arith.mulf %get3A_268, %mul3A_270 : vector<16xf32>
          %add3A_272 = arith.constant 32 : i32
          %add3A_273 = vector.broadcast %add3A_272 : i32 to vector<16xi32>
          %add3A_274 = arith.addi %add3A_273, %iota3A : vector<16xi32>
          tpu.vector_store_idx %arg14[%add3A_274, %add3A_246], %mul3A_271 : memref<64x128xf32, #tpu.memory_space<vmem>>[vector<16xi32>, vector<16xi32>], vector<16xf32>,
          %get3A_275 = arith.index_cast %sub3A_247 : i32 to index
          %get3A_276 = arith.constant 48 : index
          %get3A_277 = tpu.vector_load %arg16[%get3A_275, %get3A_276] {strides = array<i32>} : memref<128x64xf32, #tpu.memory_space<vmem>>, vector<16xf32>,
          %mul3A_278 = arith.constant 1.000000e-01 : f32
          %mul3A_279 = vector.broadcast %mul3A_278 : f32 to vector<16xf32>
          %mul3A_280 = arith.mulf %get3A_277, %mul3A_279 : vector<16xf32>
          %add3A_281 = arith.constant 48 : i32
          %add3A_282 = vector.broadcast %add3A_281 : i32 to vector<16xi32>
          %add3A_283 = arith.addi %add3A_282, %iota3A : vector<16xi32>
          tpu.vector_store_idx %arg14[%add3A_283, %add3A_246], %mul3A_280 : memref<64x128xf32, #tpu.memory_space<vmem>>[vector<16xi32>, vector<16xi32>], vector<16xf32>,
        }
        %mul3A_213 = arith.constant 128 : i32
        %mul3A_214 = arith.muli %while3A_118, %mul3A_213 : i32
        %add3A_215 = arith.addi %mul3A_2, %mul3A_214 : i32
        %dma_start3A = arith.constant 0 : i32
        %dma_start3A_216 = tpu.memref_slice %arg6[%dma_start3A, %add3A_215] : memref<64x500000xf32, #tpu.memory_space<hbm>> -> memref<64x128xf32, #tpu.memory_space<hbm>>
        %dma_start3A_217 = arith.constant 0 : i32
        %dma_start3A_218 = tpu.memref_slice %arg6[%dma_start3A_217, %add3A_215] : memref<64x500000xf32, #tpu.memory_space<hbm>> -> memref<64x128xf32, #tpu.memory_space<hbm>>
        tpu.enqueue_dma source(%arg14 : memref<64x128xf32, #tpu.memory_space<vmem>>) target(%dma_start3A_218 : memref<64x128xf32, #tpu.memory_space<hbm>>) target_semaphore(%arg18 : memref<!tpu.dma_semaphore, #tpu.memory_space<semaphore_mem>>)
      } else {
      }
      %not3A_177 = arith.constant true
      %not3A_178 = arith.xori %eq3A_165, %not3A_177 : i1
      %convert_element_type3A_179 = arith.extui %not3A_178 : i1 to i32
      %cond3A_180 = arith.constant 0 : i32
      %cond3A_181 = arith.cmpi ne, %convert_element_type3A_179, %cond3A_180 : i32
      scf.if %cond3A_181 {
        %lt3A_186 = arith.constant 2 : i32
        %lt3A_187 = arith.cmpi slt, %while3A_118, %lt3A_186 : i32
        %convert_element_type3A_188 = arith.extui %lt3A_187 : i1 to i32
        %cond3A_189 = arith.constant 0 : i32
        %cond3A_190 = arith.cmpi ne, %convert_element_type3A_188, %cond3A_189 : i32
        scf.if %cond3A_190 {
          %scan3A_219 = arith.constant 0 : i32
          %scan3A_220 = arith.constant 0 : i32
          %scan3A_221 = arith.constant 64 : i32
          %scan3A_222 = arith.addi %scan3A_220, %scan3A_221 : i32
          %scan3A_223 = arith.constant 1 : i32
          scf.for %scan3A_225 = %scan3A_220 to %scan3A_222 step %scan3A_223  : i32 {
            %swap3A_226 = arith.index_cast %scan3A_225 : i32 to index
            %swap3A_227 = arith.constant 0 : index
            %swap3A_228 = tpu.vector_load %arg15[%swap3A_226, %swap3A_227] {strides = array<i32>} : memref<64x128xf32, #tpu.memory_space<vmem>>, vector<16xf32>,
            tpu.vector_store %arg15[%swap3A_226, %swap3A_227], %broadcast_in_dim3A_4 {strides = array<i32>} : memref<64x128xf32, #tpu.memory_space<vmem>>, vector<16xf32>,
            %swap3A_229 = arith.index_cast %scan3A_225 : i32 to index
            %swap3A_230 = arith.constant 16 : index
            %swap3A_231 = tpu.vector_load %arg15[%swap3A_229, %swap3A_230] {strides = array<i32>} : memref<64x128xf32, #tpu.memory_space<vmem>>, vector<16xf32>,
            tpu.vector_store %arg15[%swap3A_229, %swap3A_230], %broadcast_in_dim3A_4 {strides = array<i32>} : memref<64x128xf32, #tpu.memory_space<vmem>>, vector<16xf32>,
            %swap3A_232 = arith.index_cast %scan3A_225 : i32 to index
            %swap3A_233 = arith.constant 32 : index
            %swap3A_234 = tpu.vector_load %arg15[%swap3A_232, %swap3A_233] {strides = array<i32>} : memref<64x128xf32, #tpu.memory_space<vmem>>, vector<16xf32>,
            tpu.vector_store %arg15[%swap3A_232, %swap3A_233], %broadcast_in_dim3A_4 {strides = array<i32>} : memref<64x128xf32, #tpu.memory_space<vmem>>, vector<16xf32>,
            %swap3A_235 = arith.index_cast %scan3A_225 : i32 to index
            %swap3A_236 = arith.constant 48 : index
            %swap3A_237 = tpu.vector_load %arg15[%swap3A_235, %swap3A_236] {strides = array<i32>} : memref<64x128xf32, #tpu.memory_space<vmem>>, vector<16xf32>,
            tpu.vector_store %arg15[%swap3A_235, %swap3A_236], %broadcast_in_dim3A_4 {strides = array<i32>} : memref<64x128xf32, #tpu.memory_space<vmem>>, vector<16xf32>,
            %swap3A_238 = arith.index_cast %scan3A_225 : i32 to index
            %swap3A_239 = arith.constant 64 : index
            %swap3A_240 = tpu.vector_load %arg15[%swap3A_238, %swap3A_239] {strides = array<i32>} : memref<64x128xf32, #tpu.memory_space<vmem>>, vector<16xf32>,
            tpu.vector_store %arg15[%swap3A_238, %swap3A_239], %broadcast_in_dim3A_4 {strides = array<i32>} : memref<64x128xf32, #tpu.memory_space<vmem>>, vector<16xf32>,
            %swap3A_241 = arith.index_cast %scan3A_225 : i32 to index
            %swap3A_242 = arith.constant 80 : index
            %swap3A_243 = tpu.vector_load %arg15[%swap3A_241, %swap3A_242] {strides = array<i32>} : memref<64x128xf32, #tpu.memory_space<vmem>>, vector<16xf32>,
            tpu.vector_store %arg15[%swap3A_241, %swap3A_242], %broadcast_in_dim3A_4 {strides = array<i32>} : memref<64x128xf32, #tpu.memory_space<vmem>>, vector<16xf32>,
            %swap3A_244 = arith.index_cast %scan3A_225 : i32 to index
            %swap3A_245 = arith.constant 96 : index
            %swap3A_246 = tpu.vector_load %arg15[%swap3A_244, %swap3A_245] {strides = array<i32>} : memref<64x128xf32, #tpu.memory_space<vmem>>, vector<16xf32>,
            tpu.vector_store %arg15[%swap3A_244, %swap3A_245], %broadcast_in_dim3A_4 {strides = array<i32>} : memref<64x128xf32, #tpu.memory_space<vmem>>, vector<16xf32>,
            %swap3A_247 = arith.index_cast %scan3A_225 : i32 to index
            %swap3A_248 = arith.constant 112 : index
            %swap3A_249 = tpu.vector_load %arg15[%swap3A_247, %swap3A_248] {strides = array<i32>} : memref<64x128xf32, #tpu.memory_space<vmem>>, vector<16xf32>,
            tpu.vector_store %arg15[%swap3A_247, %swap3A_248], %broadcast_in_dim3A_4 {strides = array<i32>} : memref<64x128xf32, #tpu.memory_space<vmem>>, vector<16xf32>,
          }
          %scan3A_224 = arith.constant 64 : i32
        } else {
        }
        %ge3A = arith.constant 2 : i32
        %ge3A_191 = arith.cmpi sge, %while3A_118, %ge3A : i32
        %convert_element_type3A_192 = arith.extui %ge3A_191 : i1 to i32
        %cond3A_193 = arith.constant 0 : i32
        %cond3A_194 = arith.cmpi ne, %convert_element_type3A_192, %cond3A_193 : i32
        scf.if %cond3A_194 {
          %dma_wait3A_219 = arith.constant 0 : i32
          %dma_wait3A_220 = arith.constant 0 : i32
          %dma_wait3A_221 = tpu.memref_slice %arg6[%dma_wait3A_219, %dma_wait3A_220] : memref<64x500000xf32, #tpu.memory_space<hbm>> -> memref<64x128xf32, #tpu.memory_space<hbm>>
          %dma_wait3A_222 = arith.constant 0 : i32
          %dma_wait3A_223 = arith.constant 0 : i32
          %dma_wait3A_224 = tpu.memref_slice %arg6[%dma_wait3A_222, %dma_wait3A_223] : memref<64x500000xf32, #tpu.memory_space<hbm>> -> memref<64x128xf32, #tpu.memory_space<hbm>>
          tpu.wait_dma2 semaphore(%arg19 : memref<!tpu.dma_semaphore, #tpu.memory_space<semaphore_mem>>) src(%arg15 : memref<64x128xf32, #tpu.memory_space<vmem>>) dst(%dma_wait3A_224 : memref<64x128xf32, #tpu.memory_space<hbm>>)
          %while3A_225 = arith.constant 0 : i32
          %while3A_226 = arith.subi %while3A_124, %while3A_123 : i32
          %while3A_227 = arith.addi %while3A_123, %while3A_226 : i32
          %while3A_228 = arith.constant 1 : i32
          %while3A_229 = arith.divsi %while3A_226, %while3A_228 : i32
          %while3A_230 = arith.muli %while3A_229, %while3A_228 : i32
          %while3A_231 = arith.addi %while3A_123, %while3A_230 : i32
          %while3A_232 = arith.constant 1 : i32
          scf.for %while3A_234 = %while3A_123 to %while3A_231 step %while3A_232  : i32 {
            %shift_right_arithmetic3A_235 = arith.constant 4 : i32
            %shift_right_arithmetic3A_236 = arith.shrsi %while3A_234, %shift_right_arithmetic3A_235 : i32
            %shift_left3A_237 = arith.constant 4 : i32
            %shift_left3A_238 = arith.shli %shift_right_arithmetic3A_236, %shift_left3A_237 : i32
            %multiple_of3A_239 = tpu.assume_multiple %shift_left3A_238, 16 : i32
            %get3A_240 = arith.index_cast %multiple_of3A_239 : i32 to index
            %get3A_241 = tpu.vector_load %arg11[%get3A_240] {strides = array<i32>} : memref<15904xi32, #tpu.memory_space<vmem>>, vector<16xi32>,
            %and3A_242 = arith.constant 15 : i32
            %and3A_243 = arith.andi %while3A_234, %and3A_242 : i32
            %eq3A_244 = vector.broadcast %and3A_243 : i32 to vector<16xi32>
            %eq3A_245 = arith.cmpi eq, %iota3A, %eq3A_244 : vector<16xi32>
            %jit3A_246 = arith.constant 0 : i32
            %broadcast_in_dim3A_247 = vector.broadcast %jit3A_246 : i32 to vector<16xi32>
            %select_n3A_248 = arith.select %eq3A_245, %get3A_241, %broadcast_in_dim3A_247 : vector<16xi1>, vector<16xi32>
            %reduce_sum3A_249 = arith.constant true
            %reduce_sum3A_250 = vector.broadcast %reduce_sum3A_249 : i1 to vector<16xi1>
            %reduce_sum3A_251 = tpu.scan <sum>, %select_n3A_248 masked %reduce_sum3A_250 : vector<16xi32>, vector<16xi1> -> vector<16xi32>
            %reduce_sum3A_252 = vector.extract %reduce_sum3A_251[15] : i32 from vector<16xi32>
            %shift_right_arithmetic3A_253 = arith.constant 14 : i32
            %shift_right_arithmetic3A_254 = arith.shrsi %reduce_sum3A_252, %shift_right_arithmetic3A_253 : i32
            %sub3A = arith.constant 2 : i32
            %sub3A_255 = arith.subi %while3A_118, %sub3A : i32
            %mul3A_256 = arith.constant 128 : i32
            %mul3A_257 = arith.muli %sub3A_255, %mul3A_256 : i32
            %sub3A_258 = arith.subi %shift_right_arithmetic3A_254, %mul3A_257 : i32
            %mul3A_259 = arith.constant 0 : i32
            %mul3A_260 = vector.broadcast %mul3A_259 : i32 to vector<16xi32>
            %mul3A_261 = arith.muli %iota3A, %mul3A_260 : vector<16xi32>
            %add3A_262 = vector.broadcast %sub3A_258 : i32 to vector<16xi32>
            %add3A_263 = arith.addi %mul3A_261, %add3A_262 : vector<16xi32>
            %add3A_264 = arith.constant 0 : i32
            %add3A_265 = vector.broadcast %add3A_264 : i32 to vector<16xi32>
            %add3A_266 = arith.addi %add3A_265, %iota3A : vector<16xi32>
            tpu.vector_store_idx %arg15[%add3A_266, %add3A_263], %broadcast_in_dim3A_4 : memref<64x128xf32, #tpu.memory_space<vmem>>[vector<16xi32>, vector<16xi32>], vector<16xf32>,
            %add3A_267 = arith.constant 16 : i32
            %add3A_268 = vector.broadcast %add3A_267 : i32 to vector<16xi32>
            %add3A_269 = arith.addi %add3A_268, %iota3A : vector<16xi32>
            tpu.vector_store_idx %arg15[%add3A_269, %add3A_263], %broadcast_in_dim3A_4 : memref<64x128xf32, #tpu.memory_space<vmem>>[vector<16xi32>, vector<16xi32>], vector<16xf32>,
            %add3A_270 = arith.constant 32 : i32
            %add3A_271 = vector.broadcast %add3A_270 : i32 to vector<16xi32>
            %add3A_272 = arith.addi %add3A_271, %iota3A : vector<16xi32>
            tpu.vector_store_idx %arg15[%add3A_272, %add3A_263], %broadcast_in_dim3A_4 : memref<64x128xf32, #tpu.memory_space<vmem>>[vector<16xi32>, vector<16xi32>], vector<16xf32>,
            %add3A_273 = arith.constant 48 : i32
            %add3A_274 = vector.broadcast %add3A_273 : i32 to vector<16xi32>
            %add3A_275 = arith.addi %add3A_274, %iota3A : vector<16xi32>
            tpu.vector_store_idx %arg15[%add3A_275, %add3A_263], %broadcast_in_dim3A_4 : memref<64x128xf32, #tpu.memory_space<vmem>>[vector<16xi32>, vector<16xi32>], vector<16xf32>,
          }
          %while3A_233 = arith.constant 1 : i32
          scf.for %while3A_234 = %while3A_231 to %while3A_227 step %while3A_233  : i32 {
            %shift_right_arithmetic3A_235 = arith.constant 4 : i32
            %shift_right_arithmetic3A_236 = arith.shrsi %while3A_234, %shift_right_arithmetic3A_235 : i32
            %shift_left3A_237 = arith.constant 4 : i32
            %shift_left3A_238 = arith.shli %shift_right_arithmetic3A_236, %shift_left3A_237 : i32
            %multiple_of3A_239 = tpu.assume_multiple %shift_left3A_238, 16 : i32
            %get3A_240 = arith.index_cast %multiple_of3A_239 : i32 to index
            %get3A_241 = tpu.vector_load %arg11[%get3A_240] {strides = array<i32>} : memref<15904xi32, #tpu.memory_space<vmem>>, vector<16xi32>,
            %and3A_242 = arith.constant 15 : i32
            %and3A_243 = arith.andi %while3A_234, %and3A_242 : i32
            %eq3A_244 = vector.broadcast %and3A_243 : i32 to vector<16xi32>
            %eq3A_245 = arith.cmpi eq, %iota3A, %eq3A_244 : vector<16xi32>
            %jit3A_246 = arith.constant 0 : i32
            %broadcast_in_dim3A_247 = vector.broadcast %jit3A_246 : i32 to vector<16xi32>
            %select_n3A_248 = arith.select %eq3A_245, %get3A_241, %broadcast_in_dim3A_247 : vector<16xi1>, vector<16xi32>
            %reduce_sum3A_249 = arith.constant true
            %reduce_sum3A_250 = vector.broadcast %reduce_sum3A_249 : i1 to vector<16xi1>
            %reduce_sum3A_251 = tpu.scan <sum>, %select_n3A_248 masked %reduce_sum3A_250 : vector<16xi32>, vector<16xi1> -> vector<16xi32>
            %reduce_sum3A_252 = vector.extract %reduce_sum3A_251[15] : i32 from vector<16xi32>
            %shift_right_arithmetic3A_253 = arith.constant 14 : i32
            %shift_right_arithmetic3A_254 = arith.shrsi %reduce_sum3A_252, %shift_right_arithmetic3A_253 : i32
            %sub3A = arith.constant 2 : i32
            %sub3A_255 = arith.subi %while3A_118, %sub3A : i32
            %mul3A_256 = arith.constant 128 : i32
            %mul3A_257 = arith.muli %sub3A_255, %mul3A_256 : i32
            %sub3A_258 = arith.subi %shift_right_arithmetic3A_254, %mul3A_257 : i32
            %mul3A_259 = arith.constant 0 : i32
            %mul3A_260 = vector.broadcast %mul3A_259 : i32 to vector<16xi32>
            %mul3A_261 = arith.muli %iota3A, %mul3A_260 : vector<16xi32>
            %add3A_262 = vector.broadcast %sub3A_258 : i32 to vector<16xi32>
            %add3A_263 = arith.addi %mul3A_261, %add3A_262 : vector<16xi32>
            %add3A_264 = arith.constant 0 : i32
            %add3A_265 = vector.broadcast %add3A_264 : i32 to vector<16xi32>
            %add3A_266 = arith.addi %add3A_265, %iota3A : vector<16xi32>
            tpu.vector_store_idx %arg15[%add3A_266, %add3A_263], %broadcast_in_dim3A_4 : memref<64x128xf32, #tpu.memory_space<vmem>>[vector<16xi32>, vector<16xi32>], vector<16xf32>,
            %add3A_267 = arith.constant 16 : i32
            %add3A_268 = vector.broadcast %add3A_267 : i32 to vector<16xi32>
            %add3A_269 = arith.addi %add3A_268, %iota3A : vector<16xi32>
            tpu.vector_store_idx %arg15[%add3A_269, %add3A_263], %broadcast_in_dim3A_4 : memref<64x128xf32, #tpu.memory_space<vmem>>[vector<16xi32>, vector<16xi32>], vector<16xf32>,
            %add3A_270 = arith.constant 32 : i32
            %add3A_271 = vector.broadcast %add3A_270 : i32 to vector<16xi32>
            %add3A_272 = arith.addi %add3A_271, %iota3A : vector<16xi32>
            tpu.vector_store_idx %arg15[%add3A_272, %add3A_263], %broadcast_in_dim3A_4 : memref<64x128xf32, #tpu.memory_space<vmem>>[vector<16xi32>, vector<16xi32>], vector<16xf32>,
            %add3A_273 = arith.constant 48 : i32
            %add3A_274 = vector.broadcast %add3A_273 : i32 to vector<16xi32>
            %add3A_275 = arith.addi %add3A_274, %iota3A : vector<16xi32>
            tpu.vector_store_idx %arg15[%add3A_275, %add3A_263], %broadcast_in_dim3A_4 : memref<64x128xf32, #tpu.memory_space<vmem>>[vector<16xi32>, vector<16xi32>], vector<16xf32>,
          }
        } else {
        }
        %while3A_195 = arith.constant 0 : i32
        %while3A_196 = arith.subi %while3A_120, %while3A_119 : i32
        %while3A_197 = arith.addi %while3A_119, %while3A_196 : i32
        %while3A_198 = arith.constant 1 : i32
        %while3A_199 = arith.divsi %while3A_196, %while3A_198 : i32
        %while3A_200 = arith.muli %while3A_199, %while3A_198 : i32
        %while3A_201 = arith.addi %while3A_119, %while3A_200 : i32
        %while3A_202 = arith.constant 1 : i32
        scf.for %while3A_219 = %while3A_119 to %while3A_201 step %while3A_202  : i32 {
          %dma_wait3A_220 = arith.constant 0 : i32
          %dma_wait3A_221 = arith.constant 0 : i32
          %dma_wait3A_222 = tpu.memref_slice %arg17[%dma_wait3A_220, %dma_wait3A_221] : memref<128x64xf32, #tpu.memory_space<vmem>> -> memref<1x64xf32, #tpu.memory_space<vmem>>
          %dma_wait3A_223 = arith.constant 0 : i32
          %dma_wait3A_224 = arith.constant 0 : i32
          %dma_wait3A_225 = tpu.memref_slice %arg2[%dma_wait3A_223, %dma_wait3A_224] : memref<16384x64xf32, #tpu.memory_space<hbm>> -> memref<1x64xf32, #tpu.memory_space<hbm>>
          %dma_wait3A_226 = arith.constant 0 : i32
          %dma_wait3A_227 = arith.constant 0 : i32
          %dma_wait3A_228 = tpu.memref_slice %arg17[%dma_wait3A_226, %dma_wait3A_227] : memref<128x64xf32, #tpu.memory_space<vmem>> -> memref<1x64xf32, #tpu.memory_space<vmem>>
          %dma_wait3A_229 = arith.constant 0 : i32
          %dma_wait3A_230 = arith.constant 0 : i32
          %dma_wait3A_231 = tpu.memref_slice %arg2[%dma_wait3A_229, %dma_wait3A_230] : memref<16384x64xf32, #tpu.memory_space<hbm>> -> memref<1x64xf32, #tpu.memory_space<hbm>>
          tpu.wait_dma2 semaphore(%arg21 : memref<!tpu.dma_semaphore, #tpu.memory_space<semaphore_mem>>) src(%dma_wait3A_231 : memref<1x64xf32, #tpu.memory_space<hbm>>) dst(%dma_wait3A_228 : memref<1x64xf32, #tpu.memory_space<vmem>>)
        }
        %while3A_203 = arith.constant 1 : i32
        scf.for %while3A_219 = %while3A_201 to %while3A_197 step %while3A_203  : i32 {
          %dma_wait3A_220 = arith.constant 0 : i32
          %dma_wait3A_221 = arith.constant 0 : i32
          %dma_wait3A_222 = tpu.memref_slice %arg17[%dma_wait3A_220, %dma_wait3A_221] : memref<128x64xf32, #tpu.memory_space<vmem>> -> memref<1x64xf32, #tpu.memory_space<vmem>>
          %dma_wait3A_223 = arith.constant 0 : i32
          %dma_wait3A_224 = arith.constant 0 : i32
          %dma_wait3A_225 = tpu.memref_slice %arg2[%dma_wait3A_223, %dma_wait3A_224] : memref<16384x64xf32, #tpu.memory_space<hbm>> -> memref<1x64xf32, #tpu.memory_space<hbm>>
          %dma_wait3A_226 = arith.constant 0 : i32
          %dma_wait3A_227 = arith.constant 0 : i32
          %dma_wait3A_228 = tpu.memref_slice %arg17[%dma_wait3A_226, %dma_wait3A_227] : memref<128x64xf32, #tpu.memory_space<vmem>> -> memref<1x64xf32, #tpu.memory_space<vmem>>
          %dma_wait3A_229 = arith.constant 0 : i32
          %dma_wait3A_230 = arith.constant 0 : i32
          %dma_wait3A_231 = tpu.memref_slice %arg2[%dma_wait3A_229, %dma_wait3A_230] : memref<16384x64xf32, #tpu.memory_space<hbm>> -> memref<1x64xf32, #tpu.memory_space<hbm>>
          tpu.wait_dma2 semaphore(%arg21 : memref<!tpu.dma_semaphore, #tpu.memory_space<semaphore_mem>>) src(%dma_wait3A_231 : memref<1x64xf32, #tpu.memory_space<hbm>>) dst(%dma_wait3A_228 : memref<1x64xf32, #tpu.memory_space<vmem>>)
        }
        %while3A_204 = arith.constant 0 : i32
        %while3A_205 = arith.subi %while3A_120, %while3A_119 : i32
        %while3A_206 = arith.addi %while3A_119, %while3A_205 : i32
        %while3A_207 = arith.constant 1 : i32
        %while3A_208 = arith.divsi %while3A_205, %while3A_207 : i32
        %while3A_209 = arith.muli %while3A_208, %while3A_207 : i32
        %while3A_210 = arith.addi %while3A_119, %while3A_209 : i32
        %while3A_211 = arith.constant 1 : i32
        scf.for %while3A_219 = %while3A_119 to %while3A_210 step %while3A_211  : i32 {
          %shift_right_arithmetic3A_220 = arith.constant 4 : i32
          %shift_right_arithmetic3A_221 = arith.shrsi %while3A_219, %shift_right_arithmetic3A_220 : i32
          %shift_left3A_222 = arith.constant 4 : i32
          %shift_left3A_223 = arith.shli %shift_right_arithmetic3A_221, %shift_left3A_222 : i32
          %multiple_of3A_224 = tpu.assume_multiple %shift_left3A_223, 16 : i32
          %get3A_225 = arith.index_cast %multiple_of3A_224 : i32 to index
          %get3A_226 = tpu.vector_load %arg11[%get3A_225] {strides = array<i32>} : memref<15904xi32, #tpu.memory_space<vmem>>, vector<16xi32>,
          %and3A_227 = arith.constant 15 : i32
          %and3A_228 = arith.andi %while3A_219, %and3A_227 : i32
          %eq3A_229 = vector.broadcast %and3A_228 : i32 to vector<16xi32>
          %eq3A_230 = arith.cmpi eq, %iota3A, %eq3A_229 : vector<16xi32>
          %jit3A_231 = arith.constant 0 : i32
          %broadcast_in_dim3A_232 = vector.broadcast %jit3A_231 : i32 to vector<16xi32>
          %select_n3A_233 = arith.select %eq3A_230, %get3A_226, %broadcast_in_dim3A_232 : vector<16xi1>, vector<16xi32>
          %reduce_sum3A_234 = arith.constant true
          %reduce_sum3A_235 = vector.broadcast %reduce_sum3A_234 : i1 to vector<16xi1>
          %reduce_sum3A_236 = tpu.scan <sum>, %select_n3A_233 masked %reduce_sum3A_235 : vector<16xi32>, vector<16xi1> -> vector<16xi32>
          %reduce_sum3A_237 = vector.extract %reduce_sum3A_236[15] : i32 from vector<16xi32>
          %shift_right_arithmetic3A_238 = arith.constant 14 : i32
          %shift_right_arithmetic3A_239 = arith.shrsi %reduce_sum3A_237, %shift_right_arithmetic3A_238 : i32
          %mul3A_240 = arith.constant 128 : i32
          %mul3A_241 = arith.muli %while3A_118, %mul3A_240 : i32
          %sub3A = arith.subi %shift_right_arithmetic3A_239, %mul3A_241 : i32
          %mul3A_242 = arith.constant 0 : i32
          %mul3A_243 = vector.broadcast %mul3A_242 : i32 to vector<16xi32>
          %mul3A_244 = arith.muli %iota3A, %mul3A_243 : vector<16xi32>
          %add3A_245 = vector.broadcast %sub3A : i32 to vector<16xi32>
          %add3A_246 = arith.addi %mul3A_244, %add3A_245 : vector<16xi32>
          %sub3A_247 = arith.subi %while3A_219, %while3A_119 : i32
          %get3A_248 = arith.index_cast %sub3A_247 : i32 to index
          %get3A_249 = arith.constant 0 : index
          %get3A_250 = tpu.vector_load %arg17[%get3A_248, %get3A_249] {strides = array<i32>} : memref<128x64xf32, #tpu.memory_space<vmem>>, vector<16xf32>,
          %mul3A_251 = arith.constant 1.000000e-01 : f32
          %mul3A_252 = vector.broadcast %mul3A_251 : f32 to vector<16xf32>
          %mul3A_253 = arith.mulf %get3A_250, %mul3A_252 : vector<16xf32>
          %add3A_254 = arith.constant 0 : i32
          %add3A_255 = vector.broadcast %add3A_254 : i32 to vector<16xi32>
          %add3A_256 = arith.addi %add3A_255, %iota3A : vector<16xi32>
          tpu.vector_store_idx %arg15[%add3A_256, %add3A_246], %mul3A_253 : memref<64x128xf32, #tpu.memory_space<vmem>>[vector<16xi32>, vector<16xi32>], vector<16xf32>,
          %get3A_257 = arith.index_cast %sub3A_247 : i32 to index
          %get3A_258 = arith.constant 16 : index
          %get3A_259 = tpu.vector_load %arg17[%get3A_257, %get3A_258] {strides = array<i32>} : memref<128x64xf32, #tpu.memory_space<vmem>>, vector<16xf32>,
          %mul3A_260 = arith.constant 1.000000e-01 : f32
          %mul3A_261 = vector.broadcast %mul3A_260 : f32 to vector<16xf32>
          %mul3A_262 = arith.mulf %get3A_259, %mul3A_261 : vector<16xf32>
          %add3A_263 = arith.constant 16 : i32
          %add3A_264 = vector.broadcast %add3A_263 : i32 to vector<16xi32>
          %add3A_265 = arith.addi %add3A_264, %iota3A : vector<16xi32>
          tpu.vector_store_idx %arg15[%add3A_265, %add3A_246], %mul3A_262 : memref<64x128xf32, #tpu.memory_space<vmem>>[vector<16xi32>, vector<16xi32>], vector<16xf32>,
          %get3A_266 = arith.index_cast %sub3A_247 : i32 to index
          %get3A_267 = arith.constant 32 : index
          %get3A_268 = tpu.vector_load %arg17[%get3A_266, %get3A_267] {strides = array<i32>} : memref<128x64xf32, #tpu.memory_space<vmem>>, vector<16xf32>,
          %mul3A_269 = arith.constant 1.000000e-01 : f32
          %mul3A_270 = vector.broadcast %mul3A_269 : f32 to vector<16xf32>
          %mul3A_271 = arith.mulf %get3A_268, %mul3A_270 : vector<16xf32>
          %add3A_272 = arith.constant 32 : i32
          %add3A_273 = vector.broadcast %add3A_272 : i32 to vector<16xi32>
          %add3A_274 = arith.addi %add3A_273, %iota3A : vector<16xi32>
          tpu.vector_store_idx %arg15[%add3A_274, %add3A_246], %mul3A_271 : memref<64x128xf32, #tpu.memory_space<vmem>>[vector<16xi32>, vector<16xi32>], vector<16xf32>,
          %get3A_275 = arith.index_cast %sub3A_247 : i32 to index
          %get3A_276 = arith.constant 48 : index
          %get3A_277 = tpu.vector_load %arg17[%get3A_275, %get3A_276] {strides = array<i32>} : memref<128x64xf32, #tpu.memory_space<vmem>>, vector<16xf32>,
          %mul3A_278 = arith.constant 1.000000e-01 : f32
          %mul3A_279 = vector.broadcast %mul3A_278 : f32 to vector<16xf32>
          %mul3A_280 = arith.mulf %get3A_277, %mul3A_279 : vector<16xf32>
          %add3A_281 = arith.constant 48 : i32
          %add3A_282 = vector.broadcast %add3A_281 : i32 to vector<16xi32>
          %add3A_283 = arith.addi %add3A_282, %iota3A : vector<16xi32>
          tpu.vector_store_idx %arg15[%add3A_283, %add3A_246], %mul3A_280 : memref<64x128xf32, #tpu.memory_space<vmem>>[vector<16xi32>, vector<16xi32>], vector<16xf32>,
        }
        %while3A_212 = arith.constant 1 : i32
        scf.for %while3A_219 = %while3A_210 to %while3A_206 step %while3A_212  : i32 {
          %shift_right_arithmetic3A_220 = arith.constant 4 : i32
          %shift_right_arithmetic3A_221 = arith.shrsi %while3A_219, %shift_right_arithmetic3A_220 : i32
          %shift_left3A_222 = arith.constant 4 : i32
          %shift_left3A_223 = arith.shli %shift_right_arithmetic3A_221, %shift_left3A_222 : i32
          %multiple_of3A_224 = tpu.assume_multiple %shift_left3A_223, 16 : i32
          %get3A_225 = arith.index_cast %multiple_of3A_224 : i32 to index
          %get3A_226 = tpu.vector_load %arg11[%get3A_225] {strides = array<i32>} : memref<15904xi32, #tpu.memory_space<vmem>>, vector<16xi32>,
          %and3A_227 = arith.constant 15 : i32
          %and3A_228 = arith.andi %while3A_219, %and3A_227 : i32
          %eq3A_229 = vector.broadcast %and3A_228 : i32 to vector<16xi32>
          %eq3A_230 = arith.cmpi eq, %iota3A, %eq3A_229 : vector<16xi32>
          %jit3A_231 = arith.constant 0 : i32
          %broadcast_in_dim3A_232 = vector.broadcast %jit3A_231 : i32 to vector<16xi32>
          %select_n3A_233 = arith.select %eq3A_230, %get3A_226, %broadcast_in_dim3A_232 : vector<16xi1>, vector<16xi32>
          %reduce_sum3A_234 = arith.constant true
          %reduce_sum3A_235 = vector.broadcast %reduce_sum3A_234 : i1 to vector<16xi1>
          %reduce_sum3A_236 = tpu.scan <sum>, %select_n3A_233 masked %reduce_sum3A_235 : vector<16xi32>, vector<16xi1> -> vector<16xi32>
          %reduce_sum3A_237 = vector.extract %reduce_sum3A_236[15] : i32 from vector<16xi32>
          %shift_right_arithmetic3A_238 = arith.constant 14 : i32
          %shift_right_arithmetic3A_239 = arith.shrsi %reduce_sum3A_237, %shift_right_arithmetic3A_238 : i32
          %mul3A_240 = arith.constant 128 : i32
          %mul3A_241 = arith.muli %while3A_118, %mul3A_240 : i32
          %sub3A = arith.subi %shift_right_arithmetic3A_239, %mul3A_241 : i32
          %mul3A_242 = arith.constant 0 : i32
          %mul3A_243 = vector.broadcast %mul3A_242 : i32 to vector<16xi32>
          %mul3A_244 = arith.muli %iota3A, %mul3A_243 : vector<16xi32>
          %add3A_245 = vector.broadcast %sub3A : i32 to vector<16xi32>
          %add3A_246 = arith.addi %mul3A_244, %add3A_245 : vector<16xi32>
          %sub3A_247 = arith.subi %while3A_219, %while3A_119 : i32
          %get3A_248 = arith.index_cast %sub3A_247 : i32 to index
          %get3A_249 = arith.constant 0 : index
          %get3A_250 = tpu.vector_load %arg17[%get3A_248, %get3A_249] {strides = array<i32>} : memref<128x64xf32, #tpu.memory_space<vmem>>, vector<16xf32>,
          %mul3A_251 = arith.constant 1.000000e-01 : f32
          %mul3A_252 = vector.broadcast %mul3A_251 : f32 to vector<16xf32>
          %mul3A_253 = arith.mulf %get3A_250, %mul3A_252 : vector<16xf32>
          %add3A_254 = arith.constant 0 : i32
          %add3A_255 = vector.broadcast %add3A_254 : i32 to vector<16xi32>
          %add3A_256 = arith.addi %add3A_255, %iota3A : vector<16xi32>
          tpu.vector_store_idx %arg15[%add3A_256, %add3A_246], %mul3A_253 : memref<64x128xf32, #tpu.memory_space<vmem>>[vector<16xi32>, vector<16xi32>], vector<16xf32>,
          %get3A_257 = arith.index_cast %sub3A_247 : i32 to index
          %get3A_258 = arith.constant 16 : index
          %get3A_259 = tpu.vector_load %arg17[%get3A_257, %get3A_258] {strides = array<i32>} : memref<128x64xf32, #tpu.memory_space<vmem>>, vector<16xf32>,
          %mul3A_260 = arith.constant 1.000000e-01 : f32
          %mul3A_261 = vector.broadcast %mul3A_260 : f32 to vector<16xf32>
          %mul3A_262 = arith.mulf %get3A_259, %mul3A_261 : vector<16xf32>
          %add3A_263 = arith.constant 16 : i32
          %add3A_264 = vector.broadcast %add3A_263 : i32 to vector<16xi32>
          %add3A_265 = arith.addi %add3A_264, %iota3A : vector<16xi32>
          tpu.vector_store_idx %arg15[%add3A_265, %add3A_246], %mul3A_262 : memref<64x128xf32, #tpu.memory_space<vmem>>[vector<16xi32>, vector<16xi32>], vector<16xf32>,
          %get3A_266 = arith.index_cast %sub3A_247 : i32 to index
          %get3A_267 = arith.constant 32 : index
          %get3A_268 = tpu.vector_load %arg17[%get3A_266, %get3A_267] {strides = array<i32>} : memref<128x64xf32, #tpu.memory_space<vmem>>, vector<16xf32>,
          %mul3A_269 = arith.constant 1.000000e-01 : f32
          %mul3A_270 = vector.broadcast %mul3A_269 : f32 to vector<16xf32>
          %mul3A_271 = arith.mulf %get3A_268, %mul3A_270 : vector<16xf32>
          %add3A_272 = arith.constant 32 : i32
          %add3A_273 = vector.broadcast %add3A_272 : i32 to vector<16xi32>
          %add3A_274 = arith.addi %add3A_273, %iota3A : vector<16xi32>
          tpu.vector_store_idx %arg15[%add3A_274, %add3A_246], %mul3A_271 : memref<64x128xf32, #tpu.memory_space<vmem>>[vector<16xi32>, vector<16xi32>], vector<16xf32>,
          %get3A_275 = arith.index_cast %sub3A_247 : i32 to index
          %get3A_276 = arith.constant 48 : index
          %get3A_277 = tpu.vector_load %arg17[%get3A_275, %get3A_276] {strides = array<i32>} : memref<128x64xf32, #tpu.memory_space<vmem>>, vector<16xf32>,
          %mul3A_278 = arith.constant 1.000000e-01 : f32
          %mul3A_279 = vector.broadcast %mul3A_278 : f32 to vector<16xf32>
          %mul3A_280 = arith.mulf %get3A_277, %mul3A_279 : vector<16xf32>
          %add3A_281 = arith.constant 48 : i32
          %add3A_282 = vector.broadcast %add3A_281 : i32 to vector<16xi32>
          %add3A_283 = arith.addi %add3A_282, %iota3A : vector<16xi32>
          tpu.vector_store_idx %arg15[%add3A_283, %add3A_246], %mul3A_280 : memref<64x128xf32, #tpu.memory_space<vmem>>[vector<16xi32>, vector<16xi32>], vector<16xf32>,
        }
        %mul3A_213 = arith.constant 128 : i32
        %mul3A_214 = arith.muli %while3A_118, %mul3A_213 : i32
        %add3A_215 = arith.addi %mul3A_2, %mul3A_214 : i32
        %dma_start3A = arith.constant 0 : i32
        %dma_start3A_216 = tpu.memref_slice %arg6[%dma_start3A, %add3A_215] : memref<64x500000xf32, #tpu.memory_space<hbm>> -> memref<64x128xf32, #tpu.memory_space<hbm>>
        %dma_start3A_217 = arith.constant 0 : i32
        %dma_start3A_218 = tpu.memref_slice %arg6[%dma_start3A_217, %add3A_215] : memref<64x500000xf32, #tpu.memory_space<hbm>> -> memref<64x128xf32, #tpu.memory_space<hbm>>
        tpu.enqueue_dma source(%arg15 : memref<64x128xf32, #tpu.memory_space<vmem>>) target(%dma_start3A_218 : memref<64x128xf32, #tpu.memory_space<hbm>>) target_semaphore(%arg19 : memref<!tpu.dma_semaphore, #tpu.memory_space<semaphore_mem>>)
      } else {
      }
      %select_n3A_182 = arith.select %eq3A_165, %while3A_119, %while3A_121 : i32
      %select_n3A_183 = arith.select %eq3A_165, %while3A_120, %while3A_122 : i32
      %select_n3A_184 = arith.select %eq3A_165, %while3A_123, %while3A_119 : i32
      %select_n3A_185 = arith.select %eq3A_165, %while3A_124, %while3A_120 : i32
      scf.yield %while3A_120, %add3A_149, %select_n3A_182, %select_n3A_183, %select_n3A_184, %select_n3A_185 : i32, i32, i32, i32, i32, i32
    }
    %while3A_105 = arith.constant 1 : i32
    %while3A_106:6 = scf.for %while3A_118 = %while3A_102 to %while3A_98 step %while3A_105 iter_args(%while3A_119 = %while3A_104#0, %while3A_120 = %while3A_104#1, %while3A_121 = %while3A_104#2, %while3A_122 = %while3A_104#3, %while3A_123 = %while3A_104#4, %while3A_124 = %while3A_104#5) -> (i32, i32, i32, i32, i32, i32)  : i32 {
      %add3A_125 = arith.constant 1 : i32
      %add3A_126 = arith.addi %while3A_118, %add3A_125 : i32
      %lt3A = arith.cmpi slt, %add3A_126, %select_n3A_13 : i32
      %add3A_127 = arith.constant 1 : i32
      %add3A_128 = arith.addi %while3A_118, %add3A_127 : i32
      %shift_right_arithmetic3A_129 = arith.constant 4 : i32
      %shift_right_arithmetic3A_130 = arith.shrsi %add3A_128, %shift_right_arithmetic3A_129 : i32
      %shift_left3A_131 = arith.constant 4 : i32
      %shift_left3A_132 = arith.shli %shift_right_arithmetic3A_130, %shift_left3A_131 : i32
      %multiple_of3A_133 = tpu.assume_multiple %shift_left3A_132, 16 : i32
      %get3A_134 = arith.index_cast %multiple_of3A_133 : i32 to index
      %get3A_135 = tpu.vector_load %arg12[%get3A_134] {strides = array<i32>} : memref<160xi32, #tpu.memory_space<vmem>>, vector<16xi32>,
      %and3A_136 = arith.constant 15 : i32
      %and3A_137 = arith.andi %add3A_128, %and3A_136 : i32
      %eq3A_138 = vector.broadcast %and3A_137 : i32 to vector<16xi32>
      %eq3A_139 = arith.cmpi eq, %iota3A, %eq3A_138 : vector<16xi32>
      %jit3A_140 = arith.constant 0 : i32
      %broadcast_in_dim3A_141 = vector.broadcast %jit3A_140 : i32 to vector<16xi32>
      %select_n3A_142 = arith.select %eq3A_139, %get3A_135, %broadcast_in_dim3A_141 : vector<16xi1>, vector<16xi32>
      %reduce_sum3A_143 = arith.constant true
      %reduce_sum3A_144 = vector.broadcast %reduce_sum3A_143 : i1 to vector<16xi1>
      %reduce_sum3A_145 = tpu.scan <sum>, %select_n3A_142 masked %reduce_sum3A_144 : vector<16xi32>, vector<16xi1> -> vector<16xi32>
      %reduce_sum3A_146 = vector.extract %reduce_sum3A_145[15] : i32 from vector<16xi32>
      %jit3A_147 = arith.constant 0 : i32
      %select_n3A_148 = arith.select %lt3A, %reduce_sum3A_146, %jit3A_147 : i32
      %add3A_149 = arith.addi %while3A_120, %select_n3A_148 : i32
      %jit3A_150 = arith.constant 2 : i32
      %eq3A_151 = arith.constant 0 : i32
      %eq3A_152 = arith.cmpi eq, %jit3A_150, %eq3A_151 : i32
      %jit3A_153 = arith.constant 1 : i32
      %select_n3A_154 = arith.select %eq3A_152, %jit3A_153, %jit3A_150 : i32
      %rem3A = arith.remsi %while3A_118, %select_n3A_154 : i32
      %ne3A = arith.constant 0 : i32
      %ne3A_155 = arith.cmpi ne, %rem3A, %ne3A : i32
      %lt3A_156 = arith.constant 0 : i32
      %lt3A_157 = arith.cmpi slt, %rem3A, %lt3A_156 : i32
      %lt3A_158 = arith.constant 0 : i32
      %lt3A_159 = arith.cmpi slt, %select_n3A_154, %lt3A_158 : i32
      %ne3A_160 = arith.xori %lt3A_157, %lt3A_159 : i1
      %and3A_161 = arith.andi %ne3A_160, %ne3A_155 : i1
      %add3A_162 = arith.addi %rem3A, %select_n3A_154 : i32
      %select_n3A_163 = arith.select %and3A_161, %add3A_162, %rem3A : i32
      %eq3A_164 = arith.constant 0 : i32
      %eq3A_165 = arith.cmpi eq, %select_n3A_163, %eq3A_164 : i32
      %not3A_166 = arith.constant true
      %not3A_167 = arith.xori %eq3A_165, %not3A_166 : i1
      %convert_element_type3A_168 = arith.extui %not3A_167 : i1 to i32
      %cond3A_169 = arith.constant 0 : i32
      %cond3A_170 = arith.cmpi ne, %convert_element_type3A_168, %cond3A_169 : i32
      scf.if %cond3A_170 {
        %while3A_186 = arith.constant 0 : i32
        %while3A_187 = arith.subi %add3A_149, %while3A_120 : i32
        %while3A_188 = arith.addi %while3A_120, %while3A_187 : i32
        %while3A_189 = arith.constant 1 : i32
        %while3A_190 = arith.divsi %while3A_187, %while3A_189 : i32
        %while3A_191 = arith.muli %while3A_190, %while3A_189 : i32
        %while3A_192 = arith.addi %while3A_120, %while3A_191 : i32
        %while3A_193 = arith.constant 1 : i32
        scf.for %while3A_195 = %while3A_120 to %while3A_192 step %while3A_193  : i32 {
          %shift_right_arithmetic3A_196 = arith.constant 4 : i32
          %shift_right_arithmetic3A_197 = arith.shrsi %while3A_195, %shift_right_arithmetic3A_196 : i32
          %shift_left3A_198 = arith.constant 4 : i32
          %shift_left3A_199 = arith.shli %shift_right_arithmetic3A_197, %shift_left3A_198 : i32
          %multiple_of3A_200 = tpu.assume_multiple %shift_left3A_199, 16 : i32
          %get3A_201 = arith.index_cast %multiple_of3A_200 : i32 to index
          %get3A_202 = tpu.vector_load %arg11[%get3A_201] {strides = array<i32>} : memref<15904xi32, #tpu.memory_space<vmem>>, vector<16xi32>,
          %and3A_203 = arith.constant 15 : i32
          %and3A_204 = arith.andi %while3A_195, %and3A_203 : i32
          %eq3A_205 = vector.broadcast %and3A_204 : i32 to vector<16xi32>
          %eq3A_206 = arith.cmpi eq, %iota3A, %eq3A_205 : vector<16xi32>
          %jit3A_207 = arith.constant 0 : i32
          %broadcast_in_dim3A_208 = vector.broadcast %jit3A_207 : i32 to vector<16xi32>
          %select_n3A_209 = arith.select %eq3A_206, %get3A_202, %broadcast_in_dim3A_208 : vector<16xi1>, vector<16xi32>
          %reduce_sum3A_210 = arith.constant true
          %reduce_sum3A_211 = vector.broadcast %reduce_sum3A_210 : i1 to vector<16xi1>
          %reduce_sum3A_212 = tpu.scan <sum>, %select_n3A_209 masked %reduce_sum3A_211 : vector<16xi32>, vector<16xi1> -> vector<16xi32>
          %reduce_sum3A_213 = vector.extract %reduce_sum3A_212[15] : i32 from vector<16xi32>
          %and3A_214 = arith.constant 16383 : i32
          %and3A_215 = arith.andi %reduce_sum3A_213, %and3A_214 : i32
          %sub3A = arith.subi %while3A_195, %while3A_120 : i32
          %dma_start3A = arith.constant 0 : i32
          %dma_start3A_216 = tpu.memref_slice %arg16[%sub3A, %dma_start3A] : memref<128x64xf32, #tpu.memory_space<vmem>> -> memref<1x64xf32, #tpu.memory_space<vmem>>
          %dma_start3A_217 = arith.constant 0 : i32
          %dma_start3A_218 = tpu.memref_slice %arg2[%and3A_215, %dma_start3A_217] : memref<16384x64xf32, #tpu.memory_space<hbm>> -> memref<1x64xf32, #tpu.memory_space<hbm>>
          %dma_start3A_219 = arith.constant 0 : i32
          %dma_start3A_220 = tpu.memref_slice %arg16[%sub3A, %dma_start3A_219] : memref<128x64xf32, #tpu.memory_space<vmem>> -> memref<1x64xf32, #tpu.memory_space<vmem>>
          %dma_start3A_221 = arith.constant 0 : i32
          %dma_start3A_222 = tpu.memref_slice %arg2[%and3A_215, %dma_start3A_221] : memref<16384x64xf32, #tpu.memory_space<hbm>> -> memref<1x64xf32, #tpu.memory_space<hbm>>
          tpu.enqueue_dma source(%dma_start3A_222 : memref<1x64xf32, #tpu.memory_space<hbm>>) target(%dma_start3A_220 : memref<1x64xf32, #tpu.memory_space<vmem>>) target_semaphore(%arg20 : memref<!tpu.dma_semaphore, #tpu.memory_space<semaphore_mem>>)
        }
        %while3A_194 = arith.constant 1 : i32
        scf.for %while3A_195 = %while3A_192 to %while3A_188 step %while3A_194  : i32 {
          %shift_right_arithmetic3A_196 = arith.constant 4 : i32
          %shift_right_arithmetic3A_197 = arith.shrsi %while3A_195, %shift_right_arithmetic3A_196 : i32
          %shift_left3A_198 = arith.constant 4 : i32
          %shift_left3A_199 = arith.shli %shift_right_arithmetic3A_197, %shift_left3A_198 : i32
          %multiple_of3A_200 = tpu.assume_multiple %shift_left3A_199, 16 : i32
          %get3A_201 = arith.index_cast %multiple_of3A_200 : i32 to index
          %get3A_202 = tpu.vector_load %arg11[%get3A_201] {strides = array<i32>} : memref<15904xi32, #tpu.memory_space<vmem>>, vector<16xi32>,
          %and3A_203 = arith.constant 15 : i32
          %and3A_204 = arith.andi %while3A_195, %and3A_203 : i32
          %eq3A_205 = vector.broadcast %and3A_204 : i32 to vector<16xi32>
          %eq3A_206 = arith.cmpi eq, %iota3A, %eq3A_205 : vector<16xi32>
          %jit3A_207 = arith.constant 0 : i32
          %broadcast_in_dim3A_208 = vector.broadcast %jit3A_207 : i32 to vector<16xi32>
          %select_n3A_209 = arith.select %eq3A_206, %get3A_202, %broadcast_in_dim3A_208 : vector<16xi1>, vector<16xi32>
          %reduce_sum3A_210 = arith.constant true
          %reduce_sum3A_211 = vector.broadcast %reduce_sum3A_210 : i1 to vector<16xi1>
          %reduce_sum3A_212 = tpu.scan <sum>, %select_n3A_209 masked %reduce_sum3A_211 : vector<16xi32>, vector<16xi1> -> vector<16xi32>
          %reduce_sum3A_213 = vector.extract %reduce_sum3A_212[15] : i32 from vector<16xi32>
          %and3A_214 = arith.constant 16383 : i32
          %and3A_215 = arith.andi %reduce_sum3A_213, %and3A_214 : i32
          %sub3A = arith.subi %while3A_195, %while3A_120 : i32
          %dma_start3A = arith.constant 0 : i32
          %dma_start3A_216 = tpu.memref_slice %arg16[%sub3A, %dma_start3A] : memref<128x64xf32, #tpu.memory_space<vmem>> -> memref<1x64xf32, #tpu.memory_space<vmem>>
          %dma_start3A_217 = arith.constant 0 : i32
          %dma_start3A_218 = tpu.memref_slice %arg2[%and3A_215, %dma_start3A_217] : memref<16384x64xf32, #tpu.memory_space<hbm>> -> memref<1x64xf32, #tpu.memory_space<hbm>>
          %dma_start3A_219 = arith.constant 0 : i32
          %dma_start3A_220 = tpu.memref_slice %arg16[%sub3A, %dma_start3A_219] : memref<128x64xf32, #tpu.memory_space<vmem>> -> memref<1x64xf32, #tpu.memory_space<vmem>>
          %dma_start3A_221 = arith.constant 0 : i32
          %dma_start3A_222 = tpu.memref_slice %arg2[%and3A_215, %dma_start3A_221] : memref<16384x64xf32, #tpu.memory_space<hbm>> -> memref<1x64xf32, #tpu.memory_space<hbm>>
          tpu.enqueue_dma source(%dma_start3A_222 : memref<1x64xf32, #tpu.memory_space<hbm>>) target(%dma_start3A_220 : memref<1x64xf32, #tpu.memory_space<vmem>>) target_semaphore(%arg20 : memref<!tpu.dma_semaphore, #tpu.memory_space<semaphore_mem>>)
        }
      } else {
      }
      %convert_element_type3A_171 = arith.extui %eq3A_165 : i1 to i32
      %cond3A_172 = arith.constant 0 : i32
      %cond3A_173 = arith.cmpi ne, %convert_element_type3A_171, %cond3A_172 : i32
      scf.if %cond3A_173 {
        %while3A_186 = arith.constant 0 : i32
        %while3A_187 = arith.subi %add3A_149, %while3A_120 : i32
        %while3A_188 = arith.addi %while3A_120, %while3A_187 : i32
        %while3A_189 = arith.constant 1 : i32
        %while3A_190 = arith.divsi %while3A_187, %while3A_189 : i32
        %while3A_191 = arith.muli %while3A_190, %while3A_189 : i32
        %while3A_192 = arith.addi %while3A_120, %while3A_191 : i32
        %while3A_193 = arith.constant 1 : i32
        scf.for %while3A_195 = %while3A_120 to %while3A_192 step %while3A_193  : i32 {
          %shift_right_arithmetic3A_196 = arith.constant 4 : i32
          %shift_right_arithmetic3A_197 = arith.shrsi %while3A_195, %shift_right_arithmetic3A_196 : i32
          %shift_left3A_198 = arith.constant 4 : i32
          %shift_left3A_199 = arith.shli %shift_right_arithmetic3A_197, %shift_left3A_198 : i32
          %multiple_of3A_200 = tpu.assume_multiple %shift_left3A_199, 16 : i32
          %get3A_201 = arith.index_cast %multiple_of3A_200 : i32 to index
          %get3A_202 = tpu.vector_load %arg11[%get3A_201] {strides = array<i32>} : memref<15904xi32, #tpu.memory_space<vmem>>, vector<16xi32>,
          %and3A_203 = arith.constant 15 : i32
          %and3A_204 = arith.andi %while3A_195, %and3A_203 : i32
          %eq3A_205 = vector.broadcast %and3A_204 : i32 to vector<16xi32>
          %eq3A_206 = arith.cmpi eq, %iota3A, %eq3A_205 : vector<16xi32>
          %jit3A_207 = arith.constant 0 : i32
          %broadcast_in_dim3A_208 = vector.broadcast %jit3A_207 : i32 to vector<16xi32>
          %select_n3A_209 = arith.select %eq3A_206, %get3A_202, %broadcast_in_dim3A_208 : vector<16xi1>, vector<16xi32>
          %reduce_sum3A_210 = arith.constant true
          %reduce_sum3A_211 = vector.broadcast %reduce_sum3A_210 : i1 to vector<16xi1>
          %reduce_sum3A_212 = tpu.scan <sum>, %select_n3A_209 masked %reduce_sum3A_211 : vector<16xi32>, vector<16xi1> -> vector<16xi32>
          %reduce_sum3A_213 = vector.extract %reduce_sum3A_212[15] : i32 from vector<16xi32>
          %and3A_214 = arith.constant 16383 : i32
          %and3A_215 = arith.andi %reduce_sum3A_213, %and3A_214 : i32
          %sub3A = arith.subi %while3A_195, %while3A_120 : i32
          %dma_start3A = arith.constant 0 : i32
          %dma_start3A_216 = tpu.memref_slice %arg17[%sub3A, %dma_start3A] : memref<128x64xf32, #tpu.memory_space<vmem>> -> memref<1x64xf32, #tpu.memory_space<vmem>>
          %dma_start3A_217 = arith.constant 0 : i32
          %dma_start3A_218 = tpu.memref_slice %arg2[%and3A_215, %dma_start3A_217] : memref<16384x64xf32, #tpu.memory_space<hbm>> -> memref<1x64xf32, #tpu.memory_space<hbm>>
          %dma_start3A_219 = arith.constant 0 : i32
          %dma_start3A_220 = tpu.memref_slice %arg17[%sub3A, %dma_start3A_219] : memref<128x64xf32, #tpu.memory_space<vmem>> -> memref<1x64xf32, #tpu.memory_space<vmem>>
          %dma_start3A_221 = arith.constant 0 : i32
          %dma_start3A_222 = tpu.memref_slice %arg2[%and3A_215, %dma_start3A_221] : memref<16384x64xf32, #tpu.memory_space<hbm>> -> memref<1x64xf32, #tpu.memory_space<hbm>>
          tpu.enqueue_dma source(%dma_start3A_222 : memref<1x64xf32, #tpu.memory_space<hbm>>) target(%dma_start3A_220 : memref<1x64xf32, #tpu.memory_space<vmem>>) target_semaphore(%arg21 : memref<!tpu.dma_semaphore, #tpu.memory_space<semaphore_mem>>)
        }
        %while3A_194 = arith.constant 1 : i32
        scf.for %while3A_195 = %while3A_192 to %while3A_188 step %while3A_194  : i32 {
          %shift_right_arithmetic3A_196 = arith.constant 4 : i32
          %shift_right_arithmetic3A_197 = arith.shrsi %while3A_195, %shift_right_arithmetic3A_196 : i32
          %shift_left3A_198 = arith.constant 4 : i32
          %shift_left3A_199 = arith.shli %shift_right_arithmetic3A_197, %shift_left3A_198 : i32
          %multiple_of3A_200 = tpu.assume_multiple %shift_left3A_199, 16 : i32
          %get3A_201 = arith.index_cast %multiple_of3A_200 : i32 to index
          %get3A_202 = tpu.vector_load %arg11[%get3A_201] {strides = array<i32>} : memref<15904xi32, #tpu.memory_space<vmem>>, vector<16xi32>,
          %and3A_203 = arith.constant 15 : i32
          %and3A_204 = arith.andi %while3A_195, %and3A_203 : i32
          %eq3A_205 = vector.broadcast %and3A_204 : i32 to vector<16xi32>
          %eq3A_206 = arith.cmpi eq, %iota3A, %eq3A_205 : vector<16xi32>
          %jit3A_207 = arith.constant 0 : i32
          %broadcast_in_dim3A_208 = vector.broadcast %jit3A_207 : i32 to vector<16xi32>
          %select_n3A_209 = arith.select %eq3A_206, %get3A_202, %broadcast_in_dim3A_208 : vector<16xi1>, vector<16xi32>
          %reduce_sum3A_210 = arith.constant true
          %reduce_sum3A_211 = vector.broadcast %reduce_sum3A_210 : i1 to vector<16xi1>
          %reduce_sum3A_212 = tpu.scan <sum>, %select_n3A_209 masked %reduce_sum3A_211 : vector<16xi32>, vector<16xi1> -> vector<16xi32>
          %reduce_sum3A_213 = vector.extract %reduce_sum3A_212[15] : i32 from vector<16xi32>
          %and3A_214 = arith.constant 16383 : i32
          %and3A_215 = arith.andi %reduce_sum3A_213, %and3A_214 : i32
          %sub3A = arith.subi %while3A_195, %while3A_120 : i32
          %dma_start3A = arith.constant 0 : i32
          %dma_start3A_216 = tpu.memref_slice %arg17[%sub3A, %dma_start3A] : memref<128x64xf32, #tpu.memory_space<vmem>> -> memref<1x64xf32, #tpu.memory_space<vmem>>
          %dma_start3A_217 = arith.constant 0 : i32
          %dma_start3A_218 = tpu.memref_slice %arg2[%and3A_215, %dma_start3A_217] : memref<16384x64xf32, #tpu.memory_space<hbm>> -> memref<1x64xf32, #tpu.memory_space<hbm>>
          %dma_start3A_219 = arith.constant 0 : i32
          %dma_start3A_220 = tpu.memref_slice %arg17[%sub3A, %dma_start3A_219] : memref<128x64xf32, #tpu.memory_space<vmem>> -> memref<1x64xf32, #tpu.memory_space<vmem>>
          %dma_start3A_221 = arith.constant 0 : i32
          %dma_start3A_222 = tpu.memref_slice %arg2[%and3A_215, %dma_start3A_221] : memref<16384x64xf32, #tpu.memory_space<hbm>> -> memref<1x64xf32, #tpu.memory_space<hbm>>
          tpu.enqueue_dma source(%dma_start3A_222 : memref<1x64xf32, #tpu.memory_space<hbm>>) target(%dma_start3A_220 : memref<1x64xf32, #tpu.memory_space<vmem>>) target_semaphore(%arg21 : memref<!tpu.dma_semaphore, #tpu.memory_space<semaphore_mem>>)
        }
      } else {
      }
      %convert_element_type3A_174 = arith.extui %eq3A_165 : i1 to i32
      %cond3A_175 = arith.constant 0 : i32
      %cond3A_176 = arith.cmpi ne, %convert_element_type3A_174, %cond3A_175 : i32
      scf.if %cond3A_176 {
        %lt3A_186 = arith.constant 2 : i32
        %lt3A_187 = arith.cmpi slt, %while3A_118, %lt3A_186 : i32
        %convert_element_type3A_188 = arith.extui %lt3A_187 : i1 to i32
        %cond3A_189 = arith.constant 0 : i32
        %cond3A_190 = arith.cmpi ne, %convert_element_type3A_188, %cond3A_189 : i32
        scf.if %cond3A_190 {
          %scan3A_219 = arith.constant 0 : i32
          %scan3A_220 = arith.constant 0 : i32
          %scan3A_221 = arith.constant 64 : i32
          %scan3A_222 = arith.addi %scan3A_220, %scan3A_221 : i32
          %scan3A_223 = arith.constant 1 : i32
          scf.for %scan3A_225 = %scan3A_220 to %scan3A_222 step %scan3A_223  : i32 {
            %swap3A_226 = arith.index_cast %scan3A_225 : i32 to index
            %swap3A_227 = arith.constant 0 : index
            %swap3A_228 = tpu.vector_load %arg14[%swap3A_226, %swap3A_227] {strides = array<i32>} : memref<64x128xf32, #tpu.memory_space<vmem>>, vector<16xf32>,
            tpu.vector_store %arg14[%swap3A_226, %swap3A_227], %broadcast_in_dim3A_4 {strides = array<i32>} : memref<64x128xf32, #tpu.memory_space<vmem>>, vector<16xf32>,
            %swap3A_229 = arith.index_cast %scan3A_225 : i32 to index
            %swap3A_230 = arith.constant 16 : index
            %swap3A_231 = tpu.vector_load %arg14[%swap3A_229, %swap3A_230] {strides = array<i32>} : memref<64x128xf32, #tpu.memory_space<vmem>>, vector<16xf32>,
            tpu.vector_store %arg14[%swap3A_229, %swap3A_230], %broadcast_in_dim3A_4 {strides = array<i32>} : memref<64x128xf32, #tpu.memory_space<vmem>>, vector<16xf32>,
            %swap3A_232 = arith.index_cast %scan3A_225 : i32 to index
            %swap3A_233 = arith.constant 32 : index
            %swap3A_234 = tpu.vector_load %arg14[%swap3A_232, %swap3A_233] {strides = array<i32>} : memref<64x128xf32, #tpu.memory_space<vmem>>, vector<16xf32>,
            tpu.vector_store %arg14[%swap3A_232, %swap3A_233], %broadcast_in_dim3A_4 {strides = array<i32>} : memref<64x128xf32, #tpu.memory_space<vmem>>, vector<16xf32>,
            %swap3A_235 = arith.index_cast %scan3A_225 : i32 to index
            %swap3A_236 = arith.constant 48 : index
            %swap3A_237 = tpu.vector_load %arg14[%swap3A_235, %swap3A_236] {strides = array<i32>} : memref<64x128xf32, #tpu.memory_space<vmem>>, vector<16xf32>,
            tpu.vector_store %arg14[%swap3A_235, %swap3A_236], %broadcast_in_dim3A_4 {strides = array<i32>} : memref<64x128xf32, #tpu.memory_space<vmem>>, vector<16xf32>,
            %swap3A_238 = arith.index_cast %scan3A_225 : i32 to index
            %swap3A_239 = arith.constant 64 : index
            %swap3A_240 = tpu.vector_load %arg14[%swap3A_238, %swap3A_239] {strides = array<i32>} : memref<64x128xf32, #tpu.memory_space<vmem>>, vector<16xf32>,
            tpu.vector_store %arg14[%swap3A_238, %swap3A_239], %broadcast_in_dim3A_4 {strides = array<i32>} : memref<64x128xf32, #tpu.memory_space<vmem>>, vector<16xf32>,
            %swap3A_241 = arith.index_cast %scan3A_225 : i32 to index
            %swap3A_242 = arith.constant 80 : index
            %swap3A_243 = tpu.vector_load %arg14[%swap3A_241, %swap3A_242] {strides = array<i32>} : memref<64x128xf32, #tpu.memory_space<vmem>>, vector<16xf32>,
            tpu.vector_store %arg14[%swap3A_241, %swap3A_242], %broadcast_in_dim3A_4 {strides = array<i32>} : memref<64x128xf32, #tpu.memory_space<vmem>>, vector<16xf32>,
            %swap3A_244 = arith.index_cast %scan3A_225 : i32 to index
            %swap3A_245 = arith.constant 96 : index
            %swap3A_246 = tpu.vector_load %arg14[%swap3A_244, %swap3A_245] {strides = array<i32>} : memref<64x128xf32, #tpu.memory_space<vmem>>, vector<16xf32>,
            tpu.vector_store %arg14[%swap3A_244, %swap3A_245], %broadcast_in_dim3A_4 {strides = array<i32>} : memref<64x128xf32, #tpu.memory_space<vmem>>, vector<16xf32>,
            %swap3A_247 = arith.index_cast %scan3A_225 : i32 to index
            %swap3A_248 = arith.constant 112 : index
            %swap3A_249 = tpu.vector_load %arg14[%swap3A_247, %swap3A_248] {strides = array<i32>} : memref<64x128xf32, #tpu.memory_space<vmem>>, vector<16xf32>,
            tpu.vector_store %arg14[%swap3A_247, %swap3A_248], %broadcast_in_dim3A_4 {strides = array<i32>} : memref<64x128xf32, #tpu.memory_space<vmem>>, vector<16xf32>,
          }
          %scan3A_224 = arith.constant 64 : i32
        } else {
        }
        %ge3A = arith.constant 2 : i32
        %ge3A_191 = arith.cmpi sge, %while3A_118, %ge3A : i32
        %convert_element_type3A_192 = arith.extui %ge3A_191 : i1 to i32
        %cond3A_193 = arith.constant 0 : i32
        %cond3A_194 = arith.cmpi ne, %convert_element_type3A_192, %cond3A_193 : i32
        scf.if %cond3A_194 {
          %dma_wait3A_219 = arith.constant 0 : i32
          %dma_wait3A_220 = arith.constant 0 : i32
          %dma_wait3A_221 = tpu.memref_slice %arg6[%dma_wait3A_219, %dma_wait3A_220] : memref<64x500000xf32, #tpu.memory_space<hbm>> -> memref<64x128xf32, #tpu.memory_space<hbm>>
          %dma_wait3A_222 = arith.constant 0 : i32
          %dma_wait3A_223 = arith.constant 0 : i32
          %dma_wait3A_224 = tpu.memref_slice %arg6[%dma_wait3A_222, %dma_wait3A_223] : memref<64x500000xf32, #tpu.memory_space<hbm>> -> memref<64x128xf32, #tpu.memory_space<hbm>>
          tpu.wait_dma2 semaphore(%arg18 : memref<!tpu.dma_semaphore, #tpu.memory_space<semaphore_mem>>) src(%arg14 : memref<64x128xf32, #tpu.memory_space<vmem>>) dst(%dma_wait3A_224 : memref<64x128xf32, #tpu.memory_space<hbm>>)
          %while3A_225 = arith.constant 0 : i32
          %while3A_226 = arith.subi %while3A_122, %while3A_121 : i32
          %while3A_227 = arith.addi %while3A_121, %while3A_226 : i32
          %while3A_228 = arith.constant 1 : i32
          %while3A_229 = arith.divsi %while3A_226, %while3A_228 : i32
          %while3A_230 = arith.muli %while3A_229, %while3A_228 : i32
          %while3A_231 = arith.addi %while3A_121, %while3A_230 : i32
          %while3A_232 = arith.constant 1 : i32
          scf.for %while3A_234 = %while3A_121 to %while3A_231 step %while3A_232  : i32 {
            %shift_right_arithmetic3A_235 = arith.constant 4 : i32
            %shift_right_arithmetic3A_236 = arith.shrsi %while3A_234, %shift_right_arithmetic3A_235 : i32
            %shift_left3A_237 = arith.constant 4 : i32
            %shift_left3A_238 = arith.shli %shift_right_arithmetic3A_236, %shift_left3A_237 : i32
            %multiple_of3A_239 = tpu.assume_multiple %shift_left3A_238, 16 : i32
            %get3A_240 = arith.index_cast %multiple_of3A_239 : i32 to index
            %get3A_241 = tpu.vector_load %arg11[%get3A_240] {strides = array<i32>} : memref<15904xi32, #tpu.memory_space<vmem>>, vector<16xi32>,
            %and3A_242 = arith.constant 15 : i32
            %and3A_243 = arith.andi %while3A_234, %and3A_242 : i32
            %eq3A_244 = vector.broadcast %and3A_243 : i32 to vector<16xi32>
            %eq3A_245 = arith.cmpi eq, %iota3A, %eq3A_244 : vector<16xi32>
            %jit3A_246 = arith.constant 0 : i32
            %broadcast_in_dim3A_247 = vector.broadcast %jit3A_246 : i32 to vector<16xi32>
            %select_n3A_248 = arith.select %eq3A_245, %get3A_241, %broadcast_in_dim3A_247 : vector<16xi1>, vector<16xi32>
            %reduce_sum3A_249 = arith.constant true
            %reduce_sum3A_250 = vector.broadcast %reduce_sum3A_249 : i1 to vector<16xi1>
            %reduce_sum3A_251 = tpu.scan <sum>, %select_n3A_248 masked %reduce_sum3A_250 : vector<16xi32>, vector<16xi1> -> vector<16xi32>
            %reduce_sum3A_252 = vector.extract %reduce_sum3A_251[15] : i32 from vector<16xi32>
            %shift_right_arithmetic3A_253 = arith.constant 14 : i32
            %shift_right_arithmetic3A_254 = arith.shrsi %reduce_sum3A_252, %shift_right_arithmetic3A_253 : i32
            %sub3A = arith.constant 2 : i32
            %sub3A_255 = arith.subi %while3A_118, %sub3A : i32
            %mul3A_256 = arith.constant 128 : i32
            %mul3A_257 = arith.muli %sub3A_255, %mul3A_256 : i32
            %sub3A_258 = arith.subi %shift_right_arithmetic3A_254, %mul3A_257 : i32
            %mul3A_259 = arith.constant 0 : i32
            %mul3A_260 = vector.broadcast %mul3A_259 : i32 to vector<16xi32>
            %mul3A_261 = arith.muli %iota3A, %mul3A_260 : vector<16xi32>
            %add3A_262 = vector.broadcast %sub3A_258 : i32 to vector<16xi32>
            %add3A_263 = arith.addi %mul3A_261, %add3A_262 : vector<16xi32>
            %add3A_264 = arith.constant 0 : i32
            %add3A_265 = vector.broadcast %add3A_264 : i32 to vector<16xi32>
            %add3A_266 = arith.addi %add3A_265, %iota3A : vector<16xi32>
            tpu.vector_store_idx %arg14[%add3A_266, %add3A_263], %broadcast_in_dim3A_4 : memref<64x128xf32, #tpu.memory_space<vmem>>[vector<16xi32>, vector<16xi32>], vector<16xf32>,
            %add3A_267 = arith.constant 16 : i32
            %add3A_268 = vector.broadcast %add3A_267 : i32 to vector<16xi32>
            %add3A_269 = arith.addi %add3A_268, %iota3A : vector<16xi32>
            tpu.vector_store_idx %arg14[%add3A_269, %add3A_263], %broadcast_in_dim3A_4 : memref<64x128xf32, #tpu.memory_space<vmem>>[vector<16xi32>, vector<16xi32>], vector<16xf32>,
            %add3A_270 = arith.constant 32 : i32
            %add3A_271 = vector.broadcast %add3A_270 : i32 to vector<16xi32>
            %add3A_272 = arith.addi %add3A_271, %iota3A : vector<16xi32>
            tpu.vector_store_idx %arg14[%add3A_272, %add3A_263], %broadcast_in_dim3A_4 : memref<64x128xf32, #tpu.memory_space<vmem>>[vector<16xi32>, vector<16xi32>], vector<16xf32>,
            %add3A_273 = arith.constant 48 : i32
            %add3A_274 = vector.broadcast %add3A_273 : i32 to vector<16xi32>
            %add3A_275 = arith.addi %add3A_274, %iota3A : vector<16xi32>
            tpu.vector_store_idx %arg14[%add3A_275, %add3A_263], %broadcast_in_dim3A_4 : memref<64x128xf32, #tpu.memory_space<vmem>>[vector<16xi32>, vector<16xi32>], vector<16xf32>,
          }
          %while3A_233 = arith.constant 1 : i32
          scf.for %while3A_234 = %while3A_231 to %while3A_227 step %while3A_233  : i32 {
            %shift_right_arithmetic3A_235 = arith.constant 4 : i32
            %shift_right_arithmetic3A_236 = arith.shrsi %while3A_234, %shift_right_arithmetic3A_235 : i32
            %shift_left3A_237 = arith.constant 4 : i32
            %shift_left3A_238 = arith.shli %shift_right_arithmetic3A_236, %shift_left3A_237 : i32
            %multiple_of3A_239 = tpu.assume_multiple %shift_left3A_238, 16 : i32
            %get3A_240 = arith.index_cast %multiple_of3A_239 : i32 to index
            %get3A_241 = tpu.vector_load %arg11[%get3A_240] {strides = array<i32>} : memref<15904xi32, #tpu.memory_space<vmem>>, vector<16xi32>,
            %and3A_242 = arith.constant 15 : i32
            %and3A_243 = arith.andi %while3A_234, %and3A_242 : i32
            %eq3A_244 = vector.broadcast %and3A_243 : i32 to vector<16xi32>
            %eq3A_245 = arith.cmpi eq, %iota3A, %eq3A_244 : vector<16xi32>
            %jit3A_246 = arith.constant 0 : i32
            %broadcast_in_dim3A_247 = vector.broadcast %jit3A_246 : i32 to vector<16xi32>
            %select_n3A_248 = arith.select %eq3A_245, %get3A_241, %broadcast_in_dim3A_247 : vector<16xi1>, vector<16xi32>
            %reduce_sum3A_249 = arith.constant true
            %reduce_sum3A_250 = vector.broadcast %reduce_sum3A_249 : i1 to vector<16xi1>
            %reduce_sum3A_251 = tpu.scan <sum>, %select_n3A_248 masked %reduce_sum3A_250 : vector<16xi32>, vector<16xi1> -> vector<16xi32>
            %reduce_sum3A_252 = vector.extract %reduce_sum3A_251[15] : i32 from vector<16xi32>
            %shift_right_arithmetic3A_253 = arith.constant 14 : i32
            %shift_right_arithmetic3A_254 = arith.shrsi %reduce_sum3A_252, %shift_right_arithmetic3A_253 : i32
            %sub3A = arith.constant 2 : i32
            %sub3A_255 = arith.subi %while3A_118, %sub3A : i32
            %mul3A_256 = arith.constant 128 : i32
            %mul3A_257 = arith.muli %sub3A_255, %mul3A_256 : i32
            %sub3A_258 = arith.subi %shift_right_arithmetic3A_254, %mul3A_257 : i32
            %mul3A_259 = arith.constant 0 : i32
            %mul3A_260 = vector.broadcast %mul3A_259 : i32 to vector<16xi32>
            %mul3A_261 = arith.muli %iota3A, %mul3A_260 : vector<16xi32>
            %add3A_262 = vector.broadcast %sub3A_258 : i32 to vector<16xi32>
            %add3A_263 = arith.addi %mul3A_261, %add3A_262 : vector<16xi32>
            %add3A_264 = arith.constant 0 : i32
            %add3A_265 = vector.broadcast %add3A_264 : i32 to vector<16xi32>
            %add3A_266 = arith.addi %add3A_265, %iota3A : vector<16xi32>
            tpu.vector_store_idx %arg14[%add3A_266, %add3A_263], %broadcast_in_dim3A_4 : memref<64x128xf32, #tpu.memory_space<vmem>>[vector<16xi32>, vector<16xi32>], vector<16xf32>,
            %add3A_267 = arith.constant 16 : i32
            %add3A_268 = vector.broadcast %add3A_267 : i32 to vector<16xi32>
            %add3A_269 = arith.addi %add3A_268, %iota3A : vector<16xi32>
            tpu.vector_store_idx %arg14[%add3A_269, %add3A_263], %broadcast_in_dim3A_4 : memref<64x128xf32, #tpu.memory_space<vmem>>[vector<16xi32>, vector<16xi32>], vector<16xf32>,
            %add3A_270 = arith.constant 32 : i32
            %add3A_271 = vector.broadcast %add3A_270 : i32 to vector<16xi32>
            %add3A_272 = arith.addi %add3A_271, %iota3A : vector<16xi32>
            tpu.vector_store_idx %arg14[%add3A_272, %add3A_263], %broadcast_in_dim3A_4 : memref<64x128xf32, #tpu.memory_space<vmem>>[vector<16xi32>, vector<16xi32>], vector<16xf32>,
            %add3A_273 = arith.constant 48 : i32
            %add3A_274 = vector.broadcast %add3A_273 : i32 to vector<16xi32>
            %add3A_275 = arith.addi %add3A_274, %iota3A : vector<16xi32>
            tpu.vector_store_idx %arg14[%add3A_275, %add3A_263], %broadcast_in_dim3A_4 : memref<64x128xf32, #tpu.memory_space<vmem>>[vector<16xi32>, vector<16xi32>], vector<16xf32>,
          }
        } else {
        }
        %while3A_195 = arith.constant 0 : i32
        %while3A_196 = arith.subi %while3A_120, %while3A_119 : i32
        %while3A_197 = arith.addi %while3A_119, %while3A_196 : i32
        %while3A_198 = arith.constant 1 : i32
        %while3A_199 = arith.divsi %while3A_196, %while3A_198 : i32
        %while3A_200 = arith.muli %while3A_199, %while3A_198 : i32
        %while3A_201 = arith.addi %while3A_119, %while3A_200 : i32
        %while3A_202 = arith.constant 1 : i32
        scf.for %while3A_219 = %while3A_119 to %while3A_201 step %while3A_202  : i32 {
          %dma_wait3A_220 = arith.constant 0 : i32
          %dma_wait3A_221 = arith.constant 0 : i32
          %dma_wait3A_222 = tpu.memref_slice %arg16[%dma_wait3A_220, %dma_wait3A_221] : memref<128x64xf32, #tpu.memory_space<vmem>> -> memref<1x64xf32, #tpu.memory_space<vmem>>
          %dma_wait3A_223 = arith.constant 0 : i32
          %dma_wait3A_224 = arith.constant 0 : i32
          %dma_wait3A_225 = tpu.memref_slice %arg2[%dma_wait3A_223, %dma_wait3A_224] : memref<16384x64xf32, #tpu.memory_space<hbm>> -> memref<1x64xf32, #tpu.memory_space<hbm>>
          %dma_wait3A_226 = arith.constant 0 : i32
          %dma_wait3A_227 = arith.constant 0 : i32
          %dma_wait3A_228 = tpu.memref_slice %arg16[%dma_wait3A_226, %dma_wait3A_227] : memref<128x64xf32, #tpu.memory_space<vmem>> -> memref<1x64xf32, #tpu.memory_space<vmem>>
          %dma_wait3A_229 = arith.constant 0 : i32
          %dma_wait3A_230 = arith.constant 0 : i32
          %dma_wait3A_231 = tpu.memref_slice %arg2[%dma_wait3A_229, %dma_wait3A_230] : memref<16384x64xf32, #tpu.memory_space<hbm>> -> memref<1x64xf32, #tpu.memory_space<hbm>>
          tpu.wait_dma2 semaphore(%arg20 : memref<!tpu.dma_semaphore, #tpu.memory_space<semaphore_mem>>) src(%dma_wait3A_231 : memref<1x64xf32, #tpu.memory_space<hbm>>) dst(%dma_wait3A_228 : memref<1x64xf32, #tpu.memory_space<vmem>>)
        }
        %while3A_203 = arith.constant 1 : i32
        scf.for %while3A_219 = %while3A_201 to %while3A_197 step %while3A_203  : i32 {
          %dma_wait3A_220 = arith.constant 0 : i32
          %dma_wait3A_221 = arith.constant 0 : i32
          %dma_wait3A_222 = tpu.memref_slice %arg16[%dma_wait3A_220, %dma_wait3A_221] : memref<128x64xf32, #tpu.memory_space<vmem>> -> memref<1x64xf32, #tpu.memory_space<vmem>>
          %dma_wait3A_223 = arith.constant 0 : i32
          %dma_wait3A_224 = arith.constant 0 : i32
          %dma_wait3A_225 = tpu.memref_slice %arg2[%dma_wait3A_223, %dma_wait3A_224] : memref<16384x64xf32, #tpu.memory_space<hbm>> -> memref<1x64xf32, #tpu.memory_space<hbm>>
          %dma_wait3A_226 = arith.constant 0 : i32
          %dma_wait3A_227 = arith.constant 0 : i32
          %dma_wait3A_228 = tpu.memref_slice %arg16[%dma_wait3A_226, %dma_wait3A_227] : memref<128x64xf32, #tpu.memory_space<vmem>> -> memref<1x64xf32, #tpu.memory_space<vmem>>
          %dma_wait3A_229 = arith.constant 0 : i32
          %dma_wait3A_230 = arith.constant 0 : i32
          %dma_wait3A_231 = tpu.memref_slice %arg2[%dma_wait3A_229, %dma_wait3A_230] : memref<16384x64xf32, #tpu.memory_space<hbm>> -> memref<1x64xf32, #tpu.memory_space<hbm>>
          tpu.wait_dma2 semaphore(%arg20 : memref<!tpu.dma_semaphore, #tpu.memory_space<semaphore_mem>>) src(%dma_wait3A_231 : memref<1x64xf32, #tpu.memory_space<hbm>>) dst(%dma_wait3A_228 : memref<1x64xf32, #tpu.memory_space<vmem>>)
        }
        %while3A_204 = arith.constant 0 : i32
        %while3A_205 = arith.subi %while3A_120, %while3A_119 : i32
        %while3A_206 = arith.addi %while3A_119, %while3A_205 : i32
        %while3A_207 = arith.constant 1 : i32
        %while3A_208 = arith.divsi %while3A_205, %while3A_207 : i32
        %while3A_209 = arith.muli %while3A_208, %while3A_207 : i32
        %while3A_210 = arith.addi %while3A_119, %while3A_209 : i32
        %while3A_211 = arith.constant 1 : i32
        scf.for %while3A_219 = %while3A_119 to %while3A_210 step %while3A_211  : i32 {
          %shift_right_arithmetic3A_220 = arith.constant 4 : i32
          %shift_right_arithmetic3A_221 = arith.shrsi %while3A_219, %shift_right_arithmetic3A_220 : i32
          %shift_left3A_222 = arith.constant 4 : i32
          %shift_left3A_223 = arith.shli %shift_right_arithmetic3A_221, %shift_left3A_222 : i32
          %multiple_of3A_224 = tpu.assume_multiple %shift_left3A_223, 16 : i32
          %get3A_225 = arith.index_cast %multiple_of3A_224 : i32 to index
          %get3A_226 = tpu.vector_load %arg11[%get3A_225] {strides = array<i32>} : memref<15904xi32, #tpu.memory_space<vmem>>, vector<16xi32>,
          %and3A_227 = arith.constant 15 : i32
          %and3A_228 = arith.andi %while3A_219, %and3A_227 : i32
          %eq3A_229 = vector.broadcast %and3A_228 : i32 to vector<16xi32>
          %eq3A_230 = arith.cmpi eq, %iota3A, %eq3A_229 : vector<16xi32>
          %jit3A_231 = arith.constant 0 : i32
          %broadcast_in_dim3A_232 = vector.broadcast %jit3A_231 : i32 to vector<16xi32>
          %select_n3A_233 = arith.select %eq3A_230, %get3A_226, %broadcast_in_dim3A_232 : vector<16xi1>, vector<16xi32>
          %reduce_sum3A_234 = arith.constant true
          %reduce_sum3A_235 = vector.broadcast %reduce_sum3A_234 : i1 to vector<16xi1>
          %reduce_sum3A_236 = tpu.scan <sum>, %select_n3A_233 masked %reduce_sum3A_235 : vector<16xi32>, vector<16xi1> -> vector<16xi32>
          %reduce_sum3A_237 = vector.extract %reduce_sum3A_236[15] : i32 from vector<16xi32>
          %shift_right_arithmetic3A_238 = arith.constant 14 : i32
          %shift_right_arithmetic3A_239 = arith.shrsi %reduce_sum3A_237, %shift_right_arithmetic3A_238 : i32
          %mul3A_240 = arith.constant 128 : i32
          %mul3A_241 = arith.muli %while3A_118, %mul3A_240 : i32
          %sub3A = arith.subi %shift_right_arithmetic3A_239, %mul3A_241 : i32
          %mul3A_242 = arith.constant 0 : i32
          %mul3A_243 = vector.broadcast %mul3A_242 : i32 to vector<16xi32>
          %mul3A_244 = arith.muli %iota3A, %mul3A_243 : vector<16xi32>
          %add3A_245 = vector.broadcast %sub3A : i32 to vector<16xi32>
          %add3A_246 = arith.addi %mul3A_244, %add3A_245 : vector<16xi32>
          %sub3A_247 = arith.subi %while3A_219, %while3A_119 : i32
          %get3A_248 = arith.index_cast %sub3A_247 : i32 to index
          %get3A_249 = arith.constant 0 : index
          %get3A_250 = tpu.vector_load %arg16[%get3A_248, %get3A_249] {strides = array<i32>} : memref<128x64xf32, #tpu.memory_space<vmem>>, vector<16xf32>,
          %mul3A_251 = arith.constant 1.000000e-01 : f32
          %mul3A_252 = vector.broadcast %mul3A_251 : f32 to vector<16xf32>
          %mul3A_253 = arith.mulf %get3A_250, %mul3A_252 : vector<16xf32>
          %add3A_254 = arith.constant 0 : i32
          %add3A_255 = vector.broadcast %add3A_254 : i32 to vector<16xi32>
          %add3A_256 = arith.addi %add3A_255, %iota3A : vector<16xi32>
          tpu.vector_store_idx %arg14[%add3A_256, %add3A_246], %mul3A_253 : memref<64x128xf32, #tpu.memory_space<vmem>>[vector<16xi32>, vector<16xi32>], vector<16xf32>,
          %get3A_257 = arith.index_cast %sub3A_247 : i32 to index
          %get3A_258 = arith.constant 16 : index
          %get3A_259 = tpu.vector_load %arg16[%get3A_257, %get3A_258] {strides = array<i32>} : memref<128x64xf32, #tpu.memory_space<vmem>>, vector<16xf32>,
          %mul3A_260 = arith.constant 1.000000e-01 : f32
          %mul3A_261 = vector.broadcast %mul3A_260 : f32 to vector<16xf32>
          %mul3A_262 = arith.mulf %get3A_259, %mul3A_261 : vector<16xf32>
          %add3A_263 = arith.constant 16 : i32
          %add3A_264 = vector.broadcast %add3A_263 : i32 to vector<16xi32>
          %add3A_265 = arith.addi %add3A_264, %iota3A : vector<16xi32>
          tpu.vector_store_idx %arg14[%add3A_265, %add3A_246], %mul3A_262 : memref<64x128xf32, #tpu.memory_space<vmem>>[vector<16xi32>, vector<16xi32>], vector<16xf32>,
          %get3A_266 = arith.index_cast %sub3A_247 : i32 to index
          %get3A_267 = arith.constant 32 : index
          %get3A_268 = tpu.vector_load %arg16[%get3A_266, %get3A_267] {strides = array<i32>} : memref<128x64xf32, #tpu.memory_space<vmem>>, vector<16xf32>,
          %mul3A_269 = arith.constant 1.000000e-01 : f32
          %mul3A_270 = vector.broadcast %mul3A_269 : f32 to vector<16xf32>
          %mul3A_271 = arith.mulf %get3A_268, %mul3A_270 : vector<16xf32>
          %add3A_272 = arith.constant 32 : i32
          %add3A_273 = vector.broadcast %add3A_272 : i32 to vector<16xi32>
          %add3A_274 = arith.addi %add3A_273, %iota3A : vector<16xi32>
          tpu.vector_store_idx %arg14[%add3A_274, %add3A_246], %mul3A_271 : memref<64x128xf32, #tpu.memory_space<vmem>>[vector<16xi32>, vector<16xi32>], vector<16xf32>,
          %get3A_275 = arith.index_cast %sub3A_247 : i32 to index
          %get3A_276 = arith.constant 48 : index
          %get3A_277 = tpu.vector_load %arg16[%get3A_275, %get3A_276] {strides = array<i32>} : memref<128x64xf32, #tpu.memory_space<vmem>>, vector<16xf32>,
          %mul3A_278 = arith.constant 1.000000e-01 : f32
          %mul3A_279 = vector.broadcast %mul3A_278 : f32 to vector<16xf32>
          %mul3A_280 = arith.mulf %get3A_277, %mul3A_279 : vector<16xf32>
          %add3A_281 = arith.constant 48 : i32
          %add3A_282 = vector.broadcast %add3A_281 : i32 to vector<16xi32>
          %add3A_283 = arith.addi %add3A_282, %iota3A : vector<16xi32>
          tpu.vector_store_idx %arg14[%add3A_283, %add3A_246], %mul3A_280 : memref<64x128xf32, #tpu.memory_space<vmem>>[vector<16xi32>, vector<16xi32>], vector<16xf32>,
        }
        %while3A_212 = arith.constant 1 : i32
        scf.for %while3A_219 = %while3A_210 to %while3A_206 step %while3A_212  : i32 {
          %shift_right_arithmetic3A_220 = arith.constant 4 : i32
          %shift_right_arithmetic3A_221 = arith.shrsi %while3A_219, %shift_right_arithmetic3A_220 : i32
          %shift_left3A_222 = arith.constant 4 : i32
          %shift_left3A_223 = arith.shli %shift_right_arithmetic3A_221, %shift_left3A_222 : i32
          %multiple_of3A_224 = tpu.assume_multiple %shift_left3A_223, 16 : i32
          %get3A_225 = arith.index_cast %multiple_of3A_224 : i32 to index
          %get3A_226 = tpu.vector_load %arg11[%get3A_225] {strides = array<i32>} : memref<15904xi32, #tpu.memory_space<vmem>>, vector<16xi32>,
          %and3A_227 = arith.constant 15 : i32
          %and3A_228 = arith.andi %while3A_219, %and3A_227 : i32
          %eq3A_229 = vector.broadcast %and3A_228 : i32 to vector<16xi32>
          %eq3A_230 = arith.cmpi eq, %iota3A, %eq3A_229 : vector<16xi32>
          %jit3A_231 = arith.constant 0 : i32
          %broadcast_in_dim3A_232 = vector.broadcast %jit3A_231 : i32 to vector<16xi32>
          %select_n3A_233 = arith.select %eq3A_230, %get3A_226, %broadcast_in_dim3A_232 : vector<16xi1>, vector<16xi32>
          %reduce_sum3A_234 = arith.constant true
          %reduce_sum3A_235 = vector.broadcast %reduce_sum3A_234 : i1 to vector<16xi1>
          %reduce_sum3A_236 = tpu.scan <sum>, %select_n3A_233 masked %reduce_sum3A_235 : vector<16xi32>, vector<16xi1> -> vector<16xi32>
          %reduce_sum3A_237 = vector.extract %reduce_sum3A_236[15] : i32 from vector<16xi32>
          %shift_right_arithmetic3A_238 = arith.constant 14 : i32
          %shift_right_arithmetic3A_239 = arith.shrsi %reduce_sum3A_237, %shift_right_arithmetic3A_238 : i32
          %mul3A_240 = arith.constant 128 : i32
          %mul3A_241 = arith.muli %while3A_118, %mul3A_240 : i32
          %sub3A = arith.subi %shift_right_arithmetic3A_239, %mul3A_241 : i32
          %mul3A_242 = arith.constant 0 : i32
          %mul3A_243 = vector.broadcast %mul3A_242 : i32 to vector<16xi32>
          %mul3A_244 = arith.muli %iota3A, %mul3A_243 : vector<16xi32>
          %add3A_245 = vector.broadcast %sub3A : i32 to vector<16xi32>
          %add3A_246 = arith.addi %mul3A_244, %add3A_245 : vector<16xi32>
          %sub3A_247 = arith.subi %while3A_219, %while3A_119 : i32
          %get3A_248 = arith.index_cast %sub3A_247 : i32 to index
          %get3A_249 = arith.constant 0 : index
          %get3A_250 = tpu.vector_load %arg16[%get3A_248, %get3A_249] {strides = array<i32>} : memref<128x64xf32, #tpu.memory_space<vmem>>, vector<16xf32>,
          %mul3A_251 = arith.constant 1.000000e-01 : f32
          %mul3A_252 = vector.broadcast %mul3A_251 : f32 to vector<16xf32>
          %mul3A_253 = arith.mulf %get3A_250, %mul3A_252 : vector<16xf32>
          %add3A_254 = arith.constant 0 : i32
          %add3A_255 = vector.broadcast %add3A_254 : i32 to vector<16xi32>
          %add3A_256 = arith.addi %add3A_255, %iota3A : vector<16xi32>
          tpu.vector_store_idx %arg14[%add3A_256, %add3A_246], %mul3A_253 : memref<64x128xf32, #tpu.memory_space<vmem>>[vector<16xi32>, vector<16xi32>], vector<16xf32>,
          %get3A_257 = arith.index_cast %sub3A_247 : i32 to index
          %get3A_258 = arith.constant 16 : index
          %get3A_259 = tpu.vector_load %arg16[%get3A_257, %get3A_258] {strides = array<i32>} : memref<128x64xf32, #tpu.memory_space<vmem>>, vector<16xf32>,
          %mul3A_260 = arith.constant 1.000000e-01 : f32
          %mul3A_261 = vector.broadcast %mul3A_260 : f32 to vector<16xf32>
          %mul3A_262 = arith.mulf %get3A_259, %mul3A_261 : vector<16xf32>
          %add3A_263 = arith.constant 16 : i32
          %add3A_264 = vector.broadcast %add3A_263 : i32 to vector<16xi32>
          %add3A_265 = arith.addi %add3A_264, %iota3A : vector<16xi32>
          tpu.vector_store_idx %arg14[%add3A_265, %add3A_246], %mul3A_262 : memref<64x128xf32, #tpu.memory_space<vmem>>[vector<16xi32>, vector<16xi32>], vector<16xf32>,
          %get3A_266 = arith.index_cast %sub3A_247 : i32 to index
          %get3A_267 = arith.constant 32 : index
          %get3A_268 = tpu.vector_load %arg16[%get3A_266, %get3A_267] {strides = array<i32>} : memref<128x64xf32, #tpu.memory_space<vmem>>, vector<16xf32>,
          %mul3A_269 = arith.constant 1.000000e-01 : f32
          %mul3A_270 = vector.broadcast %mul3A_269 : f32 to vector<16xf32>
          %mul3A_271 = arith.mulf %get3A_268, %mul3A_270 : vector<16xf32>
          %add3A_272 = arith.constant 32 : i32
          %add3A_273 = vector.broadcast %add3A_272 : i32 to vector<16xi32>
          %add3A_274 = arith.addi %add3A_273, %iota3A : vector<16xi32>
          tpu.vector_store_idx %arg14[%add3A_274, %add3A_246], %mul3A_271 : memref<64x128xf32, #tpu.memory_space<vmem>>[vector<16xi32>, vector<16xi32>], vector<16xf32>,
          %get3A_275 = arith.index_cast %sub3A_247 : i32 to index
          %get3A_276 = arith.constant 48 : index
          %get3A_277 = tpu.vector_load %arg16[%get3A_275, %get3A_276] {strides = array<i32>} : memref<128x64xf32, #tpu.memory_space<vmem>>, vector<16xf32>,
          %mul3A_278 = arith.constant 1.000000e-01 : f32
          %mul3A_279 = vector.broadcast %mul3A_278 : f32 to vector<16xf32>
          %mul3A_280 = arith.mulf %get3A_277, %mul3A_279 : vector<16xf32>
          %add3A_281 = arith.constant 48 : i32
          %add3A_282 = vector.broadcast %add3A_281 : i32 to vector<16xi32>
          %add3A_283 = arith.addi %add3A_282, %iota3A : vector<16xi32>
          tpu.vector_store_idx %arg14[%add3A_283, %add3A_246], %mul3A_280 : memref<64x128xf32, #tpu.memory_space<vmem>>[vector<16xi32>, vector<16xi32>], vector<16xf32>,
        }
        %mul3A_213 = arith.constant 128 : i32
        %mul3A_214 = arith.muli %while3A_118, %mul3A_213 : i32
        %add3A_215 = arith.addi %mul3A_2, %mul3A_214 : i32
        %dma_start3A = arith.constant 0 : i32
        %dma_start3A_216 = tpu.memref_slice %arg6[%dma_start3A, %add3A_215] : memref<64x500000xf32, #tpu.memory_space<hbm>> -> memref<64x128xf32, #tpu.memory_space<hbm>>
        %dma_start3A_217 = arith.constant 0 : i32
        %dma_start3A_218 = tpu.memref_slice %arg6[%dma_start3A_217, %add3A_215] : memref<64x500000xf32, #tpu.memory_space<hbm>> -> memref<64x128xf32, #tpu.memory_space<hbm>>
        tpu.enqueue_dma source(%arg14 : memref<64x128xf32, #tpu.memory_space<vmem>>) target(%dma_start3A_218 : memref<64x128xf32, #tpu.memory_space<hbm>>) target_semaphore(%arg18 : memref<!tpu.dma_semaphore, #tpu.memory_space<semaphore_mem>>)
      } else {
      }
      %not3A_177 = arith.constant true
      %not3A_178 = arith.xori %eq3A_165, %not3A_177 : i1
      %convert_element_type3A_179 = arith.extui %not3A_178 : i1 to i32
      %cond3A_180 = arith.constant 0 : i32
      %cond3A_181 = arith.cmpi ne, %convert_element_type3A_179, %cond3A_180 : i32
      scf.if %cond3A_181 {
        %lt3A_186 = arith.constant 2 : i32
        %lt3A_187 = arith.cmpi slt, %while3A_118, %lt3A_186 : i32
        %convert_element_type3A_188 = arith.extui %lt3A_187 : i1 to i32
        %cond3A_189 = arith.constant 0 : i32
        %cond3A_190 = arith.cmpi ne, %convert_element_type3A_188, %cond3A_189 : i32
        scf.if %cond3A_190 {
          %scan3A_219 = arith.constant 0 : i32
          %scan3A_220 = arith.constant 0 : i32
          %scan3A_221 = arith.constant 64 : i32
          %scan3A_222 = arith.addi %scan3A_220, %scan3A_221 : i32
          %scan3A_223 = arith.constant 1 : i32
          scf.for %scan3A_225 = %scan3A_220 to %scan3A_222 step %scan3A_223  : i32 {
            %swap3A_226 = arith.index_cast %scan3A_225 : i32 to index
            %swap3A_227 = arith.constant 0 : index
            %swap3A_228 = tpu.vector_load %arg15[%swap3A_226, %swap3A_227] {strides = array<i32>} : memref<64x128xf32, #tpu.memory_space<vmem>>, vector<16xf32>,
            tpu.vector_store %arg15[%swap3A_226, %swap3A_227], %broadcast_in_dim3A_4 {strides = array<i32>} : memref<64x128xf32, #tpu.memory_space<vmem>>, vector<16xf32>,
            %swap3A_229 = arith.index_cast %scan3A_225 : i32 to index
            %swap3A_230 = arith.constant 16 : index
            %swap3A_231 = tpu.vector_load %arg15[%swap3A_229, %swap3A_230] {strides = array<i32>} : memref<64x128xf32, #tpu.memory_space<vmem>>, vector<16xf32>,
            tpu.vector_store %arg15[%swap3A_229, %swap3A_230], %broadcast_in_dim3A_4 {strides = array<i32>} : memref<64x128xf32, #tpu.memory_space<vmem>>, vector<16xf32>,
            %swap3A_232 = arith.index_cast %scan3A_225 : i32 to index
            %swap3A_233 = arith.constant 32 : index
            %swap3A_234 = tpu.vector_load %arg15[%swap3A_232, %swap3A_233] {strides = array<i32>} : memref<64x128xf32, #tpu.memory_space<vmem>>, vector<16xf32>,
            tpu.vector_store %arg15[%swap3A_232, %swap3A_233], %broadcast_in_dim3A_4 {strides = array<i32>} : memref<64x128xf32, #tpu.memory_space<vmem>>, vector<16xf32>,
            %swap3A_235 = arith.index_cast %scan3A_225 : i32 to index
            %swap3A_236 = arith.constant 48 : index
            %swap3A_237 = tpu.vector_load %arg15[%swap3A_235, %swap3A_236] {strides = array<i32>} : memref<64x128xf32, #tpu.memory_space<vmem>>, vector<16xf32>,
            tpu.vector_store %arg15[%swap3A_235, %swap3A_236], %broadcast_in_dim3A_4 {strides = array<i32>} : memref<64x128xf32, #tpu.memory_space<vmem>>, vector<16xf32>,
            %swap3A_238 = arith.index_cast %scan3A_225 : i32 to index
            %swap3A_239 = arith.constant 64 : index
            %swap3A_240 = tpu.vector_load %arg15[%swap3A_238, %swap3A_239] {strides = array<i32>} : memref<64x128xf32, #tpu.memory_space<vmem>>, vector<16xf32>,
            tpu.vector_store %arg15[%swap3A_238, %swap3A_239], %broadcast_in_dim3A_4 {strides = array<i32>} : memref<64x128xf32, #tpu.memory_space<vmem>>, vector<16xf32>,
            %swap3A_241 = arith.index_cast %scan3A_225 : i32 to index
            %swap3A_242 = arith.constant 80 : index
            %swap3A_243 = tpu.vector_load %arg15[%swap3A_241, %swap3A_242] {strides = array<i32>} : memref<64x128xf32, #tpu.memory_space<vmem>>, vector<16xf32>,
            tpu.vector_store %arg15[%swap3A_241, %swap3A_242], %broadcast_in_dim3A_4 {strides = array<i32>} : memref<64x128xf32, #tpu.memory_space<vmem>>, vector<16xf32>,
            %swap3A_244 = arith.index_cast %scan3A_225 : i32 to index
            %swap3A_245 = arith.constant 96 : index
            %swap3A_246 = tpu.vector_load %arg15[%swap3A_244, %swap3A_245] {strides = array<i32>} : memref<64x128xf32, #tpu.memory_space<vmem>>, vector<16xf32>,
            tpu.vector_store %arg15[%swap3A_244, %swap3A_245], %broadcast_in_dim3A_4 {strides = array<i32>} : memref<64x128xf32, #tpu.memory_space<vmem>>, vector<16xf32>,
            %swap3A_247 = arith.index_cast %scan3A_225 : i32 to index
            %swap3A_248 = arith.constant 112 : index
            %swap3A_249 = tpu.vector_load %arg15[%swap3A_247, %swap3A_248] {strides = array<i32>} : memref<64x128xf32, #tpu.memory_space<vmem>>, vector<16xf32>,
            tpu.vector_store %arg15[%swap3A_247, %swap3A_248], %broadcast_in_dim3A_4 {strides = array<i32>} : memref<64x128xf32, #tpu.memory_space<vmem>>, vector<16xf32>,
          }
          %scan3A_224 = arith.constant 64 : i32
        } else {
        }
        %ge3A = arith.constant 2 : i32
        %ge3A_191 = arith.cmpi sge, %while3A_118, %ge3A : i32
        %convert_element_type3A_192 = arith.extui %ge3A_191 : i1 to i32
        %cond3A_193 = arith.constant 0 : i32
        %cond3A_194 = arith.cmpi ne, %convert_element_type3A_192, %cond3A_193 : i32
        scf.if %cond3A_194 {
          %dma_wait3A_219 = arith.constant 0 : i32
          %dma_wait3A_220 = arith.constant 0 : i32
          %dma_wait3A_221 = tpu.memref_slice %arg6[%dma_wait3A_219, %dma_wait3A_220] : memref<64x500000xf32, #tpu.memory_space<hbm>> -> memref<64x128xf32, #tpu.memory_space<hbm>>
          %dma_wait3A_222 = arith.constant 0 : i32
          %dma_wait3A_223 = arith.constant 0 : i32
          %dma_wait3A_224 = tpu.memref_slice %arg6[%dma_wait3A_222, %dma_wait3A_223] : memref<64x500000xf32, #tpu.memory_space<hbm>> -> memref<64x128xf32, #tpu.memory_space<hbm>>
          tpu.wait_dma2 semaphore(%arg19 : memref<!tpu.dma_semaphore, #tpu.memory_space<semaphore_mem>>) src(%arg15 : memref<64x128xf32, #tpu.memory_space<vmem>>) dst(%dma_wait3A_224 : memref<64x128xf32, #tpu.memory_space<hbm>>)
          %while3A_225 = arith.constant 0 : i32
          %while3A_226 = arith.subi %while3A_124, %while3A_123 : i32
          %while3A_227 = arith.addi %while3A_123, %while3A_226 : i32
          %while3A_228 = arith.constant 1 : i32
          %while3A_229 = arith.divsi %while3A_226, %while3A_228 : i32
          %while3A_230 = arith.muli %while3A_229, %while3A_228 : i32
          %while3A_231 = arith.addi %while3A_123, %while3A_230 : i32
          %while3A_232 = arith.constant 1 : i32
          scf.for %while3A_234 = %while3A_123 to %while3A_231 step %while3A_232  : i32 {
            %shift_right_arithmetic3A_235 = arith.constant 4 : i32
            %shift_right_arithmetic3A_236 = arith.shrsi %while3A_234, %shift_right_arithmetic3A_235 : i32
            %shift_left3A_237 = arith.constant 4 : i32
            %shift_left3A_238 = arith.shli %shift_right_arithmetic3A_236, %shift_left3A_237 : i32
            %multiple_of3A_239 = tpu.assume_multiple %shift_left3A_238, 16 : i32
            %get3A_240 = arith.index_cast %multiple_of3A_239 : i32 to index
            %get3A_241 = tpu.vector_load %arg11[%get3A_240] {strides = array<i32>} : memref<15904xi32, #tpu.memory_space<vmem>>, vector<16xi32>,
            %and3A_242 = arith.constant 15 : i32
            %and3A_243 = arith.andi %while3A_234, %and3A_242 : i32
            %eq3A_244 = vector.broadcast %and3A_243 : i32 to vector<16xi32>
            %eq3A_245 = arith.cmpi eq, %iota3A, %eq3A_244 : vector<16xi32>
            %jit3A_246 = arith.constant 0 : i32
            %broadcast_in_dim3A_247 = vector.broadcast %jit3A_246 : i32 to vector<16xi32>
            %select_n3A_248 = arith.select %eq3A_245, %get3A_241, %broadcast_in_dim3A_247 : vector<16xi1>, vector<16xi32>
            %reduce_sum3A_249 = arith.constant true
            %reduce_sum3A_250 = vector.broadcast %reduce_sum3A_249 : i1 to vector<16xi1>
            %reduce_sum3A_251 = tpu.scan <sum>, %select_n3A_248 masked %reduce_sum3A_250 : vector<16xi32>, vector<16xi1> -> vector<16xi32>
            %reduce_sum3A_252 = vector.extract %reduce_sum3A_251[15] : i32 from vector<16xi32>
            %shift_right_arithmetic3A_253 = arith.constant 14 : i32
            %shift_right_arithmetic3A_254 = arith.shrsi %reduce_sum3A_252, %shift_right_arithmetic3A_253 : i32
            %sub3A = arith.constant 2 : i32
            %sub3A_255 = arith.subi %while3A_118, %sub3A : i32
            %mul3A_256 = arith.constant 128 : i32
            %mul3A_257 = arith.muli %sub3A_255, %mul3A_256 : i32
            %sub3A_258 = arith.subi %shift_right_arithmetic3A_254, %mul3A_257 : i32
            %mul3A_259 = arith.constant 0 : i32
            %mul3A_260 = vector.broadcast %mul3A_259 : i32 to vector<16xi32>
            %mul3A_261 = arith.muli %iota3A, %mul3A_260 : vector<16xi32>
            %add3A_262 = vector.broadcast %sub3A_258 : i32 to vector<16xi32>
            %add3A_263 = arith.addi %mul3A_261, %add3A_262 : vector<16xi32>
            %add3A_264 = arith.constant 0 : i32
            %add3A_265 = vector.broadcast %add3A_264 : i32 to vector<16xi32>
            %add3A_266 = arith.addi %add3A_265, %iota3A : vector<16xi32>
            tpu.vector_store_idx %arg15[%add3A_266, %add3A_263], %broadcast_in_dim3A_4 : memref<64x128xf32, #tpu.memory_space<vmem>>[vector<16xi32>, vector<16xi32>], vector<16xf32>,
            %add3A_267 = arith.constant 16 : i32
            %add3A_268 = vector.broadcast %add3A_267 : i32 to vector<16xi32>
            %add3A_269 = arith.addi %add3A_268, %iota3A : vector<16xi32>
            tpu.vector_store_idx %arg15[%add3A_269, %add3A_263], %broadcast_in_dim3A_4 : memref<64x128xf32, #tpu.memory_space<vmem>>[vector<16xi32>, vector<16xi32>], vector<16xf32>,
            %add3A_270 = arith.constant 32 : i32
            %add3A_271 = vector.broadcast %add3A_270 : i32 to vector<16xi32>
            %add3A_272 = arith.addi %add3A_271, %iota3A : vector<16xi32>
            tpu.vector_store_idx %arg15[%add3A_272, %add3A_263], %broadcast_in_dim3A_4 : memref<64x128xf32, #tpu.memory_space<vmem>>[vector<16xi32>, vector<16xi32>], vector<16xf32>,
            %add3A_273 = arith.constant 48 : i32
            %add3A_274 = vector.broadcast %add3A_273 : i32 to vector<16xi32>
            %add3A_275 = arith.addi %add3A_274, %iota3A : vector<16xi32>
            tpu.vector_store_idx %arg15[%add3A_275, %add3A_263], %broadcast_in_dim3A_4 : memref<64x128xf32, #tpu.memory_space<vmem>>[vector<16xi32>, vector<16xi32>], vector<16xf32>,
          }
          %while3A_233 = arith.constant 1 : i32
          scf.for %while3A_234 = %while3A_231 to %while3A_227 step %while3A_233  : i32 {
            %shift_right_arithmetic3A_235 = arith.constant 4 : i32
            %shift_right_arithmetic3A_236 = arith.shrsi %while3A_234, %shift_right_arithmetic3A_235 : i32
            %shift_left3A_237 = arith.constant 4 : i32
            %shift_left3A_238 = arith.shli %shift_right_arithmetic3A_236, %shift_left3A_237 : i32
            %multiple_of3A_239 = tpu.assume_multiple %shift_left3A_238, 16 : i32
            %get3A_240 = arith.index_cast %multiple_of3A_239 : i32 to index
            %get3A_241 = tpu.vector_load %arg11[%get3A_240] {strides = array<i32>} : memref<15904xi32, #tpu.memory_space<vmem>>, vector<16xi32>,
            %and3A_242 = arith.constant 15 : i32
            %and3A_243 = arith.andi %while3A_234, %and3A_242 : i32
            %eq3A_244 = vector.broadcast %and3A_243 : i32 to vector<16xi32>
            %eq3A_245 = arith.cmpi eq, %iota3A, %eq3A_244 : vector<16xi32>
            %jit3A_246 = arith.constant 0 : i32
            %broadcast_in_dim3A_247 = vector.broadcast %jit3A_246 : i32 to vector<16xi32>
            %select_n3A_248 = arith.select %eq3A_245, %get3A_241, %broadcast_in_dim3A_247 : vector<16xi1>, vector<16xi32>
            %reduce_sum3A_249 = arith.constant true
            %reduce_sum3A_250 = vector.broadcast %reduce_sum3A_249 : i1 to vector<16xi1>
            %reduce_sum3A_251 = tpu.scan <sum>, %select_n3A_248 masked %reduce_sum3A_250 : vector<16xi32>, vector<16xi1> -> vector<16xi32>
            %reduce_sum3A_252 = vector.extract %reduce_sum3A_251[15] : i32 from vector<16xi32>
            %shift_right_arithmetic3A_253 = arith.constant 14 : i32
            %shift_right_arithmetic3A_254 = arith.shrsi %reduce_sum3A_252, %shift_right_arithmetic3A_253 : i32
            %sub3A = arith.constant 2 : i32
            %sub3A_255 = arith.subi %while3A_118, %sub3A : i32
            %mul3A_256 = arith.constant 128 : i32
            %mul3A_257 = arith.muli %sub3A_255, %mul3A_256 : i32
            %sub3A_258 = arith.subi %shift_right_arithmetic3A_254, %mul3A_257 : i32
            %mul3A_259 = arith.constant 0 : i32
            %mul3A_260 = vector.broadcast %mul3A_259 : i32 to vector<16xi32>
            %mul3A_261 = arith.muli %iota3A, %mul3A_260 : vector<16xi32>
            %add3A_262 = vector.broadcast %sub3A_258 : i32 to vector<16xi32>
            %add3A_263 = arith.addi %mul3A_261, %add3A_262 : vector<16xi32>
            %add3A_264 = arith.constant 0 : i32
            %add3A_265 = vector.broadcast %add3A_264 : i32 to vector<16xi32>
            %add3A_266 = arith.addi %add3A_265, %iota3A : vector<16xi32>
            tpu.vector_store_idx %arg15[%add3A_266, %add3A_263], %broadcast_in_dim3A_4 : memref<64x128xf32, #tpu.memory_space<vmem>>[vector<16xi32>, vector<16xi32>], vector<16xf32>,
            %add3A_267 = arith.constant 16 : i32
            %add3A_268 = vector.broadcast %add3A_267 : i32 to vector<16xi32>
            %add3A_269 = arith.addi %add3A_268, %iota3A : vector<16xi32>
            tpu.vector_store_idx %arg15[%add3A_269, %add3A_263], %broadcast_in_dim3A_4 : memref<64x128xf32, #tpu.memory_space<vmem>>[vector<16xi32>, vector<16xi32>], vector<16xf32>,
            %add3A_270 = arith.constant 32 : i32
            %add3A_271 = vector.broadcast %add3A_270 : i32 to vector<16xi32>
            %add3A_272 = arith.addi %add3A_271, %iota3A : vector<16xi32>
            tpu.vector_store_idx %arg15[%add3A_272, %add3A_263], %broadcast_in_dim3A_4 : memref<64x128xf32, #tpu.memory_space<vmem>>[vector<16xi32>, vector<16xi32>], vector<16xf32>,
            %add3A_273 = arith.constant 48 : i32
            %add3A_274 = vector.broadcast %add3A_273 : i32 to vector<16xi32>
            %add3A_275 = arith.addi %add3A_274, %iota3A : vector<16xi32>
            tpu.vector_store_idx %arg15[%add3A_275, %add3A_263], %broadcast_in_dim3A_4 : memref<64x128xf32, #tpu.memory_space<vmem>>[vector<16xi32>, vector<16xi32>], vector<16xf32>,
          }
        } else {
        }
        %while3A_195 = arith.constant 0 : i32
        %while3A_196 = arith.subi %while3A_120, %while3A_119 : i32
        %while3A_197 = arith.addi %while3A_119, %while3A_196 : i32
        %while3A_198 = arith.constant 1 : i32
        %while3A_199 = arith.divsi %while3A_196, %while3A_198 : i32
        %while3A_200 = arith.muli %while3A_199, %while3A_198 : i32
        %while3A_201 = arith.addi %while3A_119, %while3A_200 : i32
        %while3A_202 = arith.constant 1 : i32
        scf.for %while3A_219 = %while3A_119 to %while3A_201 step %while3A_202  : i32 {
          %dma_wait3A_220 = arith.constant 0 : i32
          %dma_wait3A_221 = arith.constant 0 : i32
          %dma_wait3A_222 = tpu.memref_slice %arg17[%dma_wait3A_220, %dma_wait3A_221] : memref<128x64xf32, #tpu.memory_space<vmem>> -> memref<1x64xf32, #tpu.memory_space<vmem>>
          %dma_wait3A_223 = arith.constant 0 : i32
          %dma_wait3A_224 = arith.constant 0 : i32
          %dma_wait3A_225 = tpu.memref_slice %arg2[%dma_wait3A_223, %dma_wait3A_224] : memref<16384x64xf32, #tpu.memory_space<hbm>> -> memref<1x64xf32, #tpu.memory_space<hbm>>
          %dma_wait3A_226 = arith.constant 0 : i32
          %dma_wait3A_227 = arith.constant 0 : i32
          %dma_wait3A_228 = tpu.memref_slice %arg17[%dma_wait3A_226, %dma_wait3A_227] : memref<128x64xf32, #tpu.memory_space<vmem>> -> memref<1x64xf32, #tpu.memory_space<vmem>>
          %dma_wait3A_229 = arith.constant 0 : i32
          %dma_wait3A_230 = arith.constant 0 : i32
          %dma_wait3A_231 = tpu.memref_slice %arg2[%dma_wait3A_229, %dma_wait3A_230] : memref<16384x64xf32, #tpu.memory_space<hbm>> -> memref<1x64xf32, #tpu.memory_space<hbm>>
          tpu.wait_dma2 semaphore(%arg21 : memref<!tpu.dma_semaphore, #tpu.memory_space<semaphore_mem>>) src(%dma_wait3A_231 : memref<1x64xf32, #tpu.memory_space<hbm>>) dst(%dma_wait3A_228 : memref<1x64xf32, #tpu.memory_space<vmem>>)
        }
        %while3A_203 = arith.constant 1 : i32
        scf.for %while3A_219 = %while3A_201 to %while3A_197 step %while3A_203  : i32 {
          %dma_wait3A_220 = arith.constant 0 : i32
          %dma_wait3A_221 = arith.constant 0 : i32
          %dma_wait3A_222 = tpu.memref_slice %arg17[%dma_wait3A_220, %dma_wait3A_221] : memref<128x64xf32, #tpu.memory_space<vmem>> -> memref<1x64xf32, #tpu.memory_space<vmem>>
          %dma_wait3A_223 = arith.constant 0 : i32
          %dma_wait3A_224 = arith.constant 0 : i32
          %dma_wait3A_225 = tpu.memref_slice %arg2[%dma_wait3A_223, %dma_wait3A_224] : memref<16384x64xf32, #tpu.memory_space<hbm>> -> memref<1x64xf32, #tpu.memory_space<hbm>>
          %dma_wait3A_226 = arith.constant 0 : i32
          %dma_wait3A_227 = arith.constant 0 : i32
          %dma_wait3A_228 = tpu.memref_slice %arg17[%dma_wait3A_226, %dma_wait3A_227] : memref<128x64xf32, #tpu.memory_space<vmem>> -> memref<1x64xf32, #tpu.memory_space<vmem>>
          %dma_wait3A_229 = arith.constant 0 : i32
          %dma_wait3A_230 = arith.constant 0 : i32
          %dma_wait3A_231 = tpu.memref_slice %arg2[%dma_wait3A_229, %dma_wait3A_230] : memref<16384x64xf32, #tpu.memory_space<hbm>> -> memref<1x64xf32, #tpu.memory_space<hbm>>
          tpu.wait_dma2 semaphore(%arg21 : memref<!tpu.dma_semaphore, #tpu.memory_space<semaphore_mem>>) src(%dma_wait3A_231 : memref<1x64xf32, #tpu.memory_space<hbm>>) dst(%dma_wait3A_228 : memref<1x64xf32, #tpu.memory_space<vmem>>)
        }
        %while3A_204 = arith.constant 0 : i32
        %while3A_205 = arith.subi %while3A_120, %while3A_119 : i32
        %while3A_206 = arith.addi %while3A_119, %while3A_205 : i32
        %while3A_207 = arith.constant 1 : i32
        %while3A_208 = arith.divsi %while3A_205, %while3A_207 : i32
        %while3A_209 = arith.muli %while3A_208, %while3A_207 : i32
        %while3A_210 = arith.addi %while3A_119, %while3A_209 : i32
        %while3A_211 = arith.constant 1 : i32
        scf.for %while3A_219 = %while3A_119 to %while3A_210 step %while3A_211  : i32 {
          %shift_right_arithmetic3A_220 = arith.constant 4 : i32
          %shift_right_arithmetic3A_221 = arith.shrsi %while3A_219, %shift_right_arithmetic3A_220 : i32
          %shift_left3A_222 = arith.constant 4 : i32
          %shift_left3A_223 = arith.shli %shift_right_arithmetic3A_221, %shift_left3A_222 : i32
          %multiple_of3A_224 = tpu.assume_multiple %shift_left3A_223, 16 : i32
          %get3A_225 = arith.index_cast %multiple_of3A_224 : i32 to index
          %get3A_226 = tpu.vector_load %arg11[%get3A_225] {strides = array<i32>} : memref<15904xi32, #tpu.memory_space<vmem>>, vector<16xi32>,
          %and3A_227 = arith.constant 15 : i32
          %and3A_228 = arith.andi %while3A_219, %and3A_227 : i32
          %eq3A_229 = vector.broadcast %and3A_228 : i32 to vector<16xi32>
          %eq3A_230 = arith.cmpi eq, %iota3A, %eq3A_229 : vector<16xi32>
          %jit3A_231 = arith.constant 0 : i32
          %broadcast_in_dim3A_232 = vector.broadcast %jit3A_231 : i32 to vector<16xi32>
          %select_n3A_233 = arith.select %eq3A_230, %get3A_226, %broadcast_in_dim3A_232 : vector<16xi1>, vector<16xi32>
          %reduce_sum3A_234 = arith.constant true
          %reduce_sum3A_235 = vector.broadcast %reduce_sum3A_234 : i1 to vector<16xi1>
          %reduce_sum3A_236 = tpu.scan <sum>, %select_n3A_233 masked %reduce_sum3A_235 : vector<16xi32>, vector<16xi1> -> vector<16xi32>
          %reduce_sum3A_237 = vector.extract %reduce_sum3A_236[15] : i32 from vector<16xi32>
          %shift_right_arithmetic3A_238 = arith.constant 14 : i32
          %shift_right_arithmetic3A_239 = arith.shrsi %reduce_sum3A_237, %shift_right_arithmetic3A_238 : i32
          %mul3A_240 = arith.constant 128 : i32
          %mul3A_241 = arith.muli %while3A_118, %mul3A_240 : i32
          %sub3A = arith.subi %shift_right_arithmetic3A_239, %mul3A_241 : i32
          %mul3A_242 = arith.constant 0 : i32
          %mul3A_243 = vector.broadcast %mul3A_242 : i32 to vector<16xi32>
          %mul3A_244 = arith.muli %iota3A, %mul3A_243 : vector<16xi32>
          %add3A_245 = vector.broadcast %sub3A : i32 to vector<16xi32>
          %add3A_246 = arith.addi %mul3A_244, %add3A_245 : vector<16xi32>
          %sub3A_247 = arith.subi %while3A_219, %while3A_119 : i32
          %get3A_248 = arith.index_cast %sub3A_247 : i32 to index
          %get3A_249 = arith.constant 0 : index
          %get3A_250 = tpu.vector_load %arg17[%get3A_248, %get3A_249] {strides = array<i32>} : memref<128x64xf32, #tpu.memory_space<vmem>>, vector<16xf32>,
          %mul3A_251 = arith.constant 1.000000e-01 : f32
          %mul3A_252 = vector.broadcast %mul3A_251 : f32 to vector<16xf32>
          %mul3A_253 = arith.mulf %get3A_250, %mul3A_252 : vector<16xf32>
          %add3A_254 = arith.constant 0 : i32
          %add3A_255 = vector.broadcast %add3A_254 : i32 to vector<16xi32>
          %add3A_256 = arith.addi %add3A_255, %iota3A : vector<16xi32>
          tpu.vector_store_idx %arg15[%add3A_256, %add3A_246], %mul3A_253 : memref<64x128xf32, #tpu.memory_space<vmem>>[vector<16xi32>, vector<16xi32>], vector<16xf32>,
          %get3A_257 = arith.index_cast %sub3A_247 : i32 to index
          %get3A_258 = arith.constant 16 : index
          %get3A_259 = tpu.vector_load %arg17[%get3A_257, %get3A_258] {strides = array<i32>} : memref<128x64xf32, #tpu.memory_space<vmem>>, vector<16xf32>,
          %mul3A_260 = arith.constant 1.000000e-01 : f32
          %mul3A_261 = vector.broadcast %mul3A_260 : f32 to vector<16xf32>
          %mul3A_262 = arith.mulf %get3A_259, %mul3A_261 : vector<16xf32>
          %add3A_263 = arith.constant 16 : i32
          %add3A_264 = vector.broadcast %add3A_263 : i32 to vector<16xi32>
          %add3A_265 = arith.addi %add3A_264, %iota3A : vector<16xi32>
          tpu.vector_store_idx %arg15[%add3A_265, %add3A_246], %mul3A_262 : memref<64x128xf32, #tpu.memory_space<vmem>>[vector<16xi32>, vector<16xi32>], vector<16xf32>,
          %get3A_266 = arith.index_cast %sub3A_247 : i32 to index
          %get3A_267 = arith.constant 32 : index
          %get3A_268 = tpu.vector_load %arg17[%get3A_266, %get3A_267] {strides = array<i32>} : memref<128x64xf32, #tpu.memory_space<vmem>>, vector<16xf32>,
          %mul3A_269 = arith.constant 1.000000e-01 : f32
          %mul3A_270 = vector.broadcast %mul3A_269 : f32 to vector<16xf32>
          %mul3A_271 = arith.mulf %get3A_268, %mul3A_270 : vector<16xf32>
          %add3A_272 = arith.constant 32 : i32
          %add3A_273 = vector.broadcast %add3A_272 : i32 to vector<16xi32>
          %add3A_274 = arith.addi %add3A_273, %iota3A : vector<16xi32>
          tpu.vector_store_idx %arg15[%add3A_274, %add3A_246], %mul3A_271 : memref<64x128xf32, #tpu.memory_space<vmem>>[vector<16xi32>, vector<16xi32>], vector<16xf32>,
          %get3A_275 = arith.index_cast %sub3A_247 : i32 to index
          %get3A_276 = arith.constant 48 : index
          %get3A_277 = tpu.vector_load %arg17[%get3A_275, %get3A_276] {strides = array<i32>} : memref<128x64xf32, #tpu.memory_space<vmem>>, vector<16xf32>,
          %mul3A_278 = arith.constant 1.000000e-01 : f32
          %mul3A_279 = vector.broadcast %mul3A_278 : f32 to vector<16xf32>
          %mul3A_280 = arith.mulf %get3A_277, %mul3A_279 : vector<16xf32>
          %add3A_281 = arith.constant 48 : i32
          %add3A_282 = vector.broadcast %add3A_281 : i32 to vector<16xi32>
          %add3A_283 = arith.addi %add3A_282, %iota3A : vector<16xi32>
          tpu.vector_store_idx %arg15[%add3A_283, %add3A_246], %mul3A_280 : memref<64x128xf32, #tpu.memory_space<vmem>>[vector<16xi32>, vector<16xi32>], vector<16xf32>,
        }
        %while3A_212 = arith.constant 1 : i32
        scf.for %while3A_219 = %while3A_210 to %while3A_206 step %while3A_212  : i32 {
          %shift_right_arithmetic3A_220 = arith.constant 4 : i32
          %shift_right_arithmetic3A_221 = arith.shrsi %while3A_219, %shift_right_arithmetic3A_220 : i32
          %shift_left3A_222 = arith.constant 4 : i32
          %shift_left3A_223 = arith.shli %shift_right_arithmetic3A_221, %shift_left3A_222 : i32
          %multiple_of3A_224 = tpu.assume_multiple %shift_left3A_223, 16 : i32
          %get3A_225 = arith.index_cast %multiple_of3A_224 : i32 to index
          %get3A_226 = tpu.vector_load %arg11[%get3A_225] {strides = array<i32>} : memref<15904xi32, #tpu.memory_space<vmem>>, vector<16xi32>,
          %and3A_227 = arith.constant 15 : i32
          %and3A_228 = arith.andi %while3A_219, %and3A_227 : i32
          %eq3A_229 = vector.broadcast %and3A_228 : i32 to vector<16xi32>
          %eq3A_230 = arith.cmpi eq, %iota3A, %eq3A_229 : vector<16xi32>
          %jit3A_231 = arith.constant 0 : i32
          %broadcast_in_dim3A_232 = vector.broadcast %jit3A_231 : i32 to vector<16xi32>
          %select_n3A_233 = arith.select %eq3A_230, %get3A_226, %broadcast_in_dim3A_232 : vector<16xi1>, vector<16xi32>
          %reduce_sum3A_234 = arith.constant true
          %reduce_sum3A_235 = vector.broadcast %reduce_sum3A_234 : i1 to vector<16xi1>
          %reduce_sum3A_236 = tpu.scan <sum>, %select_n3A_233 masked %reduce_sum3A_235 : vector<16xi32>, vector<16xi1> -> vector<16xi32>
          %reduce_sum3A_237 = vector.extract %reduce_sum3A_236[15] : i32 from vector<16xi32>
          %shift_right_arithmetic3A_238 = arith.constant 14 : i32
          %shift_right_arithmetic3A_239 = arith.shrsi %reduce_sum3A_237, %shift_right_arithmetic3A_238 : i32
          %mul3A_240 = arith.constant 128 : i32
          %mul3A_241 = arith.muli %while3A_118, %mul3A_240 : i32
          %sub3A = arith.subi %shift_right_arithmetic3A_239, %mul3A_241 : i32
          %mul3A_242 = arith.constant 0 : i32
          %mul3A_243 = vector.broadcast %mul3A_242 : i32 to vector<16xi32>
          %mul3A_244 = arith.muli %iota3A, %mul3A_243 : vector<16xi32>
          %add3A_245 = vector.broadcast %sub3A : i32 to vector<16xi32>
          %add3A_246 = arith.addi %mul3A_244, %add3A_245 : vector<16xi32>
          %sub3A_247 = arith.subi %while3A_219, %while3A_119 : i32
          %get3A_248 = arith.index_cast %sub3A_247 : i32 to index
          %get3A_249 = arith.constant 0 : index
          %get3A_250 = tpu.vector_load %arg17[%get3A_248, %get3A_249] {strides = array<i32>} : memref<128x64xf32, #tpu.memory_space<vmem>>, vector<16xf32>,
          %mul3A_251 = arith.constant 1.000000e-01 : f32
          %mul3A_252 = vector.broadcast %mul3A_251 : f32 to vector<16xf32>
          %mul3A_253 = arith.mulf %get3A_250, %mul3A_252 : vector<16xf32>
          %add3A_254 = arith.constant 0 : i32
          %add3A_255 = vector.broadcast %add3A_254 : i32 to vector<16xi32>
          %add3A_256 = arith.addi %add3A_255, %iota3A : vector<16xi32>
          tpu.vector_store_idx %arg15[%add3A_256, %add3A_246], %mul3A_253 : memref<64x128xf32, #tpu.memory_space<vmem>>[vector<16xi32>, vector<16xi32>], vector<16xf32>,
          %get3A_257 = arith.index_cast %sub3A_247 : i32 to index
          %get3A_258 = arith.constant 16 : index
          %get3A_259 = tpu.vector_load %arg17[%get3A_257, %get3A_258] {strides = array<i32>} : memref<128x64xf32, #tpu.memory_space<vmem>>, vector<16xf32>,
          %mul3A_260 = arith.constant 1.000000e-01 : f32
          %mul3A_261 = vector.broadcast %mul3A_260 : f32 to vector<16xf32>
          %mul3A_262 = arith.mulf %get3A_259, %mul3A_261 : vector<16xf32>
          %add3A_263 = arith.constant 16 : i32
          %add3A_264 = vector.broadcast %add3A_263 : i32 to vector<16xi32>
          %add3A_265 = arith.addi %add3A_264, %iota3A : vector<16xi32>
          tpu.vector_store_idx %arg15[%add3A_265, %add3A_246], %mul3A_262 : memref<64x128xf32, #tpu.memory_space<vmem>>[vector<16xi32>, vector<16xi32>], vector<16xf32>,
          %get3A_266 = arith.index_cast %sub3A_247 : i32 to index
          %get3A_267 = arith.constant 32 : index
          %get3A_268 = tpu.vector_load %arg17[%get3A_266, %get3A_267] {strides = array<i32>} : memref<128x64xf32, #tpu.memory_space<vmem>>, vector<16xf32>,
          %mul3A_269 = arith.constant 1.000000e-01 : f32
          %mul3A_270 = vector.broadcast %mul3A_269 : f32 to vector<16xf32>
          %mul3A_271 = arith.mulf %get3A_268, %mul3A_270 : vector<16xf32>
          %add3A_272 = arith.constant 32 : i32
          %add3A_273 = vector.broadcast %add3A_272 : i32 to vector<16xi32>
          %add3A_274 = arith.addi %add3A_273, %iota3A : vector<16xi32>
          tpu.vector_store_idx %arg15[%add3A_274, %add3A_246], %mul3A_271 : memref<64x128xf32, #tpu.memory_space<vmem>>[vector<16xi32>, vector<16xi32>], vector<16xf32>,
          %get3A_275 = arith.index_cast %sub3A_247 : i32 to index
          %get3A_276 = arith.constant 48 : index
          %get3A_277 = tpu.vector_load %arg17[%get3A_275, %get3A_276] {strides = array<i32>} : memref<128x64xf32, #tpu.memory_space<vmem>>, vector<16xf32>,
          %mul3A_278 = arith.constant 1.000000e-01 : f32
          %mul3A_279 = vector.broadcast %mul3A_278 : f32 to vector<16xf32>
          %mul3A_280 = arith.mulf %get3A_277, %mul3A_279 : vector<16xf32>
          %add3A_281 = arith.constant 48 : i32
          %add3A_282 = vector.broadcast %add3A_281 : i32 to vector<16xi32>
          %add3A_283 = arith.addi %add3A_282, %iota3A : vector<16xi32>
          tpu.vector_store_idx %arg15[%add3A_283, %add3A_246], %mul3A_280 : memref<64x128xf32, #tpu.memory_space<vmem>>[vector<16xi32>, vector<16xi32>], vector<16xf32>,
        }
        %mul3A_213 = arith.constant 128 : i32
        %mul3A_214 = arith.muli %while3A_118, %mul3A_213 : i32
        %add3A_215 = arith.addi %mul3A_2, %mul3A_214 : i32
        %dma_start3A = arith.constant 0 : i32
        %dma_start3A_216 = tpu.memref_slice %arg6[%dma_start3A, %add3A_215] : memref<64x500000xf32, #tpu.memory_space<hbm>> -> memref<64x128xf32, #tpu.memory_space<hbm>>
        %dma_start3A_217 = arith.constant 0 : i32
        %dma_start3A_218 = tpu.memref_slice %arg6[%dma_start3A_217, %add3A_215] : memref<64x500000xf32, #tpu.memory_space<hbm>> -> memref<64x128xf32, #tpu.memory_space<hbm>>
        tpu.enqueue_dma source(%arg15 : memref<64x128xf32, #tpu.memory_space<vmem>>) target(%dma_start3A_218 : memref<64x128xf32, #tpu.memory_space<hbm>>) target_semaphore(%arg19 : memref<!tpu.dma_semaphore, #tpu.memory_space<semaphore_mem>>)
      } else {
      }
      %select_n3A_182 = arith.select %eq3A_165, %while3A_119, %while3A_121 : i32
      %select_n3A_183 = arith.select %eq3A_165, %while3A_120, %while3A_122 : i32
      %select_n3A_184 = arith.select %eq3A_165, %while3A_123, %while3A_119 : i32
      %select_n3A_185 = arith.select %eq3A_165, %while3A_124, %while3A_120 : i32
      scf.yield %while3A_120, %add3A_149, %select_n3A_182, %select_n3A_183, %select_n3A_184, %select_n3A_185 : i32, i32, i32, i32, i32, i32
    }
    %dma_wait3A = arith.constant 0 : i32
    %dma_wait3A_107 = arith.constant 0 : i32
    %dma_wait3A_108 = tpu.memref_slice %arg6[%dma_wait3A, %dma_wait3A_107] : memref<64x500000xf32, #tpu.memory_space<hbm>> -> memref<64x128xf32, #tpu.memory_space<hbm>>
    %dma_wait3A_109 = arith.constant 0 : i32
    %dma_wait3A_110 = arith.constant 0 : i32
    %dma_wait3A_111 = tpu.memref_slice %arg6[%dma_wait3A_109, %dma_wait3A_110] : memref<64x500000xf32, #tpu.memory_space<hbm>> -> memref<64x128xf32, #tpu.memory_space<hbm>>
    tpu.wait_dma2 semaphore(%arg18 : memref<!tpu.dma_semaphore, #tpu.memory_space<semaphore_mem>>) src(%arg14 : memref<64x128xf32, #tpu.memory_space<vmem>>) dst(%dma_wait3A_111 : memref<64x128xf32, #tpu.memory_space<hbm>>)
    %dma_wait3A_112 = arith.constant 0 : i32
    %dma_wait3A_113 = arith.constant 0 : i32
    %dma_wait3A_114 = tpu.memref_slice %arg6[%dma_wait3A_112, %dma_wait3A_113] : memref<64x500000xf32, #tpu.memory_space<hbm>> -> memref<64x128xf32, #tpu.memory_space<hbm>>
    %dma_wait3A_115 = arith.constant 0 : i32
    %dma_wait3A_116 = arith.constant 0 : i32
    %dma_wait3A_117 = tpu.memref_slice %arg6[%dma_wait3A_115, %dma_wait3A_116] : memref<64x500000xf32, #tpu.memory_space<hbm>> -> memref<64x128xf32, #tpu.memory_space<hbm>>
    tpu.wait_dma2 semaphore(%arg19 : memref<!tpu.dma_semaphore, #tpu.memory_space<semaphore_mem>>) src(%arg15 : memref<64x128xf32, #tpu.memory_space<vmem>>) dst(%dma_wait3A_117 : memref<64x128xf32, #tpu.memory_space<hbm>>)
    return
  }
}

</mosaic_0001>

<sc_bundles>
// kernel: kernel.3.cloned.1.call-start
scs
__scs_entry_jumppad:
0x0: {  	(pc) =	sbr.rel $0x88, $3  }
0x1: {  	(tag) =	ssettag $0x0;
	lr =	simm.s32 $0x1  }
0x2: {  	[smem:$0x3F9E] =	sst lr;
	_ =	strace $0xD0000000  }
0x3: {  	_ = 	snop  }
0x4: {  	_ = 	snop  }
0x5: {  	_ = 	snop  }
0x6: {  	_ = 	snop  }
0x7: {  	_ = 	snop  }
__scs_overlays_trampoline_lowered:
0x8: {  	[smem:$0x3FAD] =	sst s0  }
0x9: {  	[smem:$0x3FAE] =	sst s1  }
0xa: {  	[smem:$0x3FAF] =	sst s2  }
0xb: {  	[smem:$0x3FB0] =	sst s3  }
0xc: {  	[smem:$0x3FB1] =	sst s4  }
0xd: {  	[smem:$0x3FB2] =	sst s5  }
0xe: {  	[smem:$0x3FB3] =	sst s6  }
0xf: {  	[smem:$0x3FB4] =	sst s7  }
0x10: {  	[smem:$0x3FB5] =	sst s8  }
0x11: {  	[smem:$0x3FB6] =	sst s9;
	s0 =	simm.s32 @!p0 $0x0  }
0x12: {  	s1 =	sld [smem:$0x3F9C];
	s0 =	simm.s32 @p0 $0x1  }
0x13: {  	[smem:$0x3FB7] =	sst s0;
	s0 =	simm.s32 @!p1 $0x0  }
0x14: {  	s2 =	sld [smem:$0x3F9B];
	s0 =	simm.s32 @p1 $0x1  }
0x15: {  	[smem:$0x3FB8] =	sst s0;
	s0 =	simm.s32 @!p2 $0x0  }
0x16: {  	s3 =	sld [smem:$0x3FDB];
	s0 =	simm.s32 @p2 $0x1  }
0x17: {  	s4 =	simm.s32 $0x1BF5;
	[smem:$0x3FBA] =	sst s0  }
0x18: {  	s0 =	sld [smem:$0x3F9D];
	_ =	swait.ge [sflag:s4], $0x0  }
0x19: {  	s7 =	sld [smem:$0x3F9E]  }
0x1a: {  	s8 =	sadd.s32 $0xFFFFE003, lr  }
0x1b: {  	s9 =	sadd.s32 $0xFFFFFEF7, lr;
	s5 =	simm.s32 $0xFFFFFFFF;
	p2 =	slt.u32 s8, $0xFFFFF086  }
0x1c: {  	p1 =	slt.u32 s9, $0xF7A;
	s5 =	simm.s32 @!p2 $0x0  }
0x1d: {  	s5 =	simm.s32 @p1 $0x1;
	p0 =	seq.s32 s7, s2  }
0x1e: {  	s7 =	smul.u32 @!p0 $0xF7A, s2;
	p2 =	seq.s32 @!p0 s5, $0x0  }
0x1f: {  	s9 =	smul.u32 $0xF7A, s1;
	s8 =	simm.s32 @!p0 $0x1BF5;
	p2 =	por !p2, p0  }
0x20: {  	[sflag:s8] =	ssyncset.s32 @!p0 $0xFFFFF086;
	s6 =	sadd.s32 @!p0 s3, s7;
	s7 =	simm.s32 @!p0 $0x108  }
0x21: {  	s3 =	sadd.s32 s3, s9;
	s6 =	sadd.s32 @!p0 $0x88, s6;
	s7 =	simm.s32 @p2 $0x1082  }
0x22: {  	[simem:s7], [sflag:s8] =	dma.local @!p0 [hbm:s6], $0xF7A  }
0x23: {  	s9 =	sor.u32 $0xD0000000, s2;
	s6 =	simm.s32 $0x108;
	_ =	swait.ge @!p0 [sflag:s8], $0x0  }
0x24: {  	s3 =	sadd.s32 $0x88, s3;
	s6 =	simm.s32 @!p1 $0x1082;
	[sflag:s4] =	ssyncset.s32 $0xFFFFF086  }
0x25: {  	[simem:s6], [sflag:s4] =	dma.local [hbm:s3], $0xF7A  }
0x26: {  	[smem:$0x3F9E] =	sst s1;
	(tag) =	ssettag s2;
	_ =	strace s9  }
0x27: {  	s1 =	sld [smem:$0x3FAE]  }
0x28: {  	s2 =	sld [smem:$0x3FAF]  }
0x29: {  	s4 =	sld [smem:$0x3FB1]  }
0x2a: {  	p0 =	seq.s32 s5, $0x0;
	s5 =	sld [smem:$0x3FB2]  }
0x2b: {  	s6 =	sld [smem:$0x3FB3]  }
0x2c: {  	s7 =	sld [smem:$0x3FB4]  }
0x2d: {  	s3 =	simm.s32 $0x108;
	s8 =	sld [smem:$0x3FB5]  }
0x2e: {  	s3 =	simm.s32 @!p0 $0x1082;
	s9 =	sld [smem:$0x3FB6]  }
0x2f: {  	lr =	sadd.s32 s0, s3;
	s0 =	sld [smem:$0x3FAD]  }
0x30: {  	s3 =	sld [smem:$0x3FB0]  }
0x31: {  	[smem:$0x3FB9] =	sst s10  }
0x32: {  	s10 =	sld [smem:$0x3FB7];
	_ =	sdelay $0x3  }
0x33: {  	p0 =	seq.s32 s10, $0x1;
	s10 =	sld [smem:$0x3FB9];
	_ =	sdelay $0x3  }
0x34: {  	[smem:$0x3FB9] =	sst s10  }
0x35: {  	s10 =	sld [smem:$0x3FB8];
	_ =	sdelay $0x3  }
0x36: {  	p1 =	seq.s32 s10, $0x1;
	s10 =	sld [smem:$0x3FB9];
	_ =	sdelay $0x3  }
0x37: {  	[smem:$0x3FB9] =	sst s10  }
0x38: {  	s10 =	sld [smem:$0x3FBA]  }
0x39: {  	_ = 	snop;
	(pc) =	sbr.ind lr, $3  }
0x3a: {  	_ = 	snop  }
0x3b: {  	_ = 	snop  }
0x3c: {  	p2 =	seq.s32 s10, $0x1;
	s10 =	sld [smem:$0x3FB9]  }
0x3d: {  	_ =	shalt  }
0x3e: {  	_ =	shalt  }
0x3f: {  	_ =	shalt  }
0x40: {  	_ =	shalt  }
0x41: {  	_ =	shalt  }
0x42: {  	_ =	shalt  }
0x43: {  	_ =	shalt  }
0x44: {  	_ =	shalt  }
0x45: {  	_ =	shalt  }
0x46: {  	_ =	shalt  }
0x47: {  	_ =	shalt  }
0x48: {  	_ =	shalt  }
0x49: {  	_ =	shalt  }
0x4a: {  	_ =	shalt  }
0x4b: {  	_ =	shalt  }
0x4c: {  	_ =	shalt  }
0x4d: {  	_ =	shalt  }
0x4e: {  	_ =	shalt  }
0x4f: {  	_ =	shalt  }
0x50: {  	_ =	shalt  }
0x51: {  	_ =	shalt  }
0x52: {  	_ =	shalt  }
0x53: {  	_ =	shalt  }
0x54: {  	_ =	shalt  }
0x55: {  	_ =	shalt  }
0x56: {  	_ =	shalt  }
0x57: {  	_ =	shalt  }
0x58: {  	_ =	shalt  }
0x59: {  	_ =	shalt  }
0x5a: {  	_ =	shalt  }
0x5b: {  	_ =	shalt  }
0x5c: {  	_ =	shalt  }
0x5d: {  	_ =	shalt  }
0x5e: {  	_ =	shalt  }
0x5f: {  	_ =	shalt  }
0x60: {  	_ =	shalt  }
0x61: {  	_ =	shalt  }
0x62: {  	_ =	shalt  }
0x63: {  	_ =	shalt  }
0x64: {  	_ =	shalt  }
0x65: {  	_ =	shalt  }
0x66: {  	_ =	shalt  }
0x67: {  	_ =	shalt  }
0x68: {  	_ =	shalt  }
0x69: {  	_ =	shalt  }
0x6a: {  	_ =	shalt  }
0x6b: {  	_ =	shalt  }
0x6c: {  	_ =	shalt  }
0x6d: {  	_ =	shalt  }
0x6e: {  	_ =	shalt  }
0x6f: {  	_ =	shalt  }
0x70: {  	_ =	shalt  }
0x71: {  	_ =	shalt  }
0x72: {  	_ =	shalt  }
0x73: {  	_ =	shalt  }
0x74: {  	_ =	shalt  }
0x75: {  	_ =	shalt  }
0x76: {  	_ =	shalt  }
0x77: {  	_ =	shalt  }
0x78: {  	_ =	shalt  }
0x79: {  	_ =	shalt  }
0x7a: {  	_ =	shalt  }
0x7b: {  	_ =	shalt  }
0x7c: {  	_ =	shalt  }
0x7d: {  	_ =	shalt  }
0x7e: {  	_ =	shalt  }
0x7f: {  	_ =	shalt  }
0x80: {  	_ =	shalt  }
0x81: {  	_ =	shalt  }
0x82: {  	_ =	shalt  }
0x83: {  	_ =	shalt  }
0x84: {  	_ =	shalt  }
0x85: {  	_ =	shalt  }
0x86: {  	_ =	shalt  }
0x87: {  	_ =	shalt  }
.Lfunc_end0:
.L_simem_size_0:
called_computation_lowered:
.L_overlay_start_0:
0x88: {  	s2 =	sld [smem:$0x3FD9]  }
0x89: {  	s3 =	sld [smem:$0x3FFE];
	_ =	sdelay $0x1  }
0x8a: {  	s1 =	srdreg.scid  }
0x8b: {  	s0 =	sand.u32 $0x1, s1  }
0x8c: {  	s14 =	sshll.u32 s0, $0xA;
	s2 =	sadd.s32 s3, s2  }
0x8d: {  	s2 =	sadd.s32 s2, s14  }
0x8e: {  	[smem:$0x3FC5] =	sst s2  }
0x8f: {  	_ = 	snop  }
0x90: {  	s2 =	sld [smem:$0x3FD0];
	_ =	sdelay $0x1  }
0x91: {  	s15 =	sld [smem:$0x3FC8]  }
0x92: {  	s5 =	simm.s32 $0xA;
	s6 =	simm.s32 $0x10;
	s4 =	sld [smem:$0x3FC7]  }
0x93: {  	[smem:s6], [sflag:s5] =	dma.local [hbm:s2], $0x1  }
0x94: {  	_ =	swait.eq [sflag:s5], $0x1  }
0x95: {  	[sflag:s5] =	ssyncset.done $0x0  }
0x96: {  	s16 =	sld [smem:$0x10];
	[sflag:s5] =	ssyncadd.s32 $0xFFFFFFFF  }
0x97: {  	s17 =	sld [smem:$0x11];
	(tm) =	ssettm $0x1  }
0x98: {  	s18 =	sld [smem:$0x3FFB];
	_ =	sdelay $0x3  }
0x99: {  	_ =	strace s18  }
0x9a: {  	s6 =	sld [smem:$0x3FFC];
	_ =	sdelay $0x3  }
0x9b: {  	_ =	strace s6  }
0x9c: {  	s6 =	sld [smem:$0x3FFD];
	_ =	sdelay $0x3  }
0x9d: {  	_ =	strace s6  }
0x9e: {  	_ =	strace $0x8FFFFFFF  }
0x9f: {  	s19 =	sld [smem:$0x3FDB];
	_ =	sdelay $0x1  }
0xa0: {  	s7 =	simm.s32 $_scs_section_size  }
0xa1: {  	s8 =	simm.s32 $_size__tile_overlayer_lowered;
	s9 =	simm.s32 $_tile_overlayer_lowered  }
0xa2: {  	s22 =	simm.s32 $0x1BFF;
	s21 =	sshll.u32 s9, $0x1;
	s6 =	sadd.s32 s7, s19  }
0xa3: {  	s10 =	simm.s32 $0x0;
	s20 =	sshll.u32 s8, $0x1;
	s8 =	sadd.s32 s21, s6  }
0xa4: {  	[timem:s10], [sflag:s22] =	dma.local [hbm:s8], s20  }
0xa5: {  	_ =	swait.ge [sflag:s22], s20  }
0xa6: {  	s7 =	ssub.s32 $0x0, s20;
	[sflag:s22] =	ssyncset.done $0x0  }
0xa7: {  	[sflag:s22] =	ssyncadd.s32 s7;
	_ =	sdelay $0x1  }
0xa8: {  	s23 =	simm.s32 $0x1B8B  }
0xa9: {  	_ =	swait.ge [sflag:s23], $0x1  }
0xaa: {  	[sflag:s23] =	ssyncset.done $0x0  }
0xab: {  	s25 =	simm.s32 $0x1B8E;
	s24 =	sld [smem:$0x3FFE];
	[sflag:s23] =	ssyncadd.s32 $0xFFFFFFFF  }
0xac: {  	s26 =	simm.s32 $execute0_lowered;
	[smem:$0x3FD2] =	sst s25  }
0xad: {  	s8 =	sshll.u32 s26, $0x1;
	_ =	strace $0x80000046;
	[dreg:$0x1] =	wrdreg $0xFFFFFFFF  }
0xae: {  	s28 =	simm.s32 $_size_execute0_lowered;
	s6 =	sadd.s32 s6, s8;
	[dreg:$0x0] =	wrdreg $0x0  }
0xaf: {  	s8 =	sshll.u32 s28, $0x1;
	[dreg:$0x2] =	wrdreg s6  }
0xb0: {  	[dreg:$0x3] =	wrdreg s8  }
0xb1: {  	[dreg:$0x4] =	wrdreg $0xC0  }
0xb2: {  	_ =	task [dreg:s10], $0x5FFFF  }
0xb3: {  	[dreg:$0x1] =	wrdreg $0xFFFFFFFF  }
0xb4: {  	[dreg:$0x0] =	wrdreg $0x60  }
0xb5: {  	[dreg:$0x2] =	wrdreg s24  }
0xb6: {  	[dreg:$0x3] =	wrdreg s15  }
0xb7: {  	[dreg:$0x4] =	wrdreg s4  }
0xb8: {  	[dreg:$0x5] =	wrdreg s16  }
0xb9: {  	[dreg:$0x6] =	wrdreg s17  }
0xba: {  	[dreg:$0x7] =	wrdreg $0x9  }
0xbb: {  	_ =	task.clear_ibuf [dreg:s10], $0x8FFFF;
	_ =	strace $0x90000046  }
0xbc: {  	s29 =	simm.s32 $0x9;
	_ =	strace $0x80000048  }
0xbd: {  	_ =	swait.ge [sflag:s29], $0x1  }
0xbe: {  	[sflag:s29] =	ssyncadd.s32 $0xFFFFFFFF  }
0xbf: {  	_ =	strace $0x90000048  }
0xc0: {  	_ =	sfence  }
0xc1: {  	s30 =	sld [smem:$0x0];
	_ =	sdelay $0x2  }
0xc2: {  	s31 =	sshll.u32 s1, $0xD;
	s1 =	sshrl.u32 s1, $0x2  }
0xc3: {  	s3 =	sand.u32 $0x4000, s31;
	s1 =	sadd.s32 s1, s30  }
0xc4: {  	s0 =	sor.u32 s3, s0;
	s1 =	sshll.u32 s1, $0x11  }
0xc5: {  	s0 =	sor.u32 s1, s0  }
0xc6: {  	s0 =	sadd.s32 $0x8F2B, s0  }
0xc7: {  	[sflag:s0] =	ssyncadd.remote.s32 $0x1  }
0xc8: {  	_ =	sfence.sel $0xFFFF  }
0xc9: {  	[dreg:$0x0] =	wrdreg $0xFFFFFFFF;
	(pc) =	sbr.abs _section_cstart, $3  }
0xca: {  	[dreg:$0x1] =	wrdreg $0xFFFFFFFF  }
0xcb: {  	_ =	task.clear_ibuf [dreg:s10], $0x2FFFF;
	_ =	strace $0x9FFFFFFF  }
0xcc: {  	(tm) =	ssettm $0x7FFFFFFF  }
0xcd: {  	_ =	shalt  }
tec
execute0_lowered:
.L_overlay_start_1:
0x0: {  	(tag) =	ssettag $0x1  }
0x1: {  	s0 =	rddreg [dreg:$0x0];
	s1 =	srdreg.scid  }
0x2: {  	s3 =	stileid.u32;
	s2 =	rddreg [dreg:$0x3]  }
0x3: {  	v0 =	vimm.s32 $0xFFEDCBA9;
	v1 =	vimm.s32 $0x87654321;
	s10 =	rddreg [dreg:$0x4];
	s6 =	simm.s32 $0x0;
	s4 =	simm.s32 $0x3E20  }
0x4: {  	s9 =	simm.s32 $0x7D;
	vm0 =	vcmask $0x3F3C;
	s16 =	simm.s32 $0x4000;
	s17 =	simm.s32 $0x13C80  }
0x5: {  	v7 =	vimm.s32 $0x83828184;
	v9 =	vimm.s32 $0x87868588;
	s18 =	simm.s32 $0xFD00;
	s19 =	simm.s32 $0x13B80;
	s20 =	simm.s32 $0x3  }
0x6: {  	v2 =	vlaneseq.u32;
	v10 =	vimm.s32 $0x8B8A898C;
	s21 =	simm.s32 $0x13D00;
	s22 =	simm.s32 $0x400;
	s23 =	simm.s32 $0x3D0C00  }
0x7: {  	vm1 =	vcmask $0x300;
	vm2 =	vcmask $0x1304;
	vm3 =	vcmask $0x2314;
	s26 =	simm.s32 $0x4;
	s28 =	simm.s32 $0x15D00;
	s12 =	simm.s32 $0x0  }
0x8: {  	vm4 =	vcmask $0x3324;
	vm5 =	vcmask $0x3734;
	vm6 =	vcmask $0x3B38;
	s1 =	sand.u32 $0x1, s1;
	s3 =	sshll.u32 s3, $0x1;
	[smem:$0x7FF] =	sst s6  }
0x9: {  	vm7 =	vmmov $0x1;
	v12 =	vimm.f32 $0.0e+00;
	v0 =	vunpack.c.l.s4.s8 v0;
	s7 =	sadd.s32 $0x800, s0;
	s31 =	sadd.s32 $0xEC60, s2;
	s3 =	sor.u32 s1, s3  }
0xa: {  	v1 =	vunpack.c.l.s4.s8 v1;
	v5 =	vor.u32 $0x80000000, v2;
	v8 =	vunpack.c.0.s8.s32 v7;
	s1 =	ssub.s32 $0x2, s1;
	_ =	strace $0x80000047;
	[dreg:$0x8] =	wrdreg s31  }
0xb: {  	v7 =	vmul.u32 $0x4000, v2;
	v9 =	vunpack.c.0.s8.s32 v9;
	v10 =	vunpack.c.0.s8.s32 v10;
	s5 =	smul.u32 $0x3D00, s3;
	p0 =	seq.s32 s3, $0x1F;
	s8 =	sshrl.u32 s1, $0x1  }
.Ltmp0:
0xc: {  	v11 =	vmul.u32 $0x80, v2;
	v3 =	vunpack.c.0.s8.s32 v0;
	v4 =	vunpack.c.0.s8.s32 v1;
	s4 =	simm.s32 @!p0 $0x3D00;
	s29 =	ssub.s32 s1, s8;
	(pc) =	sbr.rel .LBB2_1-.Ltmp0, $4  }
0xd: {  	v8 =	vand.u32 $0xFF, v8;
	v9 =	vand.u32 $0xFF, v9;
	v10 =	vand.u32 $0xFF, v10;
	s9 =	simm.s32 @!p0 $0x7A;
	s30 =	sshrl.u32 s5, $0x3;
	s0 =	smax.u32 s29, $0x1  }
0xe: {  	v13 =	vor.u32 $0x800, v11;
	v1 =	vmov s4;
	v6 =	vcombine.low v4, v3;
	s4 =	simm.s32 $0x3E2;
	s1 =	sadd.s32 s2, s30;
	[dreg:$0x9] =	wrdreg s0  }
0xf: {  	v14 =	vor.u32 $0x1000, v11;
	v15 =	vor.u32 $0x1800, v11;
	v0 =	vmov s5;
	s13 =	sadd.s32 s10, s5;
	s4 =	simm.s32 @!p0 $0x3D0;
	[dreg:$0x7] =	wrdreg s1  }
0x10: {  	v3 =	vimm.s32 $0xFFFFFFFF;
	v4 =	vimm.s32 $0x0;
	p0 =	sne.s32 s3, $0x1F;
	v6 =	vand.u32 $0xF, v6;
	[dreg:$0x6] =	wrdreg s4;
	s14 =	sshll.u32 s4, $0x4  }
.LBB2_81:
0x11: {  	s0 =	simm.s32 $0x1  }
0x12: {  	_ =	swait.ge [sflag:s0], $0x2000  }
0x13: {  	[sflag:s0] =	ssyncset.done $0x0  }
0x14: {  	s1 =	simm.s32 $0x2;
	[sflag:s0] =	ssyncadd.s32 $0xFFFFE000  }
0x15: {  	_ =	swait.ge [sflag:s1], $0x2000  }
0x16: {  	s12 =	rddreg [dreg:$0xa]  }
0x17: {  	s31 =	rddreg [dreg:$0x9];
	s12 =	sadd.s32 $0x1, s12  }
0x18: {  	p1 =	sne.s32 s12, s31  }
.Ltmp1:
0x19: {  	_ = 	snop;
	(pc) =	sbr.rel @!p1 .LBB2_82-.Ltmp1, $3  }
0x1a: {  	_ =	sdelay $0x1  }
0x1b: {  	[sflag:s1] =	ssyncset.done $0x0  }
0x1c: {  	[sflag:s1] =	ssyncadd.s32 $0xFFFFE000  }
.LBB2_1:
0x1d: {  	s0 =	rddreg [dreg:$0x2];
	s1 =	simm.s32 $0x5  }
0x1e: {  	[tilespmem:s6], [sflag:$0x5] =	stream.linear.gather [hbm4b:s0+s6], $0x4000, $0x38;
	[tilespmem:$0x1FD00] =	vst v63  }
0x1f: {  	_ =	swait.ge [sflag:s1], $0x4000  }
0x20: {  	[sflag:s1] =	ssyncset.done $0x0  }
0x21: {  	[sflag:s1] =	ssyncadd.s32 $0xFFFFC000  }
0x22: {  	s30 =	rddreg [dreg:$0x1]  }
0x23: {  	[tilespmem:s16], [sflag:$0x5] =	stream.linear.gather [hbm4b:s30+s6], $0x4000, $0x38;
	[tilespmem:$0x1FD00] =	vst v63  }
0x24: {  	_ =	swait.ge [sflag:s1], $0x4000  }
0x25: {  	s31 =	rddreg [dreg:$0x6]  }
0x26: {  	p1 =	sne.s32 s31, $0x1  }
.Ltmp2:
0x27: {  	_ = 	snop;
	(pc) =	sbr.rel @!p1 .LBB2_3-.Ltmp2, $4  }
0x28: {  	_ = 	snop  }
0x29: {  	[sflag:s1] =	ssyncset.done $0x0  }
0x2a: {  	s0 =	simm.s32 $0x8000;
	[sflag:s1] =	ssyncadd.s32 $0xFFFFC000  }
0x2b: {  	s1 =	sadd.s32 $0xFFFFFFFF, s31;
	[tilespmem:s0+$0x0] =	vst v3  }
.LBB2_2:
0x2c: {  	p1 =	sne.s32 s1, $0x1  }
.Ltmp3:
0x2d: {  	_ = 	snop;
	(pc) =	sbr.rel @p1 .LBB2_2-.Ltmp3, $3  }
0x2e: {  	_ =	sdelay $0x1  }
0x2f: {  	s1 =	sadd.s32 $0xFFFFFFFF, s1;
	s0 =	sadd.s32 $0x10, s0  }
0x30: {  	[tilespmem:s0+$0x0] =	vst v3  }
.LBB2_3:
0x31: {  	[tilespmem:$0x13B80] =	vst v4  }
0x32: {  	[tilespmem:$0x13B90] =	vst v4  }
0x33: {  	[tilespmem:$0x13BA0] =	vst v4  }
0x34: {  	[tilespmem:$0x13BB0] =	vst v4  }
0x35: {  	[tilespmem:$0x13BC0] =	vst v4  }
0x36: {  	[tilespmem:$0x13BD0] =	vst v4  }
0x37: {  	[tilespmem:$0x13BE0] =	vst v4  }
0x38: {  	[tilespmem:$0x13BF0] =	vst v4  }
0x39: {  	[tilespmem:$0x13C00] =	vst v4  }
0x3a: {  	[tilespmem:$0x13C10] =	vst v4;
	s2 =	simm.s32 $0x0;
	s0 =	simm.s32 $0x0;
	s1 =	simm.s32 $0x0  }
.LBB2_4:
0x3b: {  	v16 =	vld [tilespmem:s0+$0x0];
	_ =	sdelay $0x4  }
0x3c: {  	v16 =	vsub.s32 v16, v0  }
0x3d: {  	vm8 =	vgt.s32 v16, $0xFFFFFFFF;
	vm9 =	vlt.s32 v16, v1;
	v17 =	vshll.u32 v16, $0x4  }
0x3e: {  	vm8 =	vmand vm8, vm9;
	v17 =	vxor.u32 v5, v17  }
0x3f: {  	v17 =	vnsel vm8, $0xFFFFFFFF, v17  }
0x40: {  	(xrf1) =	vsort.ascd.msk.u32 $0xffff, v17, v2;
	_ =	sdelay $0xd  }
0x41: {  	v17, v18, _ =	vpop (xrf1)  }
0x42: {  	v17 =	vxor.u32 $0x80000000, v17  }
0x43: {  	[tilespmem:$0x13C80] =	vst v17  }
0x44: {  	v19 =	vld.idx.msk [tilespmem:v6+s17+$0x0], $0xffff;
	_ =	sdelay $0x4  }
0x45: {  	v17 =	vxor.u32 v19, v17  }
0x46: {  	vm14 =	vgt.u32 v17, $0xF  }
0x47: {  	vm9 =	vmor vm14, vm0  }
0x48: {  	v17 =	vsel vm9, $0x1, v4  }
0x49: {  	[tilespmem:v18+s17+$0x0] =	vst.idx.msk $0xffff, v17  }
0x4a: {  	v17 =	vld [tilespmem:$0x13C80];
	_ =	sdelay $0x4  }
0x4b: {  	vm15 =	veq.s32 v17, $0x1  }
0x4c: {  	vm8 =	vmand vm8, vm15  }
0x4d: {  	p1 =	sne.s32 s1, $0x3FF0;
	v16 =	vnsel vm8, $0x0, v16  }
.Ltmp4:
0x4e: {  	_ = 	snop;
	(pc) =	sbr.rel @p1 .LBB2_4-.Ltmp4, $3  }
0x4f: {  	_ =	sdelay $0x1  }
0x50: {  	s3 =	simm.s32 $0x8000;
	v17 =	vor.u32 s1, v2  }
0x51: {  	s0 =	sadd.s32 $0x10, s0;
	s1 =	sadd.s32 $0x10, s1;
	[tilespmem:v16+s3+$0x0] =	vst.idx.msk vm8, v17  }
0x52: {  	v16 =	vld [tilespmem:s3+$0x0];
	_ =	sdelay $0x4  }
0x53: {  	vm8 =	vgt.s32 v16, $0xFFFFFFFF  }
0x54: {  	v17 =	vsel vm8, $0x1, v4  }
0x55: {  	vm9 =	vgt.s32 v16, $0x0;
	(xrf0) =	vadd.scan.msk.s32 $0xffff, v17  }
0x56: {  	p2 =	sne.s32 s14, $0x10;
	v17 =	vnsel vm9, $0x0, v16  }
.Ltmp5:
0x57: {  	s0 =	simm.s32 $0x0;
	(pc) =	sbr.rel @!p2 .LBB2_6-.Ltmp5, $4  }
0x58: {  	v18 =	vmov s0  }
0x59: {  	v19 =	vmov s2;
	v18 =	vnsel vm1, $0x8F, v18  }
0x5a: {  	s1 =	simm.s32 $0x10;
	v19 =	vadd.s32 $0xFFFFFFFF, v19;
	v20 =	vsel vm2, v8, v18  }
0x5b: {  	p1 =	por $0x0, $0x0;
	[dreg:$0xa] =	wrdreg s12;
	s0 =	simm.s32 $0xBE80;
	v19 =	vbroadcast v19, $0x0;
	v20 =	vsel vm3, v9, v20;
	v18 =	vld.idx.msk [tilespmem:v17+s16+$0x0], $0xffff;
	v17, _, _ =	vpop (xrf0)  }
0x5c: {  	_ =	sdelay $0x1  }
0x5d: {  	v20 =	vsel vm4, v10, v20;
	v19 =	vadd.s32 v17, v19  }
0x5e: {  	(v2sf) =	vpush v17, $0xF;
	v20 =	vsel vm5, $0x8D, v20;
	v19 =	vnsel vm8, $0x0, v19  }
0x5f: {  	v21 =	vmov s2;
	v20 =	vsel vm6, $0x8E, v20;
	v18 =	vmul.f32 $5.000000000e-01, v18  }
0x60: {  	v21 =	vshll.u32 v21, $0xE  }
0x61: {  	v17 =	vbroadcast v17, $0xF;
	v21 =	vor.u32 v7, v21;
	v18 =	vnsel vm8, $0x0, v18  }
0x62: {  	v16 =	vadd.s32 v21, v16;
	[tilespmem:s0+$0x0] =	vst v18  }
0x63: {  	[tilespmem:v19+s18+$0x0] =	vst.idx.msk vm8, v16;
	v16 =	vnsel vm7, $0x0, v17  }
0x64: {  	s2 =	simm.s32 $0x8010;
	[tilespmem:v20+s19+$0x0] =	vst.idx.add.s32.msk $0xffff, v16  }
0x65: {  	v16 =	vld [tilespmem:s2+$0x0];
	_ =	sdelay $0x4  }
0x66: {  	vm8 =	vgt.s32 v16, $0xFFFFFFFF  }
0x67: {  	vm9 =	vgt.s32 v16, $0x0;
	v17 =	vsel vm8, $0x1, v4  }
0x68: {  	(xrf0) =	vadd.scan.msk.s32 $0xffff, v17;
	v17 =	vnsel vm9, $0x0, v16;
	_ =	sdelay $0x1  }
0x69: {  	s4 =	simm.s32 $0x0;
	p2 =	sne.s32 s14, $0x20;
	s3 =	spop (v2sf)  }
.Ltmp6:
0x6a: {  	v18 =	vmov s4;
	s8 =	sadd.s32 $0x0, s3;
	(pc) =	sbr.rel @!p2 .LBB2_8-.Ltmp6, $4  }
0x6b: {  	v18 =	vnsel vm1, $0x8F, v18;
	v19 =	vmov s8  }
0x6c: {  	v20 =	vsel vm2, v8, v18;
	v19 =	vadd.s32 $0xFFFFFFFF, v19;
	v18 =	vld.idx.msk [tilespmem:v17+s16+$0x0], $0xffff  }
0x6d: {  	s10 =	simm.s32 $0x20;
	v19 =	vbroadcast v19, $0x0  }
0x6e: {  	s11 =	simm.s32 $0x1;
	p1 =	por $0x1, $0x1;
	v20 =	vsel vm3, v9, v20;
	s3 =	simm.s32 $0xBE80;
	v17, _, _ =	vpop (xrf0)  }
.LBB2_9:
0x6f: {  	v19 =	vadd.s32 v17, v19;
	v20 =	vsel vm4, v10, v20;
	(v2sf) =	vpush v17, $0xF;
	s4 =	smov.u32 s10;
	s10 =	sadd.s32 $0x10, s10  }
0x70: {  	p2 =	sne.s32 s14, s10;
	v19 =	vnsel vm8, $0x0, v19;
	v20 =	vsel vm5, $0x8D, v20  }
0x71: {  	v21 =	vmov s1;
	v18 =	vmul.f32 $5.000000000e-01, v18;
	s1 =	smov.u32 s4;
	v20 =	vsel vm6, $0x8E, v20  }
0x72: {  	v21 =	vshll.u32 v21, $0xE  }
0x73: {  	v17 =	vbroadcast v17, $0xF;
	s3 =	sadd.s32 $0x10, s3;
	v21 =	vor.u32 v7, v21;
	v18 =	vnsel vm8, $0x0, v18  }
0x74: {  	v16 =	vadd.s32 v21, v16;
	[tilespmem:s3+$0x0] =	vst v18  }
0x75: {  	[tilespmem:v19+s18+$0x0] =	vst.idx.msk vm8, v16;
	v16 =	vnsel vm7, $0x0, v17  }
0x76: {  	s2 =	sadd.s32 $0x10, s2;
	[tilespmem:v20+s19+$0x0] =	vst.idx.add.s32.msk $0xffff, v16  }
0x77: {  	v16 =	vld [tilespmem:s2+$0x0];
	_ =	sdelay $0x4  }
0x78: {  	vm9 =	vgt.s32 v16, $0x0  }
0x79: {  	vm8 =	vgt.s32 v16, $0xFFFFFFFF;
	v17 =	vnsel vm9, $0x0, v16  }
0x7a: {  	v18 =	vsel vm8, $0x1, v4;
	s4 =	spop (v2sf)  }
0x7b: {  	(xrf0) =	vadd.scan.msk.s32 $0xffff, v18;
	s8 =	sadd.s32 s8, s4  }
0x7c: {  	s11 =	sadd.s32 $0x1, s11  }
.Ltmp7:
0x7d: {  	s4 =	sshrl.u32 s11, $0x3;
	(pc) =	sbr.rel @p2 .LBB2_9-.Ltmp7, $4  }
0x7e: {  	v19 =	vmov s4;
	v18 =	vld.idx.msk [tilespmem:v17+s16+$0x0], $0xffff;
	v17 =	vmov s8  }
0x7f: {  	v20 =	vnsel vm1, $0x8F, v19;
	v22 =	vadd.s32 $0xFFFFFFFF, v17  }
0x80: {  	v21 =	vsel vm2, v8, v20;
	v19 =	vbroadcast v22, $0x0  }
0x81: {  	v20 =	vsel vm3, v9, v21;
	v17, _, _ =	vpop (xrf0)  }
0x82: {  	s2 =	smov.u32 s1  }
.LBB2_11:
0x83: {  	(v2sf) =	vpush v17, $0xF;
	_ =	sdelay $0x5  }
0x84: {  	v19 =	vadd.s32 v17, v19;
	v20 =	vsel vm4, v10, v20  }
0x85: {  	v19 =	vnsel vm8, $0x0, v19;
	v20 =	vsel vm5, $0x8D, v20  }
0x86: {  	v21 =	vmov s2;
	v18 =	vmul.f32 $5.000000000e-01, v18;
	v20 =	vsel vm6, $0x8E, v20  }
0x87: {  	s1 =	sadd.s32 @p1 $0x10, s3;
	v21 =	vshll.u32 v21, $0xE  }
0x88: {  	v17 =	vbroadcast v17, $0xF;
	s0 =	smov.u32 @p1 s1;
	v18 =	vnsel vm8, $0x0, v18;
	v21 =	vor.u32 v7, v21  }
0x89: {  	[tilespmem:s0+$0x0] =	vst v18;
	v16 =	vadd.s32 v21, v16  }
0x8a: {  	[tilespmem:v19+s18+$0x0] =	vst.idx.msk vm8, v16;
	v16 =	vnsel vm7, $0x0, v17  }
0x8b: {  	s2 =	rddreg [dreg:$0x7];
	s1 =	simm.s32 @p0 $0xBE80;
	s0 =	simm.s32 @p0 $0x0;
	[tilespmem:v20+s19+$0x0] =	vst.idx.add.s32.msk $0xffff, v16  }
0x8c: {  	[hbm4b:s2+s0] =	stream.linear.scatter @p0 [tilespmem:s1], [sflag:$0x5], $0x3D00, $0x38;
	[tilespmem:$0x1FD00] =	vst v63  }
0x8d: {  	s0 =	simm.s32 @p0 $0x5;
	s31 =	spop (v2sf)  }
0x8e: {  	_ =	swait.ge @p0 [sflag:s0], $0x3D00  }
0x8f: {  	s1 =	simm.s32 @!p0 $0xBE80;
	[sflag:s0] =	ssyncset.done @p0 $0x0  }
0x90: {  	s2 =	rddreg [dreg:$0x8];
	[sflag:s0] =	ssyncadd.s32 @p0 $0xFFFFC300;
	s0 =	simm.s32 @!p0 $0x0  }
0x91: {  	[hbm4b:s2+s0] =	stream.linear.scatter @!p0 [tilespmem:s1], [sflag:$0x5], $0x3E20, $0x38;
	[tilespmem:$0x1FD00] =	vst v63  }
0x92: {  	s0 =	simm.s32 @!p0 $0x5  }
0x93: {  	_ =	swait.ge @!p0 [sflag:s0], $0x3E20  }
0x94: {  	[sflag:s0] =	ssyncset.done @!p0 $0x0  }
0x95: {  	[sflag:s0] =	ssyncadd.s32 @!p0 $0xFFFFC1E0  }
0x96: {  	v16 =	vld [tilespmem:$0x13B80];
	_ =	sdelay $0x4  }
0x97: {  	v16 =	vnsel vm7, $0x0, v16  }
0x98: {  	(xrf0) =	vadd.scan.msk.s32 $0xffff, v16;
	_ =	sdelay $0x5  }
0x99: {  	v16, _, _ =	vpop (xrf0)  }
0x9a: {  	(v2sf) =	vpush v16, $0xF;
	_ =	sdelay $0xe  }
0x9b: {  	s0 =	spop (v2sf)  }
0x9c: {  	p1 =	slt.s32 s0, $0x1  }
.Ltmp8:
0x9d: {  	_ = 	snop;
	(pc) =	sbr.rel @p1 .LBB2_18-.Ltmp8, $1  }
0x9e: {  	_ =	sdelay $0x3  }
0x9f: {  	s1 =	simm.s32 $0x0  }
0xa0: {  	s2 =	sand.u32 $0x7FFFFFF0, s1  }
0xa1: {  	v16 =	vld [tilespmem:s2+$0xFD00];
	_ =	sdelay $0x1  }
0xa2: {  	s1 =	sand.u32 $0xF, s1  }
0xa3: {  	v17 =	vmov s1  }
0xa4: {  	vm8 =	veq.s32 v17, v2  }
0xa5: {  	v16 =	vnsel vm8, $0x0, v16  }
0xa6: {  	(xrf0) =	vadd.scan.msk.s32 $0xffff, v16;
	_ =	sdelay $0x5  }
0xa7: {  	v16, _, _ =	vpop (xrf0)  }
0xa8: {  	(v2sf) =	vpush v16, $0xF;
	_ =	sdelay $0xb  }
0xa9: {  	p2 =	sne.s32 s0, $0x1  }
.Ltmp9:
0xaa: {  	_ = 	snop;
	(pc) =	sbr.rel @!p2 .LBB2_13-.Ltmp9, $4  }
0xab: {  	_ = 	snop  }
0xac: {  	s31 =	spop (v2sf)  }
0xad: {  	p1 =	por $0x0, $0x0;
	s3 =	sshll.u32 s31, $0x4  }
0xae: {  	s1 =	simm.s32 $0x17D00;
	s2 =	simm.s32 $0x1;
	s4 =	sand.u32 $0x3FFF0, s3  }
0xaf: {  	s3 =	sand.u32 $0x7FFFFFF0, s2;
	s4 =	sadd.s32 s7, s4  }
0xb0: {  	[tilespmem:s1], [sflag:$0x3] =	stream.linear.gather [hbm4b:s4+s6], $0x80, $0x38;
	[tilespmem:$0x1FD00] =	vst v63  }
0xb1: {  	v16 =	vld [tilespmem:s3+$0xFD00];
	_ =	sdelay $0x1  }
0xb2: {  	s30 =	sand.u32 $0xF, s2  }
0xb3: {  	v17 =	vmov s30  }
0xb4: {  	vm8 =	veq.s32 v17, v2  }
0xb5: {  	v16 =	vnsel vm8, $0x0, v16  }
0xb6: {  	(xrf0) =	vadd.scan.msk.s32 $0xffff, v16;
	_ =	sdelay $0x5  }
0xb7: {  	v16, _, _ =	vpop (xrf0)  }
0xb8: {  	(v2sf) =	vpush v16, $0xF;
	_ =	sdelay $0xb  }
0xb9: {  	p2 =	sne.s32 s0, $0x2  }
.Ltmp10:
0xba: {  	_ = 	snop;
	(pc) =	sbr.rel @!p2 .LBB2_15-.Ltmp10, $4  }
0xbb: {  	_ = 	snop  }
0xbc: {  	s31 =	spop (v2sf)  }
0xbd: {  	p1 =	por $0x1, $0x1;
	s2 =	sshll.u32 s31, $0x4  }
0xbe: {  	s3 =	simm.s32 $0x2;
	s4 =	sand.u32 $0x3FFF0, s2;
	s2 =	simm.s32 $0x17D00  }
.LBB2_16:
0xbf: {  	s8 =	sand.u32 $0x7FFFFFF0, s3;
	s4 =	sadd.s32 s7, s4;
	s2 =	sadd.s32 $0x80, s2  }
0xc0: {  	[tilespmem:s2], [sflag:$0x3] =	stream.linear.gather [hbm4b:s4+s6], $0x80, $0x38;
	[tilespmem:$0x1FD00] =	vst v63  }
0xc1: {  	s4 =	smov.u32 s3;
	s3 =	sadd.s32 $0x1, s3;
	v16 =	vld [tilespmem:s8+$0xFD00]  }
0xc2: {  	p2 =	sne.s32 s0, s3  }
0xc3: {  	s4 =	sand.u32 $0xF, s4  }
0xc4: {  	v17 =	vmov s4  }
0xc5: {  	vm8 =	veq.s32 v17, v2  }
0xc6: {  	v16 =	vnsel vm8, $0x0, v16  }
0xc7: {  	(xrf0) =	vadd.scan.msk.s32 $0xffff, v16;
	_ =	sdelay $0x5  }
0xc8: {  	v16, _, _ =	vpop (xrf0)  }
0xc9: {  	(v2sf) =	vpush v16, $0xF;
	_ =	sdelay $0xc  }
.Ltmp11:
0xca: {  	(pc) =	sbr.rel @p2 .LBB2_16-.Ltmp11, $4  }
0xcb: {  	_ = 	snop  }
0xcc: {  	s4 =	spop (v2sf)  }
0xcd: {  	s4 =	sshll.u32 s4, $0x4  }
0xce: {  	s4 =	sand.u32 $0x3FFF0, s4  }
.LBB2_17:
0xcf: {  	s2 =	sadd.s32 @p1 $0x80, s2  }
0xd0: {  	s3 =	sadd.s32 s7, s4;
	s1 =	smov.u32 @p1 s2  }
0xd1: {  	[tilespmem:s1], [sflag:$0x3] =	stream.linear.gather [hbm4b:s3+s6], $0x80, $0x38;
	[tilespmem:$0x1FD00] =	vst v63  }
.LBB2_18:
.Ltmp12:
0xd2: {  	(pc) =	sbr.rel .LBB2_19-.Ltmp12, $3  }
0xd3: {  	_ =	sdelay $0x1  }
0xd4: {  	s1 =	simm.s32 $0x0;
	s10 =	simm.s32 $0x0;
	s2 =	simm.s32 $0x0  }
0xd5: {  	s11 =	simm.s32 $0x0;
	s31 =	simm.s32 $0x0;
	s3 =	simm.s32 $0x0  }
.LBB2_75:
0xd6: {  	s1 =	sshll.u32 s3, $0x7  }
.LBB2_79:
0xd7: {  	s1 =	sadd.s32 s13, s1  }
0xd8: {  	[hbm4b:s1+s22] =	stream.strided.scatter [tilespmem:s28], [sflag:$0x2], $0x2000, s23, s22, $0x38;
	[tilespmem:$0x1FD00] =	vst v63  }
0xd9: {  	s10 =	smov.u32 s31;
	s1 =	smov.u32 s30  }
.LBB2_80:
0xda: {  	p1 =	sne.s32 s12, s9  }
.Ltmp13:
0xdb: {  	_ = 	snop;
	(pc) =	sbr.rel @!p1 .LBB2_81-.Ltmp13, $2  }
0xdc: {  	_ =	sdelay $0x2  }
0xdd: {  	s31 =	smov.u32 s30;
	s3 =	smov.u32 s12  }
.LBB2_19:
0xde: {  	s12 =	sadd.s32 $0x1, s3  }
0xdf: {  	s4 =	sand.u32 $0x7FFFFFF0, s12  }
0xe0: {  	v16 =	vld [tilespmem:s4+$0x13B80];
	_ =	sdelay $0x1  }
0xe1: {  	s29 =	sand.u32 $0xF, s12  }
0xe2: {  	v17 =	vmov s29  }
0xe3: {  	vm8 =	veq.s32 v17, v2  }
0xe4: {  	v16 =	vnsel vm8, $0x0, v16  }
0xe5: {  	(xrf0) =	vadd.scan.msk.s32 $0xffff, v16;
	_ =	sdelay $0x5  }
0xe6: {  	v16, _, _ =	vpop (xrf0)  }
0xe7: {  	(v2sf) =	vpush v16, $0xF;
	_ =	sdelay $0xb  }
0xe8: {  	s8 =	sand.u32 $0x1, s3  }
0xe9: {  	p2 =	seq.s32 s8, $0x0  }
.Ltmp14:
0xea: {  	_ = 	snop;
	(pc) =	sbr.rel @!p2 .LBB2_20-.Ltmp14, $4  }
0xeb: {  	p1 =	slt.u32 s12, s9;
	s4 =	spop (v2sf)  }
0xec: {  	s4 =	simm.s32 @!p1 $0x0  }
0xed: {  	s30 =	smov.u32 s0;
	s0 =	sadd.s32 s0, s4  }
0xee: {  	p1 =	slt.s32 s30, s0  }
.Ltmp15:
0xef: {  	(pc) =	sbr.rel @!p1 .LBB2_38-.Ltmp15, $2  }
0xf0: {  	_ =	sdelay $0x2  }
0xf1: {  	s8 =	simm.s32 $0x1BD00  }
0xf2: {  	p2 =	sne.s32 s4, $0x1  }
.Ltmp16:
0xf3: {  	_ = 	snop;
	(pc) =	sbr.rel @!p2 .LBB2_33-.Ltmp16, $3  }
0xf4: {  	_ =	sdelay $0x1  }
0xf5: {  	s15 =	sand.u32 $0xFFFFFFF0, s30  }
0xf6: {  	s4 =	sadd.s32 $0xFFFFFFFF, s4;
	p1 =	por $0x0, $0x0;
	v16 =	vld [tilespmem:s15+$0xFD00]  }
0xf7: {  	_ = 	snop  }
0xf8: {  	s15 =	sand.u32 $0xF, s30  }
0xf9: {  	v17 =	vmov s15  }
0xfa: {  	vm8 =	veq.s32 v17, v2  }
0xfb: {  	v16 =	vnsel vm8, $0x0, v16  }
0xfc: {  	(xrf0) =	vadd.scan.msk.s32 $0xffff, v16;
	_ =	sdelay $0x5  }
0xfd: {  	v16, _, _ =	vpop (xrf0)  }
0xfe: {  	(v2sf) =	vpush v16, $0xF;
	_ =	sdelay $0xe  }
0xff: {  	p2 =	sne.s32 s4, $0x1;
	s24 =	spop (v2sf)  }
.Ltmp17:
0x100: {  	s15 =	sshll.u32 s24, $0x4;
	(pc) =	sbr.rel @!p2 .LBB2_35-.Ltmp17, $4  }
0x101: {  	s24 =	sand.u32 $0x3FFF0, s15;
	s15 =	sadd.s32 $0x1, s30  }
0x102: {  	s24 =	sadd.s32 s7, s24;
	s25 =	sand.u32 $0xFFFFFFF0, s15  }
0x103: {  	[tilespmem:s8], [sflag:$0x4] =	stream.linear.gather [hbm4b:s24+s6], $0x80, $0x38;
	[tilespmem:$0x1FD00] =	vst v63  }
0x104: {  	s4 =	sadd.s32 $0xFFFFFFFF, s4;
	p1 =	por $0x1, $0x1;
	s29 =	simm.s32 $0x1BD00;
	v16 =	vld [tilespmem:s25+$0xFD00]  }
.LBB2_36:
0x105: {  	p2 =	sne.s32 s4, $0x1  }
0x106: {  	s24 =	sand.u32 $0xF, s15  }
0x107: {  	v17 =	vmov s24  }
0x108: {  	vm8 =	veq.s32 v17, v2  }
0x109: {  	v16 =	vnsel vm8, $0x0, v16  }
0x10a: {  	(xrf0) =	vadd.scan.msk.s32 $0xffff, v16;
	_ =	sdelay $0x5  }
0x10b: {  	v16, _, _ =	vpop (xrf0)  }
0x10c: {  	(v2sf) =	vpush v16, $0xF;
	_ =	sdelay $0xe  }
0x10d: {  	s24 =	spop (v2sf)  }
.Ltmp18:
0x10e: {  	s24 =	sshll.u32 s24, $0x4;
	(pc) =	sbr.rel @p2 .LBB2_36-.Ltmp18, $4  }
0x10f: {  	s15 =	sadd.s32 $0x1, s15;
	s24 =	sand.u32 $0x3FFF0, s24  }
0x110: {  	s29 =	sadd.s32 $0x80, s29;
	s25 =	sand.u32 $0xFFFFFFF0, s15;
	s24 =	sadd.s32 s7, s24  }
0x111: {  	[tilespmem:s29], [sflag:$0x4] =	stream.linear.gather [hbm4b:s24+s6], $0x80, $0x38;
	[tilespmem:$0x1FD00] =	vst v63  }
0x112: {  	s4 =	sadd.s32 $0xFFFFFFFF, s4;
	v16 =	vld [tilespmem:s25+$0xFD00]  }
.LBB2_37:
0x113: {  	_ = 	snop  }
0x114: {  	s4 =	sand.u32 $0xF, s15  }
0x115: {  	v17 =	vmov s4  }
0x116: {  	vm8 =	veq.s32 v17, v2  }
0x117: {  	v16 =	vnsel vm8, $0x0, v16  }
0x118: {  	(xrf0) =	vadd.scan.msk.s32 $0xffff, v16;
	_ =	sdelay $0x5  }
0x119: {  	v16, _, _ =	vpop (xrf0)  }
0x11a: {  	(v2sf) =	vpush v16, $0xF;
	_ =	sdelay $0xe  }
0x11b: {  	s25 =	spop (v2sf)  }
0x11c: {  	s4 =	sshll.u32 s25, $0x4  }
0x11d: {  	s15 =	sadd.s32 @p1 $0x80, s29;
	s4 =	sand.u32 $0x3FFF0, s4  }
0x11e: {  	s8 =	smov.u32 @p1 s15;
	s4 =	sadd.s32 s7, s4  }
0x11f: {  	[tilespmem:s8], [sflag:$0x4] =	stream.linear.gather [hbm4b:s4+s6], $0x80, $0x38;
	[tilespmem:$0x1FD00] =	vst v63  }
.LBB2_38:
0x120: {  	p1 =	sgt.u32 s3, $0x1  }
.Ltmp19:
0x121: {  	_ = 	snop;
	(pc) =	sbr.rel @p1 .LBB2_42-.Ltmp19, $2  }
0x122: {  	_ =	sdelay $0x2  }
0x123: {  	s4 =	simm.s32 $0x0  }
0x124: {  	s2 =	sshra.s32 s4, $0x2;
	s4 =	sadd.s32 $0x200, s4  }
.LBB2_40:
0x125: {  	p1 =	seq.s32 s4, $0x7E00;
	[tilespmem:s2+$0x13D70] =	vst v12  }
0x126: {  	[tilespmem:s2+$0x13D00] =	vst v12  }
0x127: {  	[tilespmem:s2+$0x13D10] =	vst v12  }
.Ltmp20:
0x128: {  	[tilespmem:s2+$0x13D20] =	vst v12;
	(pc) =	sbr.rel @!p1 .LBB2_40-.Ltmp20, $4  }
0x129: {  	[tilespmem:s2+$0x13D30] =	vst v12  }
0x12a: {  	[tilespmem:s2+$0x13D40] =	vst v12  }
0x12b: {  	[tilespmem:s2+$0x13D50] =	vst v12  }
0x12c: {  	[tilespmem:s2+$0x13D60] =	vst v12;
	s2 =	sshra.s32 s4, $0x2;
	s4 =	sadd.s32 $0x200, s4  }
0x12d: {  	[tilespmem:s2+$0x13D70] =	vst v12  }
0x12e: {  	[tilespmem:s2+$0x13D00] =	vst v12  }
0x12f: {  	[tilespmem:s2+$0x13D10] =	vst v12  }
.Ltmp21:
0x130: {  	[tilespmem:s2+$0x13D20] =	vst v12;
	(pc) =	sbr.rel .LBB2_50-.Ltmp21, $4  }
0x131: {  	[tilespmem:s2+$0x13D30] =	vst v12  }
0x132: {  	[tilespmem:s2+$0x13D40] =	vst v12  }
0x133: {  	[tilespmem:s2+$0x13D50] =	vst v12  }
0x134: {  	[tilespmem:s2+$0x13D60] =	vst v12  }
.LBB2_20:
.Ltmp22:
0x135: {  	(pc) =	sbr.rel @!p1 .LBB2_27-.Ltmp22, $2  }
0x136: {  	_ =	sdelay $0x2  }
0x137: {  	s8 =	simm.s32 $0x17D00  }
0x138: {  	p2 =	seq.s32 s4, $0x1  }
.Ltmp23:
0x139: {  	_ = 	snop;
	(pc) =	sbr.rel @p2 .LBB2_22-.Ltmp23, $3  }
0x13a: {  	_ =	sdelay $0x1  }
0x13b: {  	s15 =	sand.u32 $0xFFFFFFF0, s30  }
0x13c: {  	s4 =	sadd.s32 $0xFFFFFFFF, s4;
	p1 =	por $0x0, $0x0;
	v16 =	vld [tilespmem:s15+$0xFD00]  }
0x13d: {  	_ = 	snop  }
0x13e: {  	s15 =	sand.u32 $0xF, s30  }
0x13f: {  	v17 =	vmov s15  }
0x140: {  	vm8 =	veq.s32 v17, v2  }
0x141: {  	v16 =	vnsel vm8, $0x0, v16  }
0x142: {  	(xrf0) =	vadd.scan.msk.s32 $0xffff, v16;
	_ =	sdelay $0x5  }
0x143: {  	v16, _, _ =	vpop (xrf0)  }
0x144: {  	(v2sf) =	vpush v16, $0xF;
	_ =	sdelay $0xe  }
0x145: {  	s25 =	spop (v2sf)  }
0x146: {  	p2 =	seq.s32 s4, $0x1;
	s15 =	sshll.u32 s25, $0x4  }
.Ltmp24:
0x147: {  	s29 =	sand.u32 $0x3FFF0, s15;
	(pc) =	sbr.rel @p2 .LBB2_24-.Ltmp24, $4  }
0x148: {  	s15 =	sadd.s32 $0x1, s30;
	s29 =	sadd.s32 s7, s29  }
0x149: {  	[tilespmem:s8], [sflag:$0x3] =	stream.linear.gather [hbm4b:s29+s6], $0x80, $0x38;
	[tilespmem:$0x1FD00] =	vst v63  }
0x14a: {  	s29 =	sand.u32 $0xFFFFFFF0, s15  }
0x14b: {  	s4 =	sadd.s32 $0xFFFFFFFF, s4;
	p1 =	por $0x1, $0x1;
	v16 =	vld [tilespmem:s29+$0xFD00];
	s29 =	simm.s32 $0x17D00  }
.LBB2_25:
0x14c: {  	p2 =	seq.s32 s4, $0x1  }
0x14d: {  	s24 =	sand.u32 $0xF, s15  }
0x14e: {  	v17 =	vmov s24  }
0x14f: {  	vm8 =	veq.s32 v17, v2  }
0x150: {  	v16 =	vnsel vm8, $0x0, v16  }
0x151: {  	(xrf0) =	vadd.scan.msk.s32 $0xffff, v16;
	_ =	sdelay $0x5  }
0x152: {  	v16, _, _ =	vpop (xrf0)  }
0x153: {  	(v2sf) =	vpush v16, $0xF;
	_ =	sdelay $0xe  }
0x154: {  	s24 =	spop (v2sf)  }
.Ltmp25:
0x155: {  	s24 =	sshll.u32 s24, $0x4;
	(pc) =	sbr.rel @!p2 .LBB2_25-.Ltmp25, $4  }
0x156: {  	s15 =	sadd.s32 $0x1, s15;
	s24 =	sand.u32 $0x3FFF0, s24  }
0x157: {  	s29 =	sadd.s32 $0x80, s29;
	s25 =	sand.u32 $0xFFFFFFF0, s15;
	s24 =	sadd.s32 s7, s24  }
0x158: {  	[tilespmem:s29], [sflag:$0x3] =	stream.linear.gather [hbm4b:s24+s6], $0x80, $0x38;
	[tilespmem:$0x1FD00] =	vst v63  }
0x159: {  	s4 =	sadd.s32 $0xFFFFFFFF, s4;
	v16 =	vld [tilespmem:s25+$0xFD00]  }
.LBB2_26:
0x15a: {  	_ = 	snop  }
0x15b: {  	s4 =	sand.u32 $0xF, s15  }
0x15c: {  	v17 =	vmov s4  }
0x15d: {  	vm8 =	veq.s32 v17, v2  }
0x15e: {  	v16 =	vnsel vm8, $0x0, v16  }
0x15f: {  	(xrf0) =	vadd.scan.msk.s32 $0xffff, v16;
	_ =	sdelay $0x5  }
0x160: {  	v16, _, _ =	vpop (xrf0)  }
0x161: {  	(v2sf) =	vpush v16, $0xF;
	_ =	sdelay $0xe  }
0x162: {  	s25 =	spop (v2sf)  }
0x163: {  	s4 =	sshll.u32 s25, $0x4  }
0x164: {  	s15 =	sadd.s32 @p1 $0x80, s29;
	s4 =	sand.u32 $0x3FFF0, s4  }
0x165: {  	s8 =	smov.u32 @p1 s15;
	s4 =	sadd.s32 s7, s4  }
0x166: {  	[tilespmem:s8], [sflag:$0x3] =	stream.linear.gather [hbm4b:s4+s6], $0x80, $0x38;
	[tilespmem:$0x1FD00] =	vst v63  }
.LBB2_27:
0x167: {  	p1 =	sgt.u32 s3, $0x1  }
.Ltmp26:
0x168: {  	_ = 	snop;
	(pc) =	sbr.rel @p1 .LBB2_61-.Ltmp26, $2  }
0x169: {  	_ =	sdelay $0x2  }
0x16a: {  	s4 =	simm.s32 $0x0  }
0x16b: {  	s1 =	sshra.s32 s4, $0x2;
	s4 =	sadd.s32 $0x200, s4  }
.LBB2_29:
0x16c: {  	p1 =	seq.s32 s4, $0x7E00;
	[tilespmem:s1+$0x15D70] =	vst v12  }
0x16d: {  	[tilespmem:s1+$0x15D00] =	vst v12  }
0x16e: {  	[tilespmem:s1+$0x15D10] =	vst v12  }
.Ltmp27:
0x16f: {  	[tilespmem:s1+$0x15D20] =	vst v12;
	(pc) =	sbr.rel @!p1 .LBB2_29-.Ltmp27, $4  }
0x170: {  	[tilespmem:s1+$0x15D30] =	vst v12  }
0x171: {  	[tilespmem:s1+$0x15D40] =	vst v12  }
0x172: {  	[tilespmem:s1+$0x15D50] =	vst v12  }
0x173: {  	[tilespmem:s1+$0x15D60] =	vst v12;
	s1 =	sshra.s32 s4, $0x2;
	s4 =	sadd.s32 $0x200, s4  }
0x174: {  	[tilespmem:s1+$0x15D70] =	vst v12  }
0x175: {  	[tilespmem:s1+$0x15D00] =	vst v12  }
0x176: {  	[tilespmem:s1+$0x15D10] =	vst v12  }
.Ltmp28:
0x177: {  	[tilespmem:s1+$0x15D20] =	vst v12;
	(pc) =	sbr.rel .LBB2_69-.Ltmp28, $4  }
0x178: {  	[tilespmem:s1+$0x15D30] =	vst v12  }
0x179: {  	[tilespmem:s1+$0x15D40] =	vst v12  }
0x17a: {  	[tilespmem:s1+$0x15D50] =	vst v12  }
0x17b: {  	[tilespmem:s1+$0x15D60] =	vst v12  }
.LBB2_42:
0x17c: {  	p1 =	sge.s32 s11, s2  }
.Ltmp29:
0x17d: {  	_ = 	snop;
	(pc) =	sbr.rel @p1 .LBB2_50-.Ltmp29, $4  }
0x17e: {  	s4 =	simm.s32 $0x1  }
0x17f: {  	_ =	swait.ge [sflag:s4], $0x2000  }
0x180: {  	[sflag:s4] =	ssyncset.done $0x0  }
0x181: {  	[sflag:s4] =	ssyncadd.s32 $0xFFFFE000  }
0x182: {  	s15 =	sadd.s32 $0x1, s11  }
0x183: {  	p2 =	sne.s32 s2, s15  }
.Ltmp30:
0x184: {  	_ = 	snop;
	(pc) =	sbr.rel @!p2 .LBB2_44-.Ltmp30, $2  }
0x185: {  	_ =	sdelay $0x2  }
0x186: {  	s8 =	sshll.u32 s3, $0x7;
	p1 =	por $0x0, $0x0  }
0x187: {  	s4 =	sand.u32 $0xFFFFFFF0, s11  }
0x188: {  	v16 =	vld [tilespmem:s4+$0xFD00];
	_ =	sdelay $0x1  }
0x189: {  	s25 =	sand.u32 $0xF, s11  }
0x18a: {  	v17 =	vmov s25  }
0x18b: {  	vm8 =	veq.s32 v17, v2  }
0x18c: {  	v16 =	vnsel vm8, $0x0, v16  }
0x18d: {  	(xrf0) =	vadd.scan.msk.s32 $0xffff, v16;
	_ =	sdelay $0x5  }
0x18e: {  	v16, _, _ =	vpop (xrf0)  }
0x18f: {  	(v2sf) =	vpush v16, $0xF;
	_ =	sdelay $0xe  }
0x190: {  	s29 =	spop (v2sf)  }
0x191: {  	s4 =	sshra.s32 s29, $0xE  }
0x192: {  	s4 =	ssub.s32 s4, s8  }
0x193: {  	s4 =	sadd.s32 $0x100, s4  }
0x194: {  	v16 =	vadd.s32 s4, v11;
	_ =	sdelay $0x2  }
0x195: {  	s11 =	sadd.s32 $0x1, s15;
	v17 =	vadd.s32 s4, v13  }
0x196: {  	p2 =	sne.s32 s2, s11;
	v18 =	vadd.s32 s4, v14  }
.Ltmp31:
0x197: {  	[tilespmem:v16+s21+$0x0] =	vst.idx.msk $0xffff, v12;
	v16 =	vadd.s32 s4, v15;
	(pc) =	sbr.rel @!p2 .LBB2_46-.Ltmp31, $3  }
0x198: {  	_ =	sdelay $0x1  }
0x199: {  	[tilespmem:v17+s21+$0x0] =	vst.idx.msk $0xffff, v12  }
0x19a: {  	p1 =	por $0x1, $0x1;
	[tilespmem:v18+s21+$0x0] =	vst.idx.msk $0xffff, v12  }
.LBB2_47:
0x19b: {  	s4 =	sand.u32 $0xFFFFFFF0, s15;
	[tilespmem:v16+s21+$0x0] =	vst.idx.msk $0xffff, v12;
	s24 =	smov.u32 s11;
	s11 =	sadd.s32 $0x1, s11  }
0x19c: {  	p2 =	sne.s32 s2, s11;
	v16 =	vld [tilespmem:s4+$0xFD00];
	_ =	sdelay $0x1  }
0x19d: {  	s4 =	sand.u32 $0xF, s15;
	s15 =	smov.u32 s24  }
0x19e: {  	v17 =	vmov s4  }
0x19f: {  	vm8 =	veq.s32 v17, v2  }
0x1a0: {  	v16 =	vnsel vm8, $0x0, v16  }
0x1a1: {  	(xrf0) =	vadd.scan.msk.s32 $0xffff, v16;
	_ =	sdelay $0x5  }
0x1a2: {  	v16, _, _ =	vpop (xrf0)  }
0x1a3: {  	(v2sf) =	vpush v16, $0xF;
	_ =	sdelay $0xe  }
0x1a4: {  	s4 =	spop (v2sf)  }
0x1a5: {  	s4 =	sshra.s32 s4, $0xE  }
0x1a6: {  	s4 =	ssub.s32 s4, s8  }
0x1a7: {  	s4 =	sadd.s32 $0x100, s4  }
0x1a8: {  	v17 =	vadd.s32 s4, v11  }
0x1a9: {  	v18 =	vadd.s32 s4, v13  }
0x1aa: {  	v19 =	vadd.s32 s4, v14  }
.Ltmp32:
0x1ab: {  	v16 =	vadd.s32 s4, v15;
	(pc) =	sbr.rel @p2 .LBB2_47-.Ltmp32, $4  }
0x1ac: {  	_ = 	snop  }
0x1ad: {  	[tilespmem:v17+s21+$0x0] =	vst.idx.msk $0xffff, v12  }
0x1ae: {  	[tilespmem:v18+s21+$0x0] =	vst.idx.msk $0xffff, v12  }
0x1af: {  	[tilespmem:v19+s21+$0x0] =	vst.idx.msk $0xffff, v12  }
0x1b0: {  	s11 =	smov.u32 s15  }
.LBB2_49:
0x1b1: {  	_ =	sdelay $0x3  }
0x1b2: {  	s2 =	sand.u32 $0xFFFFFFF0, s11;
	[tilespmem:v16+s21+$0x0] =	vst.idx.msk @p1 $0xffff, v12  }
0x1b3: {  	v16 =	vld [tilespmem:s2+$0xFD00];
	_ =	sdelay $0x1  }
0x1b4: {  	s25 =	sand.u32 $0xF, s11  }
0x1b5: {  	v17 =	vmov s25  }
0x1b6: {  	vm8 =	veq.s32 v17, v2  }
0x1b7: {  	v16 =	vnsel vm8, $0x0, v16  }
0x1b8: {  	(xrf0) =	vadd.scan.msk.s32 $0xffff, v16;
	_ =	sdelay $0x5  }
0x1b9: {  	v16, _, _ =	vpop (xrf0)  }
0x1ba: {  	(v2sf) =	vpush v16, $0xF;
	_ =	sdelay $0xe  }
0x1bb: {  	s29 =	spop (v2sf)  }
0x1bc: {  	s2 =	sshra.s32 s29, $0xE  }
0x1bd: {  	s2 =	ssub.s32 s2, s8  }
0x1be: {  	s2 =	sadd.s32 $0x100, s2  }
0x1bf: {  	v16 =	vadd.s32 s2, v11  }
0x1c0: {  	v17 =	vadd.s32 s2, v13  }
0x1c1: {  	v18 =	vadd.s32 s2, v14  }
0x1c2: {  	v19 =	vadd.s32 s2, v15;
	_ =	sdelay $0x1  }
0x1c3: {  	[tilespmem:v16+s21+$0x0] =	vst.idx.msk $0xffff, v12  }
0x1c4: {  	[tilespmem:v17+s21+$0x0] =	vst.idx.msk $0xffff, v12  }
0x1c5: {  	[tilespmem:v18+s21+$0x0] =	vst.idx.msk $0xffff, v12  }
0x1c6: {  	[tilespmem:v19+s21+$0x0] =	vst.idx.msk $0xffff, v12  }
.LBB2_50:
0x1c7: {  	p1 =	sle.s32 s30, s31  }
.Ltmp33:
0x1c8: {  	_ = 	snop;
	(pc) =	sbr.rel @p1 .LBB2_56-.Ltmp33, $1  }
0x1c9: {  	_ =	sdelay $0x3  }
0x1ca: {  	s2 =	ssub.s32 s30, s31  }
0x1cb: {  	p1 =	seq.s32 s2, $0x1  }
.Ltmp34:
0x1cc: {  	_ = 	snop;
	(pc) =	sbr.rel @p1 .LBB2_53-.Ltmp34, $3  }
0x1cd: {  	_ =	sdelay $0x1  }
0x1ce: {  	_ =	swait.ge [sflag:s20], $0x80  }
0x1cf: {  	s2 =	sadd.s32 $0xFFFFFFFF, s2;
	[sflag:s20] =	ssyncset.done $0x0  }
.LBB2_52:
0x1d0: {  	p1 =	seq.s32 s2, $0x1;
	s2 =	sadd.s32 $0xFFFFFFFF, s2;
	[sflag:s20] =	ssyncadd.s32 $0xFFFFFF80  }
.Ltmp35:
0x1d1: {  	(pc) =	sbr.rel @!p1 .LBB2_52-.Ltmp35, $3  }
0x1d2: {  	_ =	sdelay $0x1  }
0x1d3: {  	_ =	swait.ge [sflag:s20], $0x80  }
0x1d4: {  	[sflag:s20] =	ssyncset.done $0x0  }
.LBB2_53:
0x1d5: {  	s11 =	sadd.s32 $0x1, s31  }
0x1d6: {  	p2 =	sne.s32 s30, s11  }
.Ltmp36:
0x1d7: {  	_ = 	snop;
	(pc) =	sbr.rel @!p2 .LBB2_59-.Ltmp36, $3  }
0x1d8: {  	_ =	sdelay $0x1  }
0x1d9: {  	[sflag:s20] =	ssyncadd.s32 $0xFFFFFF80;
	s2 =	sshll.u32 s3, $0x7;
	s3 =	simm.s32 $0x17D20  }
0x1da: {  	p1 =	por $0x0, $0x0;
	s4 =	smov.u32 s31;
	s8 =	simm.s32 $0x17D20  }
0x1db: {  	s4 =	sand.u32 $0xFFFFFFF0, s31  }
0x1dc: {  	v16 =	vld [tilespmem:s4+$0xFD00];
	_ =	sdelay $0x1  }
0x1dd: {  	s25 =	sand.u32 $0xF, s31  }
0x1de: {  	v17 =	vmov s25  }
0x1df: {  	vm8 =	veq.s32 v17, v2  }
0x1e0: {  	v16 =	vnsel vm8, $0x0, v16  }
0x1e1: {  	(xrf0) =	vadd.scan.msk.s32 $0xffff, v16;
	_ =	sdelay $0x5  }
0x1e2: {  	v16, _, _ =	vpop (xrf0)  }
0x1e3: {  	(v2sf) =	vpush v16, $0xF;
	_ =	sdelay $0xe  }
0x1e4: {  	s29 =	spop (v2sf)  }
0x1e5: {  	v16 =	vld [tilespmem:s3+$0xFFFFFFE0];
	s4 =	sshra.s32 s29, $0xE  }
0x1e6: {  	s4 =	ssub.s32 s4, s2  }
0x1e7: {  	v17 =	vadd.s32 s4, v11;
	_ =	sdelay $0x2  }
0x1e8: {  	v16 =	vmul.f32 $1.000000010e-01, v16;
	_ =	sdelay $0x1  }
0x1e9: {  	[tilespmem:v17+s21+$0x0] =	vst.idx.msk $0xffff, v16  }
0x1ea: {  	v16 =	vld [tilespmem:s3+$0xFFFFFFF0];
	_ =	sdelay $0x1  }
0x1eb: {  	v17 =	vadd.s32 s4, v13;
	_ =	sdelay $0x2  }
0x1ec: {  	v16 =	vmul.f32 $1.000000010e-01, v16;
	_ =	sdelay $0x1  }
0x1ed: {  	[tilespmem:v17+s21+$0x0] =	vst.idx.msk $0xffff, v16  }
0x1ee: {  	v16 =	vld [tilespmem:s3+$0x0];
	_ =	sdelay $0x1  }
0x1ef: {  	v17 =	vadd.s32 s4, v14;
	_ =	sdelay $0x2  }
0x1f0: {  	v16 =	vmul.f32 $1.000000010e-01, v16;
	_ =	sdelay $0x1  }
0x1f1: {  	s15 =	sadd.s32 $0x1, s11;
	[tilespmem:v17+s21+$0x0] =	vst.idx.msk $0xffff, v16  }
0x1f2: {  	p2 =	sne.s32 s30, s15;
	v17 =	vld [tilespmem:s3+$0x10]  }
.Ltmp37:
0x1f3: {  	_ = 	snop;
	(pc) =	sbr.rel @!p2 .LBB2_55-.Ltmp37, $2  }
0x1f4: {  	v16 =	vadd.s32 s4, v15;
	_ =	sdelay $0x2  }
0x1f5: {  	p1 =	por $0x1, $0x1;
	s8 =	simm.s32 $0x17D20;
	v17 =	vmul.f32 $1.000000010e-01, v17  }
.LBB2_57:
0x1f6: {  	s4 =	sand.u32 $0xFFFFFFF0, s11  }
0x1f7: {  	s8 =	sadd.s32 $0x80, s8;
	s24 =	smov.u32 s15;
	s15 =	sadd.s32 $0x1, s15;
	[tilespmem:v16+s21+$0x0] =	vst.idx.msk $0xffff, v17  }
0x1f8: {  	p2 =	sne.s32 s30, s15;
	v16 =	vld [tilespmem:s4+$0xFD00];
	_ =	sdelay $0x1  }
0x1f9: {  	s4 =	sand.u32 $0xF, s11;
	s11 =	smov.u32 s24  }
0x1fa: {  	v17 =	vmov s4  }
0x1fb: {  	vm8 =	veq.s32 v17, v2  }
0x1fc: {  	v16 =	vnsel vm8, $0x0, v16  }
0x1fd: {  	(xrf0) =	vadd.scan.msk.s32 $0xffff, v16;
	_ =	sdelay $0x5  }
0x1fe: {  	v16, _, _ =	vpop (xrf0)  }
0x1ff: {  	(v2sf) =	vpush v16, $0xF;
	_ =	sdelay $0xe  }
0x200: {  	s4 =	spop (v2sf)  }
0x201: {  	s4 =	sshra.s32 s4, $0xE;
	v16 =	vld [tilespmem:s8+$0xFFFFFFE0]  }
0x202: {  	s4 =	ssub.s32 s4, s2  }
0x203: {  	v17 =	vadd.s32 s4, v11;
	_ =	sdelay $0x2  }
0x204: {  	v16 =	vmul.f32 $1.000000010e-01, v16;
	_ =	sdelay $0x1  }
0x205: {  	[tilespmem:v17+s21+$0x0] =	vst.idx.msk $0xffff, v16  }
0x206: {  	v16 =	vld [tilespmem:s8+$0xFFFFFFF0];
	_ =	sdelay $0x1  }
0x207: {  	v17 =	vadd.s32 s4, v13;
	_ =	sdelay $0x2  }
0x208: {  	v16 =	vmul.f32 $1.000000010e-01, v16;
	_ =	sdelay $0x1  }
0x209: {  	[tilespmem:v17+s21+$0x0] =	vst.idx.msk $0xffff, v16  }
0x20a: {  	v16 =	vld [tilespmem:s8+$0x0];
	_ =	sdelay $0x1  }
0x20b: {  	v17 =	vadd.s32 s4, v14;
	_ =	sdelay $0x2  }
0x20c: {  	v16 =	vmul.f32 $1.000000010e-01, v16;
	_ =	sdelay $0x1  }
0x20d: {  	[tilespmem:v17+s21+$0x0] =	vst.idx.msk $0xffff, v16  }
0x20e: {  	v17 =	vld [tilespmem:s8+$0x10]  }
.Ltmp38:
0x20f: {  	(pc) =	sbr.rel @p2 .LBB2_57-.Ltmp38, $2  }
0x210: {  	v16 =	vadd.s32 s4, v15;
	_ =	sdelay $0x2  }
0x211: {  	v17 =	vmul.f32 $1.000000010e-01, v17  }
0x212: {  	s4 =	smov.u32 s11  }
.LBB2_59:
0x213: {  	_ =	sdelay $0x3  }
0x214: {  	s11 =	sand.u32 $0xFFFFFFF0, s4;
	[tilespmem:v16+s21+$0x0] =	vst.idx.msk @p1 $0xffff, v17  }
0x215: {  	v16 =	vld [tilespmem:s11+$0xFD00];
	_ =	sdelay $0x1  }
0x216: {  	s24 =	sand.u32 $0xF, s4  }
0x217: {  	v17 =	vmov s24  }
0x218: {  	vm8 =	veq.s32 v17, v2  }
0x219: {  	v16 =	vnsel vm8, $0x0, v16  }
0x21a: {  	(xrf0) =	vadd.scan.msk.s32 $0xffff, v16;
	_ =	sdelay $0x5  }
0x21b: {  	v16, _, _ =	vpop (xrf0)  }
0x21c: {  	(v2sf) =	vpush v16, $0xF;
	_ =	sdelay $0xd  }
0x21d: {  	s4 =	sadd.s32 @p1 $0x80, s8  }
0x21e: {  	s3 =	smov.u32 @p1 s4;
	s25 =	spop (v2sf)  }
0x21f: {  	v16 =	vld [tilespmem:s3+$0xFFFFFFE0];
	s29 =	sshra.s32 s25, $0xE  }
0x220: {  	s4 =	ssub.s32 s29, s2  }
0x221: {  	v17 =	vadd.s32 s4, v11;
	_ =	sdelay $0x2  }
0x222: {  	v16 =	vmul.f32 $1.000000010e-01, v16;
	_ =	sdelay $0x1  }
0x223: {  	[tilespmem:v17+s21+$0x0] =	vst.idx.msk $0xffff, v16  }
0x224: {  	v16 =	vld [tilespmem:s3+$0xFFFFFFF0];
	_ =	sdelay $0x1  }
0x225: {  	v17 =	vadd.s32 s4, v13;
	_ =	sdelay $0x2  }
0x226: {  	v16 =	vmul.f32 $1.000000010e-01, v16;
	_ =	sdelay $0x1  }
0x227: {  	[tilespmem:v17+s21+$0x0] =	vst.idx.msk $0xffff, v16  }
0x228: {  	v16 =	vld [tilespmem:s3+$0x0];
	_ =	sdelay $0x1  }
0x229: {  	v17 =	vadd.s32 s4, v14;
	_ =	sdelay $0x2  }
0x22a: {  	v16 =	vmul.f32 $1.000000010e-01, v16;
	_ =	sdelay $0x1  }
0x22b: {  	[tilespmem:v17+s21+$0x0] =	vst.idx.msk $0xffff, v16  }
0x22c: {  	v16 =	vld [tilespmem:s3+$0x10];
	_ =	sdelay $0x1  }
0x22d: {  	v17 =	vadd.s32 s4, v15  }
.Ltmp39:
0x22e: {  	_ = 	snop;
	(pc) =	sbr.rel .LBB2_60-.Ltmp39, $3  }
0x22f: {  	_ = 	snop  }
0x230: {  	v16 =	vmul.f32 $1.000000010e-01, v16;
	_ =	sdelay $0x1  }
0x231: {  	[tilespmem:v17+s21+$0x0] =	vst.idx.msk $0xffff, v16  }
.LBB2_61:
0x232: {  	p1 =	sge.s32 s10, s1  }
.Ltmp40:
0x233: {  	_ = 	snop;
	(pc) =	sbr.rel @p1 .LBB2_69-.Ltmp40, $4  }
0x234: {  	s4 =	simm.s32 $0x2  }
0x235: {  	_ =	swait.ge [sflag:s4], $0x2000  }
0x236: {  	[sflag:s4] =	ssyncset.done $0x0  }
0x237: {  	[sflag:s4] =	ssyncadd.s32 $0xFFFFE000  }
0x238: {  	s15 =	sadd.s32 $0x1, s10  }
0x239: {  	p2 =	sne.s32 s1, s15  }
.Ltmp41:
0x23a: {  	_ = 	snop;
	(pc) =	sbr.rel @!p2 .LBB2_63-.Ltmp41, $2  }
0x23b: {  	_ =	sdelay $0x2  }
0x23c: {  	s8 =	sshll.u32 s3, $0x7;
	p1 =	por $0x0, $0x0  }
0x23d: {  	s4 =	sand.u32 $0xFFFFFFF0, s10  }
0x23e: {  	v16 =	vld [tilespmem:s4+$0xFD00];
	_ =	sdelay $0x1  }
0x23f: {  	s25 =	sand.u32 $0xF, s10  }
0x240: {  	v17 =	vmov s25  }
0x241: {  	vm8 =	veq.s32 v17, v2  }
0x242: {  	v16 =	vnsel vm8, $0x0, v16  }
0x243: {  	(xrf0) =	vadd.scan.msk.s32 $0xffff, v16;
	_ =	sdelay $0x5  }
0x244: {  	v16, _, _ =	vpop (xrf0)  }
0x245: {  	(v2sf) =	vpush v16, $0xF;
	_ =	sdelay $0xe  }
0x246: {  	s29 =	spop (v2sf)  }
0x247: {  	s4 =	sshra.s32 s29, $0xE  }
0x248: {  	s4 =	ssub.s32 s4, s8  }
0x249: {  	s4 =	sadd.s32 $0x100, s4  }
0x24a: {  	v16 =	vadd.s32 s4, v11;
	_ =	sdelay $0x2  }
0x24b: {  	s10 =	sadd.s32 $0x1, s15;
	v17 =	vadd.s32 s4, v13  }
0x24c: {  	p2 =	sne.s32 s1, s10;
	v18 =	vadd.s32 s4, v14  }
.Ltmp42:
0x24d: {  	[tilespmem:v16+s28+$0x0] =	vst.idx.msk $0xffff, v12;
	v16 =	vadd.s32 s4, v15;
	(pc) =	sbr.rel @!p2 .LBB2_65-.Ltmp42, $3  }
0x24e: {  	_ =	sdelay $0x1  }
0x24f: {  	[tilespmem:v17+s28+$0x0] =	vst.idx.msk $0xffff, v12  }
0x250: {  	p1 =	por $0x1, $0x1;
	[tilespmem:v18+s28+$0x0] =	vst.idx.msk $0xffff, v12  }
.LBB2_66:
0x251: {  	s4 =	sand.u32 $0xFFFFFFF0, s15;
	[tilespmem:v16+s28+$0x0] =	vst.idx.msk $0xffff, v12;
	s24 =	smov.u32 s10;
	s10 =	sadd.s32 $0x1, s10  }
0x252: {  	p2 =	sne.s32 s1, s10;
	v16 =	vld [tilespmem:s4+$0xFD00];
	_ =	sdelay $0x1  }
0x253: {  	s4 =	sand.u32 $0xF, s15;
	s15 =	smov.u32 s24  }
0x254: {  	v17 =	vmov s4  }
0x255: {  	vm8 =	veq.s32 v17, v2  }
0x256: {  	v16 =	vnsel vm8, $0x0, v16  }
0x257: {  	(xrf0) =	vadd.scan.msk.s32 $0xffff, v16;
	_ =	sdelay $0x5  }
0x258: {  	v16, _, _ =	vpop (xrf0)  }
0x259: {  	(v2sf) =	vpush v16, $0xF;
	_ =	sdelay $0xe  }
0x25a: {  	s4 =	spop (v2sf)  }
0x25b: {  	s4 =	sshra.s32 s4, $0xE  }
0x25c: {  	s4 =	ssub.s32 s4, s8  }
0x25d: {  	s4 =	sadd.s32 $0x100, s4  }
0x25e: {  	v17 =	vadd.s32 s4, v11  }
0x25f: {  	v18 =	vadd.s32 s4, v13  }
0x260: {  	v19 =	vadd.s32 s4, v14  }
.Ltmp43:
0x261: {  	v16 =	vadd.s32 s4, v15;
	(pc) =	sbr.rel @p2 .LBB2_66-.Ltmp43, $4  }
0x262: {  	_ = 	snop  }
0x263: {  	[tilespmem:v17+s28+$0x0] =	vst.idx.msk $0xffff, v12  }
0x264: {  	[tilespmem:v18+s28+$0x0] =	vst.idx.msk $0xffff, v12  }
0x265: {  	[tilespmem:v19+s28+$0x0] =	vst.idx.msk $0xffff, v12  }
0x266: {  	s10 =	smov.u32 s15  }
.LBB2_68:
0x267: {  	_ =	sdelay $0x3  }
0x268: {  	s1 =	sand.u32 $0xFFFFFFF0, s10;
	[tilespmem:v16+s28+$0x0] =	vst.idx.msk @p1 $0xffff, v12  }
0x269: {  	v16 =	vld [tilespmem:s1+$0xFD00];
	_ =	sdelay $0x1  }
0x26a: {  	s25 =	sand.u32 $0xF, s10  }
0x26b: {  	v17 =	vmov s25  }
0x26c: {  	vm8 =	veq.s32 v17, v2  }
0x26d: {  	v16 =	vnsel vm8, $0x0, v16  }
0x26e: {  	(xrf0) =	vadd.scan.msk.s32 $0xffff, v16;
	_ =	sdelay $0x5  }
0x26f: {  	v16, _, _ =	vpop (xrf0)  }
0x270: {  	(v2sf) =	vpush v16, $0xF;
	_ =	sdelay $0xe  }
0x271: {  	s29 =	spop (v2sf)  }
0x272: {  	s1 =	sshra.s32 s29, $0xE  }
0x273: {  	s1 =	ssub.s32 s1, s8  }
0x274: {  	s1 =	sadd.s32 $0x100, s1  }
0x275: {  	v16 =	vadd.s32 s1, v11  }
0x276: {  	v17 =	vadd.s32 s1, v13  }
0x277: {  	v18 =	vadd.s32 s1, v14  }
0x278: {  	v19 =	vadd.s32 s1, v15;
	_ =	sdelay $0x1  }
0x279: {  	[tilespmem:v16+s28+$0x0] =	vst.idx.msk $0xffff, v12  }
0x27a: {  	[tilespmem:v17+s28+$0x0] =	vst.idx.msk $0xffff, v12  }
0x27b: {  	[tilespmem:v18+s28+$0x0] =	vst.idx.msk $0xffff, v12  }
0x27c: {  	[tilespmem:v19+s28+$0x0] =	vst.idx.msk $0xffff, v12  }
.LBB2_69:
0x27d: {  	p1 =	sle.s32 s30, s31  }
.Ltmp44:
0x27e: {  	_ = 	snop;
	(pc) =	sbr.rel @p1 .LBB2_75-.Ltmp44, $1  }
0x27f: {  	_ =	sdelay $0x3  }
0x280: {  	s1 =	ssub.s32 s30, s31  }
0x281: {  	p1 =	seq.s32 s1, $0x1  }
.Ltmp45:
0x282: {  	_ = 	snop;
	(pc) =	sbr.rel @p1 .LBB2_72-.Ltmp45, $3  }
0x283: {  	_ =	sdelay $0x1  }
0x284: {  	_ =	swait.ge [sflag:s26], $0x80  }
0x285: {  	s1 =	sadd.s32 $0xFFFFFFFF, s1;
	[sflag:s26] =	ssyncset.done $0x0  }
.LBB2_71:
0x286: {  	p1 =	seq.s32 s1, $0x1;
	s1 =	sadd.s32 $0xFFFFFFFF, s1;
	[sflag:s26] =	ssyncadd.s32 $0xFFFFFF80  }
.Ltmp46:
0x287: {  	(pc) =	sbr.rel @!p1 .LBB2_71-.Ltmp46, $3  }
0x288: {  	_ =	sdelay $0x1  }
0x289: {  	_ =	swait.ge [sflag:s26], $0x80  }
0x28a: {  	[sflag:s26] =	ssyncset.done $0x0  }
.LBB2_72:
0x28b: {  	s10 =	sadd.s32 $0x1, s31  }
0x28c: {  	p2 =	sne.s32 s30, s10  }
.Ltmp47:
0x28d: {  	_ = 	snop;
	(pc) =	sbr.rel @!p2 .LBB2_78-.Ltmp47, $3  }
0x28e: {  	_ =	sdelay $0x1  }
0x28f: {  	[sflag:s26] =	ssyncadd.s32 $0xFFFFFF80;
	s1 =	sshll.u32 s3, $0x7;
	s3 =	simm.s32 $0x1BD20  }
0x290: {  	p1 =	por $0x0, $0x0;
	s4 =	smov.u32 s31;
	s8 =	simm.s32 $0x1BD20  }
0x291: {  	s4 =	sand.u32 $0xFFFFFFF0, s31  }
0x292: {  	v16 =	vld [tilespmem:s4+$0xFD00];
	_ =	sdelay $0x1  }
0x293: {  	s25 =	sand.u32 $0xF, s31  }
0x294: {  	v17 =	vmov s25  }
0x295: {  	vm8 =	veq.s32 v17, v2  }
0x296: {  	v16 =	vnsel vm8, $0x0, v16  }
0x297: {  	(xrf0) =	vadd.scan.msk.s32 $0xffff, v16;
	_ =	sdelay $0x5  }
0x298: {  	v16, _, _ =	vpop (xrf0)  }
0x299: {  	(v2sf) =	vpush v16, $0xF;
	_ =	sdelay $0xe  }
0x29a: {  	s29 =	spop (v2sf)  }
0x29b: {  	v16 =	vld [tilespmem:s3+$0xFFFFFFE0];
	s4 =	sshra.s32 s29, $0xE  }
0x29c: {  	s4 =	ssub.s32 s4, s1  }
0x29d: {  	v17 =	vadd.s32 s4, v11;
	_ =	sdelay $0x2  }
0x29e: {  	v16 =	vmul.f32 $1.000000010e-01, v16;
	_ =	sdelay $0x1  }
0x29f: {  	[tilespmem:v17+s28+$0x0] =	vst.idx.msk $0xffff, v16  }
0x2a0: {  	v16 =	vld [tilespmem:s3+$0xFFFFFFF0];
	_ =	sdelay $0x1  }
0x2a1: {  	v17 =	vadd.s32 s4, v13;
	_ =	sdelay $0x2  }
0x2a2: {  	v16 =	vmul.f32 $1.000000010e-01, v16;
	_ =	sdelay $0x1  }
0x2a3: {  	[tilespmem:v17+s28+$0x0] =	vst.idx.msk $0xffff, v16  }
0x2a4: {  	v16 =	vld [tilespmem:s3+$0x0];
	_ =	sdelay $0x1  }
0x2a5: {  	v17 =	vadd.s32 s4, v14;
	_ =	sdelay $0x2  }
0x2a6: {  	v16 =	vmul.f32 $1.000000010e-01, v16;
	_ =	sdelay $0x1  }
0x2a7: {  	s15 =	sadd.s32 $0x1, s10;
	[tilespmem:v17+s28+$0x0] =	vst.idx.msk $0xffff, v16  }
0x2a8: {  	p2 =	sne.s32 s30, s15;
	v17 =	vld [tilespmem:s3+$0x10]  }
.Ltmp48:
0x2a9: {  	_ = 	snop;
	(pc) =	sbr.rel @!p2 .LBB2_74-.Ltmp48, $2  }
0x2aa: {  	v16 =	vadd.s32 s4, v15;
	_ =	sdelay $0x2  }
0x2ab: {  	p1 =	por $0x1, $0x1;
	s8 =	simm.s32 $0x1BD20;
	v17 =	vmul.f32 $1.000000010e-01, v17  }
.LBB2_76:
0x2ac: {  	s4 =	sand.u32 $0xFFFFFFF0, s10  }
0x2ad: {  	s8 =	sadd.s32 $0x80, s8;
	s24 =	smov.u32 s15;
	s15 =	sadd.s32 $0x1, s15;
	[tilespmem:v16+s28+$0x0] =	vst.idx.msk $0xffff, v17  }
0x2ae: {  	p2 =	sne.s32 s30, s15;
	v16 =	vld [tilespmem:s4+$0xFD00];
	_ =	sdelay $0x1  }
0x2af: {  	s4 =	sand.u32 $0xF, s10;
	s10 =	smov.u32 s24  }
0x2b0: {  	v17 =	vmov s4  }
0x2b1: {  	vm8 =	veq.s32 v17, v2  }
0x2b2: {  	v16 =	vnsel vm8, $0x0, v16  }
0x2b3: {  	(xrf0) =	vadd.scan.msk.s32 $0xffff, v16;
	_ =	sdelay $0x5  }
0x2b4: {  	v16, _, _ =	vpop (xrf0)  }
0x2b5: {  	(v2sf) =	vpush v16, $0xF;
	_ =	sdelay $0xe  }
0x2b6: {  	s4 =	spop (v2sf)  }
0x2b7: {  	s4 =	sshra.s32 s4, $0xE;
	v16 =	vld [tilespmem:s8+$0xFFFFFFE0]  }
0x2b8: {  	s4 =	ssub.s32 s4, s1  }
0x2b9: {  	v17 =	vadd.s32 s4, v11;
	_ =	sdelay $0x2  }
0x2ba: {  	v16 =	vmul.f32 $1.000000010e-01, v16;
	_ =	sdelay $0x1  }
0x2bb: {  	[tilespmem:v17+s28+$0x0] =	vst.idx.msk $0xffff, v16  }
0x2bc: {  	v16 =	vld [tilespmem:s8+$0xFFFFFFF0];
	_ =	sdelay $0x1  }
0x2bd: {  	v17 =	vadd.s32 s4, v13;
	_ =	sdelay $0x2  }
0x2be: {  	v16 =	vmul.f32 $1.000000010e-01, v16;
	_ =	sdelay $0x1  }
0x2bf: {  	[tilespmem:v17+s28+$0x0] =	vst.idx.msk $0xffff, v16  }
0x2c0: {  	v16 =	vld [tilespmem:s8+$0x0];
	_ =	sdelay $0x1  }
0x2c1: {  	v17 =	vadd.s32 s4, v14;
	_ =	sdelay $0x2  }
0x2c2: {  	v16 =	vmul.f32 $1.000000010e-01, v16;
	_ =	sdelay $0x1  }
0x2c3: {  	[tilespmem:v17+s28+$0x0] =	vst.idx.msk $0xffff, v16  }
0x2c4: {  	v17 =	vld [tilespmem:s8+$0x10]  }
.Ltmp49:
0x2c5: {  	(pc) =	sbr.rel @p2 .LBB2_76-.Ltmp49, $2  }
0x2c6: {  	v16 =	vadd.s32 s4, v15;
	_ =	sdelay $0x2  }
0x2c7: {  	v17 =	vmul.f32 $1.000000010e-01, v17  }
0x2c8: {  	s4 =	smov.u32 s10  }
.LBB2_78:
0x2c9: {  	_ =	sdelay $0x3  }
0x2ca: {  	s10 =	sand.u32 $0xFFFFFFF0, s4;
	[tilespmem:v16+s28+$0x0] =	vst.idx.msk @p1 $0xffff, v17  }
0x2cb: {  	v16 =	vld [tilespmem:s10+$0xFD00];
	_ =	sdelay $0x1  }
0x2cc: {  	s24 =	sand.u32 $0xF, s4  }
0x2cd: {  	v17 =	vmov s24  }
0x2ce: {  	vm8 =	veq.s32 v17, v2  }
0x2cf: {  	v16 =	vnsel vm8, $0x0, v16  }
0x2d0: {  	(xrf0) =	vadd.scan.msk.s32 $0xffff, v16;
	_ =	sdelay $0x5  }
0x2d1: {  	v16, _, _ =	vpop (xrf0)  }
0x2d2: {  	(v2sf) =	vpush v16, $0xF;
	_ =	sdelay $0xd  }
0x2d3: {  	s4 =	sadd.s32 @p1 $0x80, s8  }
0x2d4: {  	s3 =	smov.u32 @p1 s4;
	s25 =	spop (v2sf)  }
0x2d5: {  	v16 =	vld [tilespmem:s3+$0xFFFFFFE0];
	s29 =	sshra.s32 s25, $0xE  }
0x2d6: {  	s4 =	ssub.s32 s29, s1  }
0x2d7: {  	v17 =	vadd.s32 s4, v11;
	_ =	sdelay $0x2  }
0x2d8: {  	v16 =	vmul.f32 $1.000000010e-01, v16;
	_ =	sdelay $0x1  }
0x2d9: {  	[tilespmem:v17+s28+$0x0] =	vst.idx.msk $0xffff, v16  }
0x2da: {  	v16 =	vld [tilespmem:s3+$0xFFFFFFF0];
	_ =	sdelay $0x1  }
0x2db: {  	v17 =	vadd.s32 s4, v13;
	_ =	sdelay $0x2  }
0x2dc: {  	v16 =	vmul.f32 $1.000000010e-01, v16;
	_ =	sdelay $0x1  }
0x2dd: {  	[tilespmem:v17+s28+$0x0] =	vst.idx.msk $0xffff, v16  }
0x2de: {  	v16 =	vld [tilespmem:s3+$0x0];
	_ =	sdelay $0x1  }
0x2df: {  	v17 =	vadd.s32 s4, v14;
	_ =	sdelay $0x2  }
0x2e0: {  	v16 =	vmul.f32 $1.000000010e-01, v16;
	_ =	sdelay $0x1  }
0x2e1: {  	[tilespmem:v17+s28+$0x0] =	vst.idx.msk $0xffff, v16  }
0x2e2: {  	v16 =	vld [tilespmem:s3+$0x10];
	_ =	sdelay $0x1  }
0x2e3: {  	v17 =	vadd.s32 s4, v15  }
.Ltmp50:
0x2e4: {  	_ = 	snop;
	(pc) =	sbr.rel .LBB2_79-.Ltmp50, $3  }
0x2e5: {  	_ = 	snop  }
0x2e6: {  	v16 =	vmul.f32 $1.000000010e-01, v16;
	_ =	sdelay $0x1  }
0x2e7: {  	[tilespmem:v17+s28+$0x0] =	vst.idx.msk $0xffff, v16  }
.LBB2_56:
0x2e8: {  	s2 =	sshll.u32 s3, $0x7  }
.LBB2_60:
.Ltmp51:
0x2e9: {  	s2 =	sadd.s32 s5, s2;
	(pc) =	sbr.rel .LBB2_80-.Ltmp51, $4  }
0x2ea: {  	s3 =	rddreg [dreg:$0x4];
	s2 =	sand.u32 $0x1FFFFF00, s2  }
0x2eb: {  	s2 =	sadd.s32 s3, s2  }
0x2ec: {  	[hbm4b:s2+s22] =	stream.strided.scatter [tilespmem:s21], [sflag:$0x1], $0x2000, s23, s22, $0x38;
	[tilespmem:$0x1FD00] =	vst v63  }
0x2ed: {  	s11 =	smov.u32 s31;
	s2 =	smov.u32 s30  }
.LBB2_33:
.Ltmp52:
0x2ee: {  	(pc) =	sbr.rel .LBB2_37-.Ltmp52, $2  }
0x2ef: {  	_ =	sdelay $0x2  }
0x2f0: {  	s15 =	smov.u32 s30;
	s29 =	simm.s32 $0x1BD00  }
.LBB2_22:
.Ltmp53:
0x2f1: {  	(pc) =	sbr.rel .LBB2_26-.Ltmp53, $2  }
0x2f2: {  	_ =	sdelay $0x2  }
0x2f3: {  	s15 =	smov.u32 s30;
	s29 =	simm.s32 $0x17D00  }
.LBB2_35:
.Ltmp54:
0x2f4: {  	(pc) =	sbr.rel .LBB2_37-.Ltmp54, $2  }
0x2f5: {  	_ =	sdelay $0x2  }
0x2f6: {  	s29 =	simm.s32 $0x1BD00  }
.LBB2_24:
.Ltmp55:
0x2f7: {  	(pc) =	sbr.rel .LBB2_26-.Ltmp55, $2  }
0x2f8: {  	_ =	sdelay $0x2  }
0x2f9: {  	s29 =	simm.s32 $0x17D00  }
.LBB2_55:
.Ltmp56:
0x2fa: {  	(pc) =	sbr.rel .LBB2_59-.Ltmp56, $2  }
0x2fb: {  	_ =	sdelay $0x2  }
0x2fc: {  	s4 =	smov.u32 s11;
	s8 =	simm.s32 $0x17D20  }
.LBB2_74:
.Ltmp57:
0x2fd: {  	(pc) =	sbr.rel .LBB2_78-.Ltmp57, $2  }
0x2fe: {  	_ =	sdelay $0x2  }
0x2ff: {  	s4 =	smov.u32 s10;
	s8 =	simm.s32 $0x1BD20  }
.LBB2_44:
.Ltmp58:
0x300: {  	(pc) =	sbr.rel .LBB2_49-.Ltmp58, $2  }
0x301: {  	_ =	sdelay $0x2  }
0x302: {  	_ = 	snop  }
.LBB2_63:
.Ltmp59:
0x303: {  	(pc) =	sbr.rel .LBB2_68-.Ltmp59, $2  }
0x304: {  	_ =	sdelay $0x2  }
0x305: {  	_ = 	snop  }
.LBB2_46:
.Ltmp60:
0x306: {  	(pc) =	sbr.rel .LBB2_49-.Ltmp60, $2  }
0x307: {  	_ =	sdelay $0x2  }
0x308: {  	s11 =	smov.u32 s15  }
.LBB2_65:
.Ltmp61:
0x309: {  	(pc) =	sbr.rel .LBB2_68-.Ltmp61, $2  }
0x30a: {  	_ =	sdelay $0x2  }
0x30b: {  	s10 =	smov.u32 s15  }
.LBB2_6:
.Ltmp62:
0x30c: {  	(pc) =	sbr.rel .LBB2_11-.Ltmp62, $2  }
0x30d: {  	_ =	sdelay $0x2  }
0x30e: {  	s3 =	simm.s32 $0xBE80  }
.LBB2_8:
.Ltmp63:
0x30f: {  	(pc) =	sbr.rel .LBB2_11-.Ltmp63, $2  }
0x310: {  	_ =	sdelay $0x2  }
0x311: {  	s2 =	simm.s32 $0x10;
	s3 =	simm.s32 $0xBE80  }
.LBB2_13:
.Ltmp64:
0x312: {  	(pc) =	sbr.rel .LBB2_17-.Ltmp64, $2  }
0x313: {  	_ =	sdelay $0x2  }
0x314: {  	s2 =	simm.s32 $0x17D00  }
.LBB2_15:
.Ltmp65:
0x315: {  	(pc) =	sbr.rel .LBB2_17-.Ltmp65, $2  }
0x316: {  	_ =	sdelay $0x2  }
0x317: {  	s2 =	simm.s32 $0x17D00  }
.LBB2_82:
0x318: {  	_ =	sfence.sel $0x180000  }
0x319: {  	[bflag:$0x0] =	sbarrier.arrive $0xFFFF  }
0x31a: {  	_ =	strace $0x90000047  }
0x31b: {  	s0 =	stileid.u32;
	[bflag:$0x2] =	sbarrier.arrive $0xFFFF  }
0x31c: {  	p0 =	sne.s32 s0, $0x0;
	s0 =	rddreg [dreg:$0x5]  }
0x31d: {  	s0 =	sadd.s32 @!p0 $0x100000, s0  }
0x31e: {  	[sflag:s0] =	ssyncadd.tile.s32 @!p0 $0x1;
	_ =	shalt  }
.Lfunc_end2:
_tile_overlayer_lowered:
.L_overlay_start_2:
0x31f: {  	(tag) =	ssettag $0x2  }
0x320: {  	s0 =	rddreg [dreg:$0x0];
	s2 =	stileid.u32  }
0x321: {  	s1 =	rddreg [dreg:$0x1];
	p0 =	sne.s32 s2, $0x0  }
0x322: {  	s3 =	rddreg [dreg:$0x2];
	[bflag:$0x3] =	sbarrier.arrive $0xFFFF;
	s2 =	simm.s32 @!p0 $0x1C05  }
0x323: {  	[timem:s3], [sflag:s2] =	dma.local @!p0 [hbm:s0], s1  }
0x324: {  	s0 =	simm.s32 @!p0 $0x5  }
0x325: {  	_ =	swait.ge @!p0 [sflag:s0], s1  }
0x326: {  	s1 =	ssub.s32 @!p0 $0x0, s1;
	[sflag:s0] =	ssyncset.done @!p0 $0x0  }
0x327: {  	[sflag:s0] =	ssyncadd.s32 @!p0 s1  }
0x328: {  	[bflag:$0x3] =	sbarrier.arrive $0xFFFF  }
0x329: {  	_ =	shalt  }

</sc_bundles>
